<compile_context>
chip_gen: v7x
topology: tpu7x:2x2x1
jax: 0.10.2.dev20260603
libtpu: 0.0.44.dev20260713+nightly
codegen_flags: <defaults>
</compile_context>

<pallas_src>
import functools

import jax
import jax.numpy as jnp
from jax import lax
from jax.experimental import pallas as pl
from jax.experimental.pallas import tpu as pltpu
from jax.experimental.pallas import tpu_sc as plsc

D = 192
DD = D * D
N = D * DD
ROWS = N // 128

BR = 512

TILES = 16
PER_TILE = N // TILES
CHUNK_E = 6144
NCHUNK = PER_TILE // CHUNK_E
NP = 6
FILL_IT = CHUNK_E // 16

NSEC = 4
QN = N // NSEC
QSH = QN + 128
QPT = QN // TILES


def _tc_idx_body(qp_ref, x_ref, idx_ref, *, s0):
    w = qp_ref[0]
    qx = qp_ref[1]
    qy = qp_ref[2]
    qz = qp_ref[3]

    r0 = pl.program_id(0) * BR
    lane = lax.broadcasted_iota(jnp.int32, (BR, 128), 1)
    f = (r0 + lax.broadcasted_iota(jnp.int32, (BR, 128), 0)) * 128 + lane
    ci = lax.shift_right_logical(lax.shift_right_logical(f, 12) * 58255, 19)
    rem = f - ci * DD
    cj = lax.shift_right_logical(lax.shift_right_logical(rem, 6) * 43691, 17)
    ck = rem - cj * D

    cx = ci.astype(jnp.float32)
    cy = cj.astype(jnp.float32)
    cz = ck.astype(jnp.float32)

    cqw = ((0.0 - qx * cx) - qy * cy) - qz * cz
    cqx = (w * cx + qy * cz) - qz * cy
    cqy = (w * cy + qz * cx) - qx * cz
    cqz = (w * cz + qx * cy) - qy * cx
    nqx = -qx
    nqy = -qy
    nqz = -qz
    rqx = (cqw * nqx + cqx * w + cqy * nqz) - cqz * nqy
    rqy = (cqw * nqy + cqy * w + cqz * nqx) - cqx * nqz
    rqz = (cqw * nqz + cqz * w + cqx * nqy) - cqy * nqx

    ri0 = rqx.astype(jnp.int32)
    ri1 = rqy.astype(jnp.int32)
    ri2 = rqz.astype(jnp.int32)
    valid = ((ri0 >= 0) & (ri0 < D) & (ri1 >= 0) & (ri1 < D)
             & (ri2 >= 0) & (ri2 < D) & (x_ref[...] != 0.0))
    t = ri0 * DD + ri1 * D + ri2
    dummy = QN + lane
    for si in range(2):
        base = (s0 + si) * QN
        ts = t - base
        live = valid & (ts >= 0) & (ts < QN)
        idx_ref[si] = jnp.where(live, ts, dummy)


def _tc_idx(qp, x2d, s0):
    return pl.pallas_call(
        functools.partial(_tc_idx_body, s0=s0),
        grid=(ROWS // BR,),
        in_specs=[
            pl.BlockSpec(memory_space=pltpu.SMEM),
            pl.BlockSpec((BR, 128), lambda i: (i, 0)),
        ],
        out_specs=pl.BlockSpec((2, BR, 128), lambda i: (0, i, 0)),
        out_shape=jax.ShapeDtypeStruct((2, ROWS, 128), jnp.int32),
        compiler_params=pltpu.CompilerParams(
            dimension_semantics=("arbitrary",)),
    )(qp, x2d)


_SC_MESH = plsc.VectorSubcoreMesh(
    core_axis_name="c", subcore_axis_name="s", num_cores=2)


@functools.partial(
    pl.kernel,
    out_type=jax.ShapeDtypeStruct((2 * QN,), jnp.float32),
    mesh=_SC_MESH,
    scratch_types=[
        pltpu.VMEM((CHUNK_E,), jnp.int32),
        pltpu.VMEM((CHUNK_E,), jnp.int32),
        pltpu.VMEM((CHUNK_E,), jnp.float32),
        pltpu.VMEM_SHARED((QSH,), jnp.float32),
        pltpu.SemaphoreType.DMA,
        pltpu.SemaphoreType.DMA,
    ],
)
def _sc_scatter(idx_hbm, out_hbm, ib0, ib1, fbuf, shared, sem0, sem1):
    cid = lax.axis_index("c")
    sid = lax.axis_index("s")

    def _fill(val):
        def body(q, carry):
            fbuf[pl.ds(q * 16, 16)] = jnp.full((16,), val, jnp.float32)
            return carry
        lax.fori_loop(0, FILL_IT, body, 0)

    tilebase = sid * PER_TILE
    outbase = cid * QN
    idxbase = cid * N + tilebase

    _fill(0.0)
    for z in range(QPT // CHUNK_E):
        pltpu.sync_copy(
            fbuf, shared.at[pl.ds(sid * QPT + z * CHUNK_E, CHUNK_E)])
    plsc.subcore_barrier()

    if True:

        _fill(1.0)
        bufs = (ib0, ib1)
        sems = (sem0, sem1)

        def gbody(g, carry):
            gb = idxbase + g * (NP * CHUNK_E)
            pltpu.sync_copy(idx_hbm.at[pl.ds(gb, CHUNK_E)], bufs[0])
            hs = [None,
                  pltpu.async_copy(
                      idx_hbm.at[pl.ds(gb + CHUNK_E, CHUNK_E)],
                      bufs[1], sems[1])]
            for u in range(NP):
                b = u % 2
                if hs[b] is not None:
                    hs[b].wait()
                    hs[b] = None
                pltpu.sync_copy(fbuf, shared.at[bufs[b]])
                if u + 2 < NP:
                    hs[b] = pltpu.async_copy(
                        idx_hbm.at[pl.ds(gb + (u + 2) * CHUNK_E, CHUNK_E)],
                        bufs[b], sems[b])
            return carry
        lax.fori_loop(0, NCHUNK // NP, gbody, 0)
        plsc.subcore_barrier()

        for z in range(QPT // CHUNK_E):
            off = sid * QPT + z * CHUNK_E
            pltpu.sync_copy(shared.at[pl.ds(off, CHUNK_E)],
                            out_hbm.at[pl.ds(outbase + off, CHUNK_E)])
        plsc.subcore_barrier()


@jax.jit
def kernel(x, axis, theta):
    sin_half = jnp.sin(theta / 2.0)
    cos_half = jnp.cos(theta / 2.0)
    qp = jnp.concatenate(
        (jnp.reshape(cos_half, (1,)), axis * sin_half)).astype(jnp.float32)
    x2d = x.reshape(ROWS, 128)
    idx0 = _tc_idx(qp, x2d, 0)
    idx1 = _tc_idx(qp, x2d, 2)
    out0 = _sc_scatter(idx0.reshape(2 * N))
    out1 = _sc_scatter(idx1.reshape(2 * N))
    return jnp.concatenate((out0, out1)).reshape(D, D, D)

# --- scband reference (transcript-rebuilt; emitter-appended) ---
"""Pipeline reference for scband-quaternion-rotation-69896297775471 (READ-ONLY COPY).

The authoritative reference and input builder live on the scoring server;
editing this copy changes nothing except your own understanding.
"""

import jax, jax.numpy as jnp
import numpy as np


def _mul_quat(q1, q2):
    w1, x1, y1, z1 = q1[..., 0], q1[..., 1], q1[..., 2], q1[..., 3]
    w2, x2, y2, z2 = q2[..., 0], q2[..., 1], q2[..., 2], q2[..., 3]
    w = w1 * w2 - x1 * x2 - y1 * y2 - z1 * z2
    x = w1 * x2 + x1 * w2 + y1 * z2 - z1 * y2
    y = w1 * y2 + y1 * w2 + z1 * x2 - x1 * z2
    z = w1 * z2 + z1 * w2 + x1 * y2 - y1 * x2
    return jnp.stack((w, x, y, z), axis=-1)


def setup_inputs(seed: int = 0) -> dict:
    key = jax.random.key(seed)
    k1, _ = jax.random.split(key)
    x = jax.random.randint(k1, (192, 192, 192), 0, 2).astype(jnp.float32)
    axis = jnp.array([0.5773502691896258, 0.5773502691896258, 0.5773502691896258], dtype=jnp.float32)
    theta = jnp.array(0.5235987755982988, dtype=jnp.float32)
    return {"x": x, "axis": axis, "theta": theta}


def reference(x, axis, theta):
    # training-mode path: axis-angle -> quaternion, rotate occupied voxels, scatter into new grid
    sin_half = jnp.sin(theta / 2.0)
    cos_half = jnp.cos(theta / 2.0)
    q = jnp.concatenate((jnp.reshape(cos_half, (1,)), axis * sin_half), axis=0)
    q_conj = q * jnp.array([1.0, -1.0, -1.0, -1.0], dtype=q.dtype)

    d0, d1, d2 = x.shape
    ii, jj, kk = jnp.meshgrid(jnp.arange(d0), jnp.arange(d1), jnp.arange(d2), indexing="ij")
    coords = jnp.stack((ii, jj, kk), axis=-1).reshape(-1, 3).astype(jnp.float32)  # [N, 3]
    coords4 = jnp.concatenate((jnp.zeros((coords.shape[0], 1), dtype=coords.dtype), coords), axis=1)
    cq = _mul_quat(q, coords4)
    rq = _mul_quat(cq, q_conj)
    rot = rq[:, 1:]
    rot_i = rot.astype(jnp.int32)  # truncation toward zero, matches torch .long() on non-negative-ish floats
    in_bounds = jnp.all((rot_i >= 0) & (rot_i < x.shape[1]), axis=1)
    occupied = x.reshape(-1) != 0
    vals = (occupied & in_bounds).astype(x.dtype)
    bounds = jnp.array([d0 - 1, d1 - 1, d2 - 1], dtype=rot_i.dtype)
    idx = jnp.clip(rot_i, 0, bounds)
    rotated = jnp.zeros_like(x).at[idx[:, 0], idx[:, 1], idx[:, 2]].max(vals)
    return rotated

if __name__ == "__main__":
    import jax
    _d = setup_inputs()
    print(jax.jit(kernel)(*tuple(_d.values())))

</pallas_src>

<mosaic_0001>
#map = affine_map<(d0, d1) -> (0)>
module attributes {stable_mosaic.version = 14 : i64} {
  func.func @_sc_scatter(%arg0: i32, %arg1: i32, %arg2: memref<14155776xi32, #tpu.memory_space<hbm>>, %arg3: memref<3538944xf32, #tpu.memory_space<hbm>>, %arg4: memref<6144xi32, #tpu.memory_space<vmem>>, %arg5: memref<6144xi32, #tpu.memory_space<vmem>>, %arg6: memref<6144xf32, #tpu.memory_space<vmem>>, %arg7: memref<1769600xf32, #tpu.memory_space<vmem_shared>>, %arg8: memref<!tpu.dma_semaphore, #tpu.memory_space<semaphore_mem>>, %arg9: memref<!tpu.dma_semaphore, #tpu.memory_space<semaphore_mem>>) attributes {dimension_semantics = [#tpu.dimension_semantics<core_parallel>, #tpu.dimension_semantics<subcore_parallel>], iteration_bounds = array<i64: 2, 16>, scalar_prefetch = 0 : i64, scratch_operands = 6 : i64, tpu.core_type = #tpu.core_type<sc_vector_subcore>, window_params = [{transform_indices = #map}, {transform_indices = #map}]} {
    %mul3A = arith.constant 442368 : i32
    %mul3A_0 = arith.muli %arg1, %mul3A : i32
    %mul3A_1 = arith.constant 1769472 : i32
    %mul3A_2 = arith.muli %arg0, %mul3A_1 : i32
    %mul3A_3 = arith.constant 7077888 : i32
    %mul3A_4 = arith.muli %arg0, %mul3A_3 : i32
    %add3A = arith.addi %mul3A_4, %mul3A_0 : i32
    %scan3A = arith.constant 0 : i32
    %scan3A_5 = arith.constant 0 : i32
    %scan3A_6 = arith.constant 384 : i32
    %scan3A_7 = arith.addi %scan3A_5, %scan3A_6 : i32
    %scan3A_8 = arith.constant 1 : i32
    scf.for %scan3A_186 = %scan3A_5 to %scan3A_7 step %scan3A_8  : i32 {
      %broadcast_in_dim3A = arith.constant 0.000000e+00 : f32
      %broadcast_in_dim3A_187 = vector.broadcast %broadcast_in_dim3A : f32 to vector<16xf32>
      %mul3A_188 = arith.constant 16 : i32
      %mul3A_189 = arith.muli %scan3A_186, %mul3A_188 : i32
      %swap3A = arith.index_cast %mul3A_189 : i32 to index
      %swap3A_190 = tpu.vector_load %arg6[%swap3A] {strides = array<i32>} : memref<6144xf32, #tpu.memory_space<vmem>>, vector<16xf32>,
      %swap3A_191 = vector.shape_cast %swap3A_190 : vector<16xf32> to vector<16xf32>
      %swap3A_192 = vector.shape_cast %broadcast_in_dim3A_187 : vector<16xf32> to vector<16xf32>
      tpu.vector_store %arg6[%swap3A], %swap3A_192 {strides = array<i32>} : memref<6144xf32, #tpu.memory_space<vmem>>, vector<16xf32>,
    }
    %scan3A_9 = arith.constant 384 : i32
    %mul3A_10 = arith.constant 110592 : i32
    %mul3A_11 = arith.muli %arg1, %mul3A_10 : i32
    %add3A_12 = arith.constant 0 : i32
    %add3A_13 = arith.addi %mul3A_11, %add3A_12 : i32
    "tpu.region"() ({
      %run_scoped3A = tpu.sem_alloc : memref<!tpu.dma_semaphore, #tpu.memory_space<semaphore_mem>>
      %dma_start3A = tpu.memref_slice %arg7[%add3A_13] : memref<1769600xf32, #tpu.memory_space<vmem_shared>> -> memref<6144xf32, #tpu.memory_space<vmem_shared>>
      %dma_start3A_186 = tpu.memref_slice %arg7[%add3A_13] : memref<1769600xf32, #tpu.memory_space<vmem_shared>> -> memref<6144xf32, #tpu.memory_space<vmem_shared>>
      tpu.enqueue_dma source(%arg6 : memref<6144xf32, #tpu.memory_space<vmem>>) target(%dma_start3A_186 : memref<6144xf32, #tpu.memory_space<vmem_shared>>) target_semaphore(%run_scoped3A : memref<!tpu.dma_semaphore, #tpu.memory_space<semaphore_mem>>)
      %dma_wait3A = tpu.memref_slice %arg7[%add3A_13] : memref<1769600xf32, #tpu.memory_space<vmem_shared>> -> memref<6144xf32, #tpu.memory_space<vmem_shared>>
      %dma_wait3A_187 = tpu.memref_slice %arg7[%add3A_13] : memref<1769600xf32, #tpu.memory_space<vmem_shared>> -> memref<6144xf32, #tpu.memory_space<vmem_shared>>
      tpu.wait_dma2 semaphore(%run_scoped3A : memref<!tpu.dma_semaphore, #tpu.memory_space<semaphore_mem>>) src(%arg6 : memref<6144xf32, #tpu.memory_space<vmem>>) dst(%dma_wait3A_187 : memref<6144xf32, #tpu.memory_space<vmem_shared>>)
      tpu.yield
    }) : () -> ()
    %mul3A_14 = arith.constant 110592 : i32
    %mul3A_15 = arith.muli %arg1, %mul3A_14 : i32
    %add3A_16 = arith.constant 6144 : i32
    %add3A_17 = arith.addi %mul3A_15, %add3A_16 : i32
    "tpu.region"() ({
      %run_scoped3A = tpu.sem_alloc : memref<!tpu.dma_semaphore, #tpu.memory_space<semaphore_mem>>
      %dma_start3A = tpu.memref_slice %arg7[%add3A_17] : memref<1769600xf32, #tpu.memory_space<vmem_shared>> -> memref<6144xf32, #tpu.memory_space<vmem_shared>>
      %dma_start3A_186 = tpu.memref_slice %arg7[%add3A_17] : memref<1769600xf32, #tpu.memory_space<vmem_shared>> -> memref<6144xf32, #tpu.memory_space<vmem_shared>>
      tpu.enqueue_dma source(%arg6 : memref<6144xf32, #tpu.memory_space<vmem>>) target(%dma_start3A_186 : memref<6144xf32, #tpu.memory_space<vmem_shared>>) target_semaphore(%run_scoped3A : memref<!tpu.dma_semaphore, #tpu.memory_space<semaphore_mem>>)
      %dma_wait3A = tpu.memref_slice %arg7[%add3A_17] : memref<1769600xf32, #tpu.memory_space<vmem_shared>> -> memref<6144xf32, #tpu.memory_space<vmem_shared>>
      %dma_wait3A_187 = tpu.memref_slice %arg7[%add3A_17] : memref<1769600xf32, #tpu.memory_space<vmem_shared>> -> memref<6144xf32, #tpu.memory_space<vmem_shared>>
      tpu.wait_dma2 semaphore(%run_scoped3A : memref<!tpu.dma_semaphore, #tpu.memory_space<semaphore_mem>>) src(%arg6 : memref<6144xf32, #tpu.memory_space<vmem>>) dst(%dma_wait3A_187 : memref<6144xf32, #tpu.memory_space<vmem_shared>>)
      tpu.yield
    }) : () -> ()
    %mul3A_18 = arith.constant 110592 : i32
    %mul3A_19 = arith.muli %arg1, %mul3A_18 : i32
    %add3A_20 = arith.constant 12288 : i32
    %add3A_21 = arith.addi %mul3A_19, %add3A_20 : i32
    "tpu.region"() ({
      %run_scoped3A = tpu.sem_alloc : memref<!tpu.dma_semaphore, #tpu.memory_space<semaphore_mem>>
      %dma_start3A = tpu.memref_slice %arg7[%add3A_21] : memref<1769600xf32, #tpu.memory_space<vmem_shared>> -> memref<6144xf32, #tpu.memory_space<vmem_shared>>
      %dma_start3A_186 = tpu.memref_slice %arg7[%add3A_21] : memref<1769600xf32, #tpu.memory_space<vmem_shared>> -> memref<6144xf32, #tpu.memory_space<vmem_shared>>
      tpu.enqueue_dma source(%arg6 : memref<6144xf32, #tpu.memory_space<vmem>>) target(%dma_start3A_186 : memref<6144xf32, #tpu.memory_space<vmem_shared>>) target_semaphore(%run_scoped3A : memref<!tpu.dma_semaphore, #tpu.memory_space<semaphore_mem>>)
      %dma_wait3A = tpu.memref_slice %arg7[%add3A_21] : memref<1769600xf32, #tpu.memory_space<vmem_shared>> -> memref<6144xf32, #tpu.memory_space<vmem_shared>>
      %dma_wait3A_187 = tpu.memref_slice %arg7[%add3A_21] : memref<1769600xf32, #tpu.memory_space<vmem_shared>> -> memref<6144xf32, #tpu.memory_space<vmem_shared>>
      tpu.wait_dma2 semaphore(%run_scoped3A : memref<!tpu.dma_semaphore, #tpu.memory_space<semaphore_mem>>) src(%arg6 : memref<6144xf32, #tpu.memory_space<vmem>>) dst(%dma_wait3A_187 : memref<6144xf32, #tpu.memory_space<vmem_shared>>)
      tpu.yield
    }) : () -> ()
    %mul3A_22 = arith.constant 110592 : i32
    %mul3A_23 = arith.muli %arg1, %mul3A_22 : i32
    %add3A_24 = arith.constant 18432 : i32
    %add3A_25 = arith.addi %mul3A_23, %add3A_24 : i32
    "tpu.region"() ({
      %run_scoped3A = tpu.sem_alloc : memref<!tpu.dma_semaphore, #tpu.memory_space<semaphore_mem>>
      %dma_start3A = tpu.memref_slice %arg7[%add3A_25] : memref<1769600xf32, #tpu.memory_space<vmem_shared>> -> memref<6144xf32, #tpu.memory_space<vmem_shared>>
      %dma_start3A_186 = tpu.memref_slice %arg7[%add3A_25] : memref<1769600xf32, #tpu.memory_space<vmem_shared>> -> memref<6144xf32, #tpu.memory_space<vmem_shared>>
      tpu.enqueue_dma source(%arg6 : memref<6144xf32, #tpu.memory_space<vmem>>) target(%dma_start3A_186 : memref<6144xf32, #tpu.memory_space<vmem_shared>>) target_semaphore(%run_scoped3A : memref<!tpu.dma_semaphore, #tpu.memory_space<semaphore_mem>>)
      %dma_wait3A = tpu.memref_slice %arg7[%add3A_25] : memref<1769600xf32, #tpu.memory_space<vmem_shared>> -> memref<6144xf32, #tpu.memory_space<vmem_shared>>
      %dma_wait3A_187 = tpu.memref_slice %arg7[%add3A_25] : memref<1769600xf32, #tpu.memory_space<vmem_shared>> -> memref<6144xf32, #tpu.memory_space<vmem_shared>>
      tpu.wait_dma2 semaphore(%run_scoped3A : memref<!tpu.dma_semaphore, #tpu.memory_space<semaphore_mem>>) src(%arg6 : memref<6144xf32, #tpu.memory_space<vmem>>) dst(%dma_wait3A_187 : memref<6144xf32, #tpu.memory_space<vmem_shared>>)
      tpu.yield
    }) : () -> ()
    %mul3A_26 = arith.constant 110592 : i32
    %mul3A_27 = arith.muli %arg1, %mul3A_26 : i32
    %add3A_28 = arith.constant 24576 : i32
    %add3A_29 = arith.addi %mul3A_27, %add3A_28 : i32
    "tpu.region"() ({
      %run_scoped3A = tpu.sem_alloc : memref<!tpu.dma_semaphore, #tpu.memory_space<semaphore_mem>>
      %dma_start3A = tpu.memref_slice %arg7[%add3A_29] : memref<1769600xf32, #tpu.memory_space<vmem_shared>> -> memref<6144xf32, #tpu.memory_space<vmem_shared>>
      %dma_start3A_186 = tpu.memref_slice %arg7[%add3A_29] : memref<1769600xf32, #tpu.memory_space<vmem_shared>> -> memref<6144xf32, #tpu.memory_space<vmem_shared>>
      tpu.enqueue_dma source(%arg6 : memref<6144xf32, #tpu.memory_space<vmem>>) target(%dma_start3A_186 : memref<6144xf32, #tpu.memory_space<vmem_shared>>) target_semaphore(%run_scoped3A : memref<!tpu.dma_semaphore, #tpu.memory_space<semaphore_mem>>)
      %dma_wait3A = tpu.memref_slice %arg7[%add3A_29] : memref<1769600xf32, #tpu.memory_space<vmem_shared>> -> memref<6144xf32, #tpu.memory_space<vmem_shared>>
      %dma_wait3A_187 = tpu.memref_slice %arg7[%add3A_29] : memref<1769600xf32, #tpu.memory_space<vmem_shared>> -> memref<6144xf32, #tpu.memory_space<vmem_shared>>
      tpu.wait_dma2 semaphore(%run_scoped3A : memref<!tpu.dma_semaphore, #tpu.memory_space<semaphore_mem>>) src(%arg6 : memref<6144xf32, #tpu.memory_space<vmem>>) dst(%dma_wait3A_187 : memref<6144xf32, #tpu.memory_space<vmem_shared>>)
      tpu.yield
    }) : () -> ()
    %mul3A_30 = arith.constant 110592 : i32
    %mul3A_31 = arith.muli %arg1, %mul3A_30 : i32
    %add3A_32 = arith.constant 30720 : i32
    %add3A_33 = arith.addi %mul3A_31, %add3A_32 : i32
    "tpu.region"() ({
      %run_scoped3A = tpu.sem_alloc : memref<!tpu.dma_semaphore, #tpu.memory_space<semaphore_mem>>
      %dma_start3A = tpu.memref_slice %arg7[%add3A_33] : memref<1769600xf32, #tpu.memory_space<vmem_shared>> -> memref<6144xf32, #tpu.memory_space<vmem_shared>>
      %dma_start3A_186 = tpu.memref_slice %arg7[%add3A_33] : memref<1769600xf32, #tpu.memory_space<vmem_shared>> -> memref<6144xf32, #tpu.memory_space<vmem_shared>>
      tpu.enqueue_dma source(%arg6 : memref<6144xf32, #tpu.memory_space<vmem>>) target(%dma_start3A_186 : memref<6144xf32, #tpu.memory_space<vmem_shared>>) target_semaphore(%run_scoped3A : memref<!tpu.dma_semaphore, #tpu.memory_space<semaphore_mem>>)
      %dma_wait3A = tpu.memref_slice %arg7[%add3A_33] : memref<1769600xf32, #tpu.memory_space<vmem_shared>> -> memref<6144xf32, #tpu.memory_space<vmem_shared>>
      %dma_wait3A_187 = tpu.memref_slice %arg7[%add3A_33] : memref<1769600xf32, #tpu.memory_space<vmem_shared>> -> memref<6144xf32, #tpu.memory_space<vmem_shared>>
      tpu.wait_dma2 semaphore(%run_scoped3A : memref<!tpu.dma_semaphore, #tpu.memory_space<semaphore_mem>>) src(%arg6 : memref<6144xf32, #tpu.memory_space<vmem>>) dst(%dma_wait3A_187 : memref<6144xf32, #tpu.memory_space<vmem_shared>>)
      tpu.yield
    }) : () -> ()
    %mul3A_34 = arith.constant 110592 : i32
    %mul3A_35 = arith.muli %arg1, %mul3A_34 : i32
    %add3A_36 = arith.constant 36864 : i32
    %add3A_37 = arith.addi %mul3A_35, %add3A_36 : i32
    "tpu.region"() ({
      %run_scoped3A = tpu.sem_alloc : memref<!tpu.dma_semaphore, #tpu.memory_space<semaphore_mem>>
      %dma_start3A = tpu.memref_slice %arg7[%add3A_37] : memref<1769600xf32, #tpu.memory_space<vmem_shared>> -> memref<6144xf32, #tpu.memory_space<vmem_shared>>
      %dma_start3A_186 = tpu.memref_slice %arg7[%add3A_37] : memref<1769600xf32, #tpu.memory_space<vmem_shared>> -> memref<6144xf32, #tpu.memory_space<vmem_shared>>
      tpu.enqueue_dma source(%arg6 : memref<6144xf32, #tpu.memory_space<vmem>>) target(%dma_start3A_186 : memref<6144xf32, #tpu.memory_space<vmem_shared>>) target_semaphore(%run_scoped3A : memref<!tpu.dma_semaphore, #tpu.memory_space<semaphore_mem>>)
      %dma_wait3A = tpu.memref_slice %arg7[%add3A_37] : memref<1769600xf32, #tpu.memory_space<vmem_shared>> -> memref<6144xf32, #tpu.memory_space<vmem_shared>>
      %dma_wait3A_187 = tpu.memref_slice %arg7[%add3A_37] : memref<1769600xf32, #tpu.memory_space<vmem_shared>> -> memref<6144xf32, #tpu.memory_space<vmem_shared>>
      tpu.wait_dma2 semaphore(%run_scoped3A : memref<!tpu.dma_semaphore, #tpu.memory_space<semaphore_mem>>) src(%arg6 : memref<6144xf32, #tpu.memory_space<vmem>>) dst(%dma_wait3A_187 : memref<6144xf32, #tpu.memory_space<vmem_shared>>)
      tpu.yield
    }) : () -> ()
    %mul3A_38 = arith.constant 110592 : i32
    %mul3A_39 = arith.muli %arg1, %mul3A_38 : i32
    %add3A_40 = arith.constant 43008 : i32
    %add3A_41 = arith.addi %mul3A_39, %add3A_40 : i32
    "tpu.region"() ({
      %run_scoped3A = tpu.sem_alloc : memref<!tpu.dma_semaphore, #tpu.memory_space<semaphore_mem>>
      %dma_start3A = tpu.memref_slice %arg7[%add3A_41] : memref<1769600xf32, #tpu.memory_space<vmem_shared>> -> memref<6144xf32, #tpu.memory_space<vmem_shared>>
      %dma_start3A_186 = tpu.memref_slice %arg7[%add3A_41] : memref<1769600xf32, #tpu.memory_space<vmem_shared>> -> memref<6144xf32, #tpu.memory_space<vmem_shared>>
      tpu.enqueue_dma source(%arg6 : memref<6144xf32, #tpu.memory_space<vmem>>) target(%dma_start3A_186 : memref<6144xf32, #tpu.memory_space<vmem_shared>>) target_semaphore(%run_scoped3A : memref<!tpu.dma_semaphore, #tpu.memory_space<semaphore_mem>>)
      %dma_wait3A = tpu.memref_slice %arg7[%add3A_41] : memref<1769600xf32, #tpu.memory_space<vmem_shared>> -> memref<6144xf32, #tpu.memory_space<vmem_shared>>
      %dma_wait3A_187 = tpu.memref_slice %arg7[%add3A_41] : memref<1769600xf32, #tpu.memory_space<vmem_shared>> -> memref<6144xf32, #tpu.memory_space<vmem_shared>>
      tpu.wait_dma2 semaphore(%run_scoped3A : memref<!tpu.dma_semaphore, #tpu.memory_space<semaphore_mem>>) src(%arg6 : memref<6144xf32, #tpu.memory_space<vmem>>) dst(%dma_wait3A_187 : memref<6144xf32, #tpu.memory_space<vmem_shared>>)
      tpu.yield
    }) : () -> ()
    %mul3A_42 = arith.constant 110592 : i32
    %mul3A_43 = arith.muli %arg1, %mul3A_42 : i32
    %add3A_44 = arith.constant 49152 : i32
    %add3A_45 = arith.addi %mul3A_43, %add3A_44 : i32
    "tpu.region"() ({
      %run_scoped3A = tpu.sem_alloc : memref<!tpu.dma_semaphore, #tpu.memory_space<semaphore_mem>>
      %dma_start3A = tpu.memref_slice %arg7[%add3A_45] : memref<1769600xf32, #tpu.memory_space<vmem_shared>> -> memref<6144xf32, #tpu.memory_space<vmem_shared>>
      %dma_start3A_186 = tpu.memref_slice %arg7[%add3A_45] : memref<1769600xf32, #tpu.memory_space<vmem_shared>> -> memref<6144xf32, #tpu.memory_space<vmem_shared>>
      tpu.enqueue_dma source(%arg6 : memref<6144xf32, #tpu.memory_space<vmem>>) target(%dma_start3A_186 : memref<6144xf32, #tpu.memory_space<vmem_shared>>) target_semaphore(%run_scoped3A : memref<!tpu.dma_semaphore, #tpu.memory_space<semaphore_mem>>)
      %dma_wait3A = tpu.memref_slice %arg7[%add3A_45] : memref<1769600xf32, #tpu.memory_space<vmem_shared>> -> memref<6144xf32, #tpu.memory_space<vmem_shared>>
      %dma_wait3A_187 = tpu.memref_slice %arg7[%add3A_45] : memref<1769600xf32, #tpu.memory_space<vmem_shared>> -> memref<6144xf32, #tpu.memory_space<vmem_shared>>
      tpu.wait_dma2 semaphore(%run_scoped3A : memref<!tpu.dma_semaphore, #tpu.memory_space<semaphore_mem>>) src(%arg6 : memref<6144xf32, #tpu.memory_space<vmem>>) dst(%dma_wait3A_187 : memref<6144xf32, #tpu.memory_space<vmem_shared>>)
      tpu.yield
    }) : () -> ()
    %mul3A_46 = arith.constant 110592 : i32
    %mul3A_47 = arith.muli %arg1, %mul3A_46 : i32
    %add3A_48 = arith.constant 55296 : i32
    %add3A_49 = arith.addi %mul3A_47, %add3A_48 : i32
    "tpu.region"() ({
      %run_scoped3A = tpu.sem_alloc : memref<!tpu.dma_semaphore, #tpu.memory_space<semaphore_mem>>
      %dma_start3A = tpu.memref_slice %arg7[%add3A_49] : memref<1769600xf32, #tpu.memory_space<vmem_shared>> -> memref<6144xf32, #tpu.memory_space<vmem_shared>>
      %dma_start3A_186 = tpu.memref_slice %arg7[%add3A_49] : memref<1769600xf32, #tpu.memory_space<vmem_shared>> -> memref<6144xf32, #tpu.memory_space<vmem_shared>>
      tpu.enqueue_dma source(%arg6 : memref<6144xf32, #tpu.memory_space<vmem>>) target(%dma_start3A_186 : memref<6144xf32, #tpu.memory_space<vmem_shared>>) target_semaphore(%run_scoped3A : memref<!tpu.dma_semaphore, #tpu.memory_space<semaphore_mem>>)
      %dma_wait3A = tpu.memref_slice %arg7[%add3A_49] : memref<1769600xf32, #tpu.memory_space<vmem_shared>> -> memref<6144xf32, #tpu.memory_space<vmem_shared>>
      %dma_wait3A_187 = tpu.memref_slice %arg7[%add3A_49] : memref<1769600xf32, #tpu.memory_space<vmem_shared>> -> memref<6144xf32, #tpu.memory_space<vmem_shared>>
      tpu.wait_dma2 semaphore(%run_scoped3A : memref<!tpu.dma_semaphore, #tpu.memory_space<semaphore_mem>>) src(%arg6 : memref<6144xf32, #tpu.memory_space<vmem>>) dst(%dma_wait3A_187 : memref<6144xf32, #tpu.memory_space<vmem_shared>>)
      tpu.yield
    }) : () -> ()
    %mul3A_50 = arith.constant 110592 : i32
    %mul3A_51 = arith.muli %arg1, %mul3A_50 : i32
    %add3A_52 = arith.constant 61440 : i32
    %add3A_53 = arith.addi %mul3A_51, %add3A_52 : i32
    "tpu.region"() ({
      %run_scoped3A = tpu.sem_alloc : memref<!tpu.dma_semaphore, #tpu.memory_space<semaphore_mem>>
      %dma_start3A = tpu.memref_slice %arg7[%add3A_53] : memref<1769600xf32, #tpu.memory_space<vmem_shared>> -> memref<6144xf32, #tpu.memory_space<vmem_shared>>
      %dma_start3A_186 = tpu.memref_slice %arg7[%add3A_53] : memref<1769600xf32, #tpu.memory_space<vmem_shared>> -> memref<6144xf32, #tpu.memory_space<vmem_shared>>
      tpu.enqueue_dma source(%arg6 : memref<6144xf32, #tpu.memory_space<vmem>>) target(%dma_start3A_186 : memref<6144xf32, #tpu.memory_space<vmem_shared>>) target_semaphore(%run_scoped3A : memref<!tpu.dma_semaphore, #tpu.memory_space<semaphore_mem>>)
      %dma_wait3A = tpu.memref_slice %arg7[%add3A_53] : memref<1769600xf32, #tpu.memory_space<vmem_shared>> -> memref<6144xf32, #tpu.memory_space<vmem_shared>>
      %dma_wait3A_187 = tpu.memref_slice %arg7[%add3A_53] : memref<1769600xf32, #tpu.memory_space<vmem_shared>> -> memref<6144xf32, #tpu.memory_space<vmem_shared>>
      tpu.wait_dma2 semaphore(%run_scoped3A : memref<!tpu.dma_semaphore, #tpu.memory_space<semaphore_mem>>) src(%arg6 : memref<6144xf32, #tpu.memory_space<vmem>>) dst(%dma_wait3A_187 : memref<6144xf32, #tpu.memory_space<vmem_shared>>)
      tpu.yield
    }) : () -> ()
    %mul3A_54 = arith.constant 110592 : i32
    %mul3A_55 = arith.muli %arg1, %mul3A_54 : i32
    %add3A_56 = arith.constant 67584 : i32
    %add3A_57 = arith.addi %mul3A_55, %add3A_56 : i32
    "tpu.region"() ({
      %run_scoped3A = tpu.sem_alloc : memref<!tpu.dma_semaphore, #tpu.memory_space<semaphore_mem>>
      %dma_start3A = tpu.memref_slice %arg7[%add3A_57] : memref<1769600xf32, #tpu.memory_space<vmem_shared>> -> memref<6144xf32, #tpu.memory_space<vmem_shared>>
      %dma_start3A_186 = tpu.memref_slice %arg7[%add3A_57] : memref<1769600xf32, #tpu.memory_space<vmem_shared>> -> memref<6144xf32, #tpu.memory_space<vmem_shared>>
      tpu.enqueue_dma source(%arg6 : memref<6144xf32, #tpu.memory_space<vmem>>) target(%dma_start3A_186 : memref<6144xf32, #tpu.memory_space<vmem_shared>>) target_semaphore(%run_scoped3A : memref<!tpu.dma_semaphore, #tpu.memory_space<semaphore_mem>>)
      %dma_wait3A = tpu.memref_slice %arg7[%add3A_57] : memref<1769600xf32, #tpu.memory_space<vmem_shared>> -> memref<6144xf32, #tpu.memory_space<vmem_shared>>
      %dma_wait3A_187 = tpu.memref_slice %arg7[%add3A_57] : memref<1769600xf32, #tpu.memory_space<vmem_shared>> -> memref<6144xf32, #tpu.memory_space<vmem_shared>>
      tpu.wait_dma2 semaphore(%run_scoped3A : memref<!tpu.dma_semaphore, #tpu.memory_space<semaphore_mem>>) src(%arg6 : memref<6144xf32, #tpu.memory_space<vmem>>) dst(%dma_wait3A_187 : memref<6144xf32, #tpu.memory_space<vmem_shared>>)
      tpu.yield
    }) : () -> ()
    %mul3A_58 = arith.constant 110592 : i32
    %mul3A_59 = arith.muli %arg1, %mul3A_58 : i32
    %add3A_60 = arith.constant 73728 : i32
    %add3A_61 = arith.addi %mul3A_59, %add3A_60 : i32
    "tpu.region"() ({
      %run_scoped3A = tpu.sem_alloc : memref<!tpu.dma_semaphore, #tpu.memory_space<semaphore_mem>>
      %dma_start3A = tpu.memref_slice %arg7[%add3A_61] : memref<1769600xf32, #tpu.memory_space<vmem_shared>> -> memref<6144xf32, #tpu.memory_space<vmem_shared>>
      %dma_start3A_186 = tpu.memref_slice %arg7[%add3A_61] : memref<1769600xf32, #tpu.memory_space<vmem_shared>> -> memref<6144xf32, #tpu.memory_space<vmem_shared>>
      tpu.enqueue_dma source(%arg6 : memref<6144xf32, #tpu.memory_space<vmem>>) target(%dma_start3A_186 : memref<6144xf32, #tpu.memory_space<vmem_shared>>) target_semaphore(%run_scoped3A : memref<!tpu.dma_semaphore, #tpu.memory_space<semaphore_mem>>)
      %dma_wait3A = tpu.memref_slice %arg7[%add3A_61] : memref<1769600xf32, #tpu.memory_space<vmem_shared>> -> memref<6144xf32, #tpu.memory_space<vmem_shared>>
      %dma_wait3A_187 = tpu.memref_slice %arg7[%add3A_61] : memref<1769600xf32, #tpu.memory_space<vmem_shared>> -> memref<6144xf32, #tpu.memory_space<vmem_shared>>
      tpu.wait_dma2 semaphore(%run_scoped3A : memref<!tpu.dma_semaphore, #tpu.memory_space<semaphore_mem>>) src(%arg6 : memref<6144xf32, #tpu.memory_space<vmem>>) dst(%dma_wait3A_187 : memref<6144xf32, #tpu.memory_space<vmem_shared>>)
      tpu.yield
    }) : () -> ()
    %mul3A_62 = arith.constant 110592 : i32
    %mul3A_63 = arith.muli %arg1, %mul3A_62 : i32
    %add3A_64 = arith.constant 79872 : i32
    %add3A_65 = arith.addi %mul3A_63, %add3A_64 : i32
    "tpu.region"() ({
      %run_scoped3A = tpu.sem_alloc : memref<!tpu.dma_semaphore, #tpu.memory_space<semaphore_mem>>
      %dma_start3A = tpu.memref_slice %arg7[%add3A_65] : memref<1769600xf32, #tpu.memory_space<vmem_shared>> -> memref<6144xf32, #tpu.memory_space<vmem_shared>>
      %dma_start3A_186 = tpu.memref_slice %arg7[%add3A_65] : memref<1769600xf32, #tpu.memory_space<vmem_shared>> -> memref<6144xf32, #tpu.memory_space<vmem_shared>>
      tpu.enqueue_dma source(%arg6 : memref<6144xf32, #tpu.memory_space<vmem>>) target(%dma_start3A_186 : memref<6144xf32, #tpu.memory_space<vmem_shared>>) target_semaphore(%run_scoped3A : memref<!tpu.dma_semaphore, #tpu.memory_space<semaphore_mem>>)
      %dma_wait3A = tpu.memref_slice %arg7[%add3A_65] : memref<1769600xf32, #tpu.memory_space<vmem_shared>> -> memref<6144xf32, #tpu.memory_space<vmem_shared>>
      %dma_wait3A_187 = tpu.memref_slice %arg7[%add3A_65] : memref<1769600xf32, #tpu.memory_space<vmem_shared>> -> memref<6144xf32, #tpu.memory_space<vmem_shared>>
      tpu.wait_dma2 semaphore(%run_scoped3A : memref<!tpu.dma_semaphore, #tpu.memory_space<semaphore_mem>>) src(%arg6 : memref<6144xf32, #tpu.memory_space<vmem>>) dst(%dma_wait3A_187 : memref<6144xf32, #tpu.memory_space<vmem_shared>>)
      tpu.yield
    }) : () -> ()
    %mul3A_66 = arith.constant 110592 : i32
    %mul3A_67 = arith.muli %arg1, %mul3A_66 : i32
    %add3A_68 = arith.constant 86016 : i32
    %add3A_69 = arith.addi %mul3A_67, %add3A_68 : i32
    "tpu.region"() ({
      %run_scoped3A = tpu.sem_alloc : memref<!tpu.dma_semaphore, #tpu.memory_space<semaphore_mem>>
      %dma_start3A = tpu.memref_slice %arg7[%add3A_69] : memref<1769600xf32, #tpu.memory_space<vmem_shared>> -> memref<6144xf32, #tpu.memory_space<vmem_shared>>
      %dma_start3A_186 = tpu.memref_slice %arg7[%add3A_69] : memref<1769600xf32, #tpu.memory_space<vmem_shared>> -> memref<6144xf32, #tpu.memory_space<vmem_shared>>
      tpu.enqueue_dma source(%arg6 : memref<6144xf32, #tpu.memory_space<vmem>>) target(%dma_start3A_186 : memref<6144xf32, #tpu.memory_space<vmem_shared>>) target_semaphore(%run_scoped3A : memref<!tpu.dma_semaphore, #tpu.memory_space<semaphore_mem>>)
      %dma_wait3A = tpu.memref_slice %arg7[%add3A_69] : memref<1769600xf32, #tpu.memory_space<vmem_shared>> -> memref<6144xf32, #tpu.memory_space<vmem_shared>>
      %dma_wait3A_187 = tpu.memref_slice %arg7[%add3A_69] : memref<1769600xf32, #tpu.memory_space<vmem_shared>> -> memref<6144xf32, #tpu.memory_space<vmem_shared>>
      tpu.wait_dma2 semaphore(%run_scoped3A : memref<!tpu.dma_semaphore, #tpu.memory_space<semaphore_mem>>) src(%arg6 : memref<6144xf32, #tpu.memory_space<vmem>>) dst(%dma_wait3A_187 : memref<6144xf32, #tpu.memory_space<vmem_shared>>)
      tpu.yield
    }) : () -> ()
    %mul3A_70 = arith.constant 110592 : i32
    %mul3A_71 = arith.muli %arg1, %mul3A_70 : i32
    %add3A_72 = arith.constant 92160 : i32
    %add3A_73 = arith.addi %mul3A_71, %add3A_72 : i32
    "tpu.region"() ({
      %run_scoped3A = tpu.sem_alloc : memref<!tpu.dma_semaphore, #tpu.memory_space<semaphore_mem>>
      %dma_start3A = tpu.memref_slice %arg7[%add3A_73] : memref<1769600xf32, #tpu.memory_space<vmem_shared>> -> memref<6144xf32, #tpu.memory_space<vmem_shared>>
      %dma_start3A_186 = tpu.memref_slice %arg7[%add3A_73] : memref<1769600xf32, #tpu.memory_space<vmem_shared>> -> memref<6144xf32, #tpu.memory_space<vmem_shared>>
      tpu.enqueue_dma source(%arg6 : memref<6144xf32, #tpu.memory_space<vmem>>) target(%dma_start3A_186 : memref<6144xf32, #tpu.memory_space<vmem_shared>>) target_semaphore(%run_scoped3A : memref<!tpu.dma_semaphore, #tpu.memory_space<semaphore_mem>>)
      %dma_wait3A = tpu.memref_slice %arg7[%add3A_73] : memref<1769600xf32, #tpu.memory_space<vmem_shared>> -> memref<6144xf32, #tpu.memory_space<vmem_shared>>
      %dma_wait3A_187 = tpu.memref_slice %arg7[%add3A_73] : memref<1769600xf32, #tpu.memory_space<vmem_shared>> -> memref<6144xf32, #tpu.memory_space<vmem_shared>>
      tpu.wait_dma2 semaphore(%run_scoped3A : memref<!tpu.dma_semaphore, #tpu.memory_space<semaphore_mem>>) src(%arg6 : memref<6144xf32, #tpu.memory_space<vmem>>) dst(%dma_wait3A_187 : memref<6144xf32, #tpu.memory_space<vmem_shared>>)
      tpu.yield
    }) : () -> ()
    %mul3A_74 = arith.constant 110592 : i32
    %mul3A_75 = arith.muli %arg1, %mul3A_74 : i32
    %add3A_76 = arith.constant 98304 : i32
    %add3A_77 = arith.addi %mul3A_75, %add3A_76 : i32
    "tpu.region"() ({
      %run_scoped3A = tpu.sem_alloc : memref<!tpu.dma_semaphore, #tpu.memory_space<semaphore_mem>>
      %dma_start3A = tpu.memref_slice %arg7[%add3A_77] : memref<1769600xf32, #tpu.memory_space<vmem_shared>> -> memref<6144xf32, #tpu.memory_space<vmem_shared>>
      %dma_start3A_186 = tpu.memref_slice %arg7[%add3A_77] : memref<1769600xf32, #tpu.memory_space<vmem_shared>> -> memref<6144xf32, #tpu.memory_space<vmem_shared>>
      tpu.enqueue_dma source(%arg6 : memref<6144xf32, #tpu.memory_space<vmem>>) target(%dma_start3A_186 : memref<6144xf32, #tpu.memory_space<vmem_shared>>) target_semaphore(%run_scoped3A : memref<!tpu.dma_semaphore, #tpu.memory_space<semaphore_mem>>)
      %dma_wait3A = tpu.memref_slice %arg7[%add3A_77] : memref<1769600xf32, #tpu.memory_space<vmem_shared>> -> memref<6144xf32, #tpu.memory_space<vmem_shared>>
      %dma_wait3A_187 = tpu.memref_slice %arg7[%add3A_77] : memref<1769600xf32, #tpu.memory_space<vmem_shared>> -> memref<6144xf32, #tpu.memory_space<vmem_shared>>
      tpu.wait_dma2 semaphore(%run_scoped3A : memref<!tpu.dma_semaphore, #tpu.memory_space<semaphore_mem>>) src(%arg6 : memref<6144xf32, #tpu.memory_space<vmem>>) dst(%dma_wait3A_187 : memref<6144xf32, #tpu.memory_space<vmem_shared>>)
      tpu.yield
    }) : () -> ()
    %mul3A_78 = arith.constant 110592 : i32
    %mul3A_79 = arith.muli %arg1, %mul3A_78 : i32
    %add3A_80 = arith.constant 104448 : i32
    %add3A_81 = arith.addi %mul3A_79, %add3A_80 : i32
    "tpu.region"() ({
      %run_scoped3A = tpu.sem_alloc : memref<!tpu.dma_semaphore, #tpu.memory_space<semaphore_mem>>
      %dma_start3A = tpu.memref_slice %arg7[%add3A_81] : memref<1769600xf32, #tpu.memory_space<vmem_shared>> -> memref<6144xf32, #tpu.memory_space<vmem_shared>>
      %dma_start3A_186 = tpu.memref_slice %arg7[%add3A_81] : memref<1769600xf32, #tpu.memory_space<vmem_shared>> -> memref<6144xf32, #tpu.memory_space<vmem_shared>>
      tpu.enqueue_dma source(%arg6 : memref<6144xf32, #tpu.memory_space<vmem>>) target(%dma_start3A_186 : memref<6144xf32, #tpu.memory_space<vmem_shared>>) target_semaphore(%run_scoped3A : memref<!tpu.dma_semaphore, #tpu.memory_space<semaphore_mem>>)
      %dma_wait3A = tpu.memref_slice %arg7[%add3A_81] : memref<1769600xf32, #tpu.memory_space<vmem_shared>> -> memref<6144xf32, #tpu.memory_space<vmem_shared>>
      %dma_wait3A_187 = tpu.memref_slice %arg7[%add3A_81] : memref<1769600xf32, #tpu.memory_space<vmem_shared>> -> memref<6144xf32, #tpu.memory_space<vmem_shared>>
      tpu.wait_dma2 semaphore(%run_scoped3A : memref<!tpu.dma_semaphore, #tpu.memory_space<semaphore_mem>>) src(%arg6 : memref<6144xf32, #tpu.memory_space<vmem>>) dst(%dma_wait3A_187 : memref<6144xf32, #tpu.memory_space<vmem_shared>>)
      tpu.yield
    }) : () -> ()
    %barrier3A = arith.constant 0 : index
    tpu.barrier barrier_id(%barrier3A)
    %scan3A_82 = arith.constant 0 : i32
    %scan3A_83 = arith.constant 0 : i32
    %scan3A_84 = arith.constant 384 : i32
    %scan3A_85 = arith.addi %scan3A_83, %scan3A_84 : i32
    %scan3A_86 = arith.constant 1 : i32
    scf.for %scan3A_186 = %scan3A_83 to %scan3A_85 step %scan3A_86  : i32 {
      %broadcast_in_dim3A = arith.constant 1.000000e+00 : f32
      %broadcast_in_dim3A_187 = vector.broadcast %broadcast_in_dim3A : f32 to vector<16xf32>
      %mul3A_188 = arith.constant 16 : i32
      %mul3A_189 = arith.muli %scan3A_186, %mul3A_188 : i32
      %swap3A = arith.index_cast %mul3A_189 : i32 to index
      %swap3A_190 = tpu.vector_load %arg6[%swap3A] {strides = array<i32>} : memref<6144xf32, #tpu.memory_space<vmem>>, vector<16xf32>,
      %swap3A_191 = vector.shape_cast %swap3A_190 : vector<16xf32> to vector<16xf32>
      %swap3A_192 = vector.shape_cast %broadcast_in_dim3A_187 : vector<16xf32> to vector<16xf32>
      tpu.vector_store %arg6[%swap3A], %swap3A_192 {strides = array<i32>} : memref<6144xf32, #tpu.memory_space<vmem>>, vector<16xf32>,
    }
    %scan3A_87 = arith.constant 384 : i32
    %scan3A_88 = arith.constant 0 : i32
    %scan3A_89 = arith.constant 0 : i32
    %scan3A_90 = arith.constant 12 : i32
    %scan3A_91 = arith.addi %scan3A_89, %scan3A_90 : i32
    %scan3A_92 = arith.constant 1 : i32
    scf.for %scan3A_186 = %scan3A_89 to %scan3A_91 step %scan3A_92  : i32 {
      %mul3A_187 = arith.constant 36864 : i32
      %mul3A_188 = arith.muli %scan3A_186, %mul3A_187 : i32
      %add3A_189 = arith.addi %add3A, %mul3A_188 : i32
      "tpu.region"() ({
        %run_scoped3A = tpu.sem_alloc : memref<!tpu.dma_semaphore, #tpu.memory_space<semaphore_mem>>
        %dma_start3A_218 = tpu.memref_slice %arg2[%add3A_189] : memref<14155776xi32, #tpu.memory_space<hbm>> -> memref<6144xi32, #tpu.memory_space<hbm>>
        %dma_start3A_219 = tpu.memref_slice %arg2[%add3A_189] : memref<14155776xi32, #tpu.memory_space<hbm>> -> memref<6144xi32, #tpu.memory_space<hbm>>
        tpu.enqueue_dma source(%dma_start3A_219 : memref<6144xi32, #tpu.memory_space<hbm>>) target(%arg4 : memref<6144xi32, #tpu.memory_space<vmem>>) target_semaphore(%run_scoped3A : memref<!tpu.dma_semaphore, #tpu.memory_space<semaphore_mem>>)
        %dma_wait3A_220 = tpu.memref_slice %arg2[%add3A_189] : memref<14155776xi32, #tpu.memory_space<hbm>> -> memref<6144xi32, #tpu.memory_space<hbm>>
        %dma_wait3A_221 = tpu.memref_slice %arg2[%add3A_189] : memref<14155776xi32, #tpu.memory_space<hbm>> -> memref<6144xi32, #tpu.memory_space<hbm>>
        tpu.wait_dma2 semaphore(%run_scoped3A : memref<!tpu.dma_semaphore, #tpu.memory_space<semaphore_mem>>) src(%dma_wait3A_221 : memref<6144xi32, #tpu.memory_space<hbm>>) dst(%arg4 : memref<6144xi32, #tpu.memory_space<vmem>>)
        tpu.yield
      }) : () -> ()
      %add3A_190 = arith.constant 6144 : i32
      %add3A_191 = arith.addi %add3A_189, %add3A_190 : i32
      %dma_start3A = tpu.memref_slice %arg2[%add3A_191] : memref<14155776xi32, #tpu.memory_space<hbm>> -> memref<6144xi32, #tpu.memory_space<hbm>>
      %dma_start3A_192 = tpu.memref_slice %arg2[%add3A_191] : memref<14155776xi32, #tpu.memory_space<hbm>> -> memref<6144xi32, #tpu.memory_space<hbm>>
      tpu.enqueue_dma source(%dma_start3A_192 : memref<6144xi32, #tpu.memory_space<hbm>>) target(%arg5 : memref<6144xi32, #tpu.memory_space<vmem>>) target_semaphore(%arg9 : memref<!tpu.dma_semaphore, #tpu.memory_space<semaphore_mem>>)
      "tpu.region"() ({
        %run_scoped3A = tpu.sem_alloc : memref<!tpu.dma_semaphore, #tpu.memory_space<semaphore_mem>>
        %dma_start3A_218 = arith.constant 0 : i32
        %dma_start3A_219 = tpu.memref_slice %arg7[%dma_start3A_218] : memref<1769600xf32, #tpu.memory_space<vmem_shared>> -> memref<1769600xf32, #tpu.memory_space<vmem_shared>>
        tpu.enqueue_indirect_dma source(%arg6 : memref<6144xf32, #tpu.memory_space<vmem>>) target(%dma_start3A_219 : memref<1769600xf32, #tpu.memory_space<vmem_shared>>) offsets(%arg4 : memref<6144xi32, #tpu.memory_space<vmem>>) semaphore(%run_scoped3A : memref<!tpu.dma_semaphore, #tpu.memory_space<semaphore_mem>>)
        %dma_wait3A_220 = arith.constant 0 : i32
        %dma_wait3A_221 = tpu.memref_slice %arg7[%dma_wait3A_220] : memref<1769600xf32, #tpu.memory_space<vmem_shared>> -> memref<1769600xf32, #tpu.memory_space<vmem_shared>>
        tpu.wait_indirect_dma semaphore(%run_scoped3A : memref<!tpu.dma_semaphore, #tpu.memory_space<semaphore_mem>>) src(%arg6 : memref<6144xf32, #tpu.memory_space<vmem>>) dst(%dma_wait3A_221 : memref<1769600xf32, #tpu.memory_space<vmem_shared>>)
        tpu.yield
      }) : () -> ()
      %add3A_193 = arith.constant 12288 : i32
      %add3A_194 = arith.addi %add3A_189, %add3A_193 : i32
      %dma_start3A_195 = tpu.memref_slice %arg2[%add3A_194] : memref<14155776xi32, #tpu.memory_space<hbm>> -> memref<6144xi32, #tpu.memory_space<hbm>>
      %dma_start3A_196 = tpu.memref_slice %arg2[%add3A_194] : memref<14155776xi32, #tpu.memory_space<hbm>> -> memref<6144xi32, #tpu.memory_space<hbm>>
      tpu.enqueue_dma source(%dma_start3A_196 : memref<6144xi32, #tpu.memory_space<hbm>>) target(%arg4 : memref<6144xi32, #tpu.memory_space<vmem>>) target_semaphore(%arg8 : memref<!tpu.dma_semaphore, #tpu.memory_space<semaphore_mem>>)
      %dma_wait3A = tpu.memref_slice %arg2[%add3A_191] : memref<14155776xi32, #tpu.memory_space<hbm>> -> memref<6144xi32, #tpu.memory_space<hbm>>
      %dma_wait3A_197 = tpu.memref_slice %arg2[%add3A_191] : memref<14155776xi32, #tpu.memory_space<hbm>> -> memref<6144xi32, #tpu.memory_space<hbm>>
      tpu.wait_dma2 semaphore(%arg9 : memref<!tpu.dma_semaphore, #tpu.memory_space<semaphore_mem>>) src(%dma_wait3A_197 : memref<6144xi32, #tpu.memory_space<hbm>>) dst(%arg5 : memref<6144xi32, #tpu.memory_space<vmem>>)
      "tpu.region"() ({
        %run_scoped3A = tpu.sem_alloc : memref<!tpu.dma_semaphore, #tpu.memory_space<semaphore_mem>>
        %dma_start3A_218 = arith.constant 0 : i32
        %dma_start3A_219 = tpu.memref_slice %arg7[%dma_start3A_218] : memref<1769600xf32, #tpu.memory_space<vmem_shared>> -> memref<1769600xf32, #tpu.memory_space<vmem_shared>>
        tpu.enqueue_indirect_dma source(%arg6 : memref<6144xf32, #tpu.memory_space<vmem>>) target(%dma_start3A_219 : memref<1769600xf32, #tpu.memory_space<vmem_shared>>) offsets(%arg5 : memref<6144xi32, #tpu.memory_space<vmem>>) semaphore(%run_scoped3A : memref<!tpu.dma_semaphore, #tpu.memory_space<semaphore_mem>>)
        %dma_wait3A_220 = arith.constant 0 : i32
        %dma_wait3A_221 = tpu.memref_slice %arg7[%dma_wait3A_220] : memref<1769600xf32, #tpu.memory_space<vmem_shared>> -> memref<1769600xf32, #tpu.memory_space<vmem_shared>>
        tpu.wait_indirect_dma semaphore(%run_scoped3A : memref<!tpu.dma_semaphore, #tpu.memory_space<semaphore_mem>>) src(%arg6 : memref<6144xf32, #tpu.memory_space<vmem>>) dst(%dma_wait3A_221 : memref<1769600xf32, #tpu.memory_space<vmem_shared>>)
        tpu.yield
      }) : () -> ()
      %add3A_198 = arith.constant 18432 : i32
      %add3A_199 = arith.addi %add3A_189, %add3A_198 : i32
      %dma_start3A_200 = tpu.memref_slice %arg2[%add3A_199] : memref<14155776xi32, #tpu.memory_space<hbm>> -> memref<6144xi32, #tpu.memory_space<hbm>>
      %dma_start3A_201 = tpu.memref_slice %arg2[%add3A_199] : memref<14155776xi32, #tpu.memory_space<hbm>> -> memref<6144xi32, #tpu.memory_space<hbm>>
      tpu.enqueue_dma source(%dma_start3A_201 : memref<6144xi32, #tpu.memory_space<hbm>>) target(%arg5 : memref<6144xi32, #tpu.memory_space<vmem>>) target_semaphore(%arg9 : memref<!tpu.dma_semaphore, #tpu.memory_space<semaphore_mem>>)
      %dma_wait3A_202 = tpu.memref_slice %arg2[%add3A_194] : memref<14155776xi32, #tpu.memory_space<hbm>> -> memref<6144xi32, #tpu.memory_space<hbm>>
      %dma_wait3A_203 = tpu.memref_slice %arg2[%add3A_194] : memref<14155776xi32, #tpu.memory_space<hbm>> -> memref<6144xi32, #tpu.memory_space<hbm>>
      tpu.wait_dma2 semaphore(%arg8 : memref<!tpu.dma_semaphore, #tpu.memory_space<semaphore_mem>>) src(%dma_wait3A_203 : memref<6144xi32, #tpu.memory_space<hbm>>) dst(%arg4 : memref<6144xi32, #tpu.memory_space<vmem>>)
      "tpu.region"() ({
        %run_scoped3A = tpu.sem_alloc : memref<!tpu.dma_semaphore, #tpu.memory_space<semaphore_mem>>
        %dma_start3A_218 = arith.constant 0 : i32
        %dma_start3A_219 = tpu.memref_slice %arg7[%dma_start3A_218] : memref<1769600xf32, #tpu.memory_space<vmem_shared>> -> memref<1769600xf32, #tpu.memory_space<vmem_shared>>
        tpu.enqueue_indirect_dma source(%arg6 : memref<6144xf32, #tpu.memory_space<vmem>>) target(%dma_start3A_219 : memref<1769600xf32, #tpu.memory_space<vmem_shared>>) offsets(%arg4 : memref<6144xi32, #tpu.memory_space<vmem>>) semaphore(%run_scoped3A : memref<!tpu.dma_semaphore, #tpu.memory_space<semaphore_mem>>)
        %dma_wait3A_220 = arith.constant 0 : i32
        %dma_wait3A_221 = tpu.memref_slice %arg7[%dma_wait3A_220] : memref<1769600xf32, #tpu.memory_space<vmem_shared>> -> memref<1769600xf32, #tpu.memory_space<vmem_shared>>
        tpu.wait_indirect_dma semaphore(%run_scoped3A : memref<!tpu.dma_semaphore, #tpu.memory_space<semaphore_mem>>) src(%arg6 : memref<6144xf32, #tpu.memory_space<vmem>>) dst(%dma_wait3A_221 : memref<1769600xf32, #tpu.memory_space<vmem_shared>>)
        tpu.yield
      }) : () -> ()
      %add3A_204 = arith.constant 24576 : i32
      %add3A_205 = arith.addi %add3A_189, %add3A_204 : i32
      %dma_start3A_206 = tpu.memref_slice %arg2[%add3A_205] : memref<14155776xi32, #tpu.memory_space<hbm>> -> memref<6144xi32, #tpu.memory_space<hbm>>
      %dma_start3A_207 = tpu.memref_slice %arg2[%add3A_205] : memref<14155776xi32, #tpu.memory_space<hbm>> -> memref<6144xi32, #tpu.memory_space<hbm>>
      tpu.enqueue_dma source(%dma_start3A_207 : memref<6144xi32, #tpu.memory_space<hbm>>) target(%arg4 : memref<6144xi32, #tpu.memory_space<vmem>>) target_semaphore(%arg8 : memref<!tpu.dma_semaphore, #tpu.memory_space<semaphore_mem>>)
      %dma_wait3A_208 = tpu.memref_slice %arg2[%add3A_199] : memref<14155776xi32, #tpu.memory_space<hbm>> -> memref<6144xi32, #tpu.memory_space<hbm>>
      %dma_wait3A_209 = tpu.memref_slice %arg2[%add3A_199] : memref<14155776xi32, #tpu.memory_space<hbm>> -> memref<6144xi32, #tpu.memory_space<hbm>>
      tpu.wait_dma2 semaphore(%arg9 : memref<!tpu.dma_semaphore, #tpu.memory_space<semaphore_mem>>) src(%dma_wait3A_209 : memref<6144xi32, #tpu.memory_space<hbm>>) dst(%arg5 : memref<6144xi32, #tpu.memory_space<vmem>>)
      "tpu.region"() ({
        %run_scoped3A = tpu.sem_alloc : memref<!tpu.dma_semaphore, #tpu.memory_space<semaphore_mem>>
        %dma_start3A_218 = arith.constant 0 : i32
        %dma_start3A_219 = tpu.memref_slice %arg7[%dma_start3A_218] : memref<1769600xf32, #tpu.memory_space<vmem_shared>> -> memref<1769600xf32, #tpu.memory_space<vmem_shared>>
        tpu.enqueue_indirect_dma source(%arg6 : memref<6144xf32, #tpu.memory_space<vmem>>) target(%dma_start3A_219 : memref<1769600xf32, #tpu.memory_space<vmem_shared>>) offsets(%arg5 : memref<6144xi32, #tpu.memory_space<vmem>>) semaphore(%run_scoped3A : memref<!tpu.dma_semaphore, #tpu.memory_space<semaphore_mem>>)
        %dma_wait3A_220 = arith.constant 0 : i32
        %dma_wait3A_221 = tpu.memref_slice %arg7[%dma_wait3A_220] : memref<1769600xf32, #tpu.memory_space<vmem_shared>> -> memref<1769600xf32, #tpu.memory_space<vmem_shared>>
        tpu.wait_indirect_dma semaphore(%run_scoped3A : memref<!tpu.dma_semaphore, #tpu.memory_space<semaphore_mem>>) src(%arg6 : memref<6144xf32, #tpu.memory_space<vmem>>) dst(%dma_wait3A_221 : memref<1769600xf32, #tpu.memory_space<vmem_shared>>)
        tpu.yield
      }) : () -> ()
      %add3A_210 = arith.constant 30720 : i32
      %add3A_211 = arith.addi %add3A_189, %add3A_210 : i32
      %dma_start3A_212 = tpu.memref_slice %arg2[%add3A_211] : memref<14155776xi32, #tpu.memory_space<hbm>> -> memref<6144xi32, #tpu.memory_space<hbm>>
      %dma_start3A_213 = tpu.memref_slice %arg2[%add3A_211] : memref<14155776xi32, #tpu.memory_space<hbm>> -> memref<6144xi32, #tpu.memory_space<hbm>>
      tpu.enqueue_dma source(%dma_start3A_213 : memref<6144xi32, #tpu.memory_space<hbm>>) target(%arg5 : memref<6144xi32, #tpu.memory_space<vmem>>) target_semaphore(%arg9 : memref<!tpu.dma_semaphore, #tpu.memory_space<semaphore_mem>>)
      %dma_wait3A_214 = tpu.memref_slice %arg2[%add3A_205] : memref<14155776xi32, #tpu.memory_space<hbm>> -> memref<6144xi32, #tpu.memory_space<hbm>>
      %dma_wait3A_215 = tpu.memref_slice %arg2[%add3A_205] : memref<14155776xi32, #tpu.memory_space<hbm>> -> memref<6144xi32, #tpu.memory_space<hbm>>
      tpu.wait_dma2 semaphore(%arg8 : memref<!tpu.dma_semaphore, #tpu.memory_space<semaphore_mem>>) src(%dma_wait3A_215 : memref<6144xi32, #tpu.memory_space<hbm>>) dst(%arg4 : memref<6144xi32, #tpu.memory_space<vmem>>)
      "tpu.region"() ({
        %run_scoped3A = tpu.sem_alloc : memref<!tpu.dma_semaphore, #tpu.memory_space<semaphore_mem>>
        %dma_start3A_218 = arith.constant 0 : i32
        %dma_start3A_219 = tpu.memref_slice %arg7[%dma_start3A_218] : memref<1769600xf32, #tpu.memory_space<vmem_shared>> -> memref<1769600xf32, #tpu.memory_space<vmem_shared>>
        tpu.enqueue_indirect_dma source(%arg6 : memref<6144xf32, #tpu.memory_space<vmem>>) target(%dma_start3A_219 : memref<1769600xf32, #tpu.memory_space<vmem_shared>>) offsets(%arg4 : memref<6144xi32, #tpu.memory_space<vmem>>) semaphore(%run_scoped3A : memref<!tpu.dma_semaphore, #tpu.memory_space<semaphore_mem>>)
        %dma_wait3A_220 = arith.constant 0 : i32
        %dma_wait3A_221 = tpu.memref_slice %arg7[%dma_wait3A_220] : memref<1769600xf32, #tpu.memory_space<vmem_shared>> -> memref<1769600xf32, #tpu.memory_space<vmem_shared>>
        tpu.wait_indirect_dma semaphore(%run_scoped3A : memref<!tpu.dma_semaphore, #tpu.memory_space<semaphore_mem>>) src(%arg6 : memref<6144xf32, #tpu.memory_space<vmem>>) dst(%dma_wait3A_221 : memref<1769600xf32, #tpu.memory_space<vmem_shared>>)
        tpu.yield
      }) : () -> ()
      %dma_wait3A_216 = tpu.memref_slice %arg2[%add3A_211] : memref<14155776xi32, #tpu.memory_space<hbm>> -> memref<6144xi32, #tpu.memory_space<hbm>>
      %dma_wait3A_217 = tpu.memref_slice %arg2[%add3A_211] : memref<14155776xi32, #tpu.memory_space<hbm>> -> memref<6144xi32, #tpu.memory_space<hbm>>
      tpu.wait_dma2 semaphore(%arg9 : memref<!tpu.dma_semaphore, #tpu.memory_space<semaphore_mem>>) src(%dma_wait3A_217 : memref<6144xi32, #tpu.memory_space<hbm>>) dst(%arg5 : memref<6144xi32, #tpu.memory_space<vmem>>)
      "tpu.region"() ({
        %run_scoped3A = tpu.sem_alloc : memref<!tpu.dma_semaphore, #tpu.memory_space<semaphore_mem>>
        %dma_start3A_218 = arith.constant 0 : i32
        %dma_start3A_219 = tpu.memref_slice %arg7[%dma_start3A_218] : memref<1769600xf32, #tpu.memory_space<vmem_shared>> -> memref<1769600xf32, #tpu.memory_space<vmem_shared>>
        tpu.enqueue_indirect_dma source(%arg6 : memref<6144xf32, #tpu.memory_space<vmem>>) target(%dma_start3A_219 : memref<1769600xf32, #tpu.memory_space<vmem_shared>>) offsets(%arg5 : memref<6144xi32, #tpu.memory_space<vmem>>) semaphore(%run_scoped3A : memref<!tpu.dma_semaphore, #tpu.memory_space<semaphore_mem>>)
        %dma_wait3A_220 = arith.constant 0 : i32
        %dma_wait3A_221 = tpu.memref_slice %arg7[%dma_wait3A_220] : memref<1769600xf32, #tpu.memory_space<vmem_shared>> -> memref<1769600xf32, #tpu.memory_space<vmem_shared>>
        tpu.wait_indirect_dma semaphore(%run_scoped3A : memref<!tpu.dma_semaphore, #tpu.memory_space<semaphore_mem>>) src(%arg6 : memref<6144xf32, #tpu.memory_space<vmem>>) dst(%dma_wait3A_221 : memref<1769600xf32, #tpu.memory_space<vmem_shared>>)
        tpu.yield
      }) : () -> ()
    }
    %scan3A_93 = arith.constant 12 : i32
    %barrier3A_94 = arith.constant 0 : index
    tpu.barrier barrier_id(%barrier3A_94)
    %mul3A_95 = arith.constant 110592 : i32
    %mul3A_96 = arith.muli %arg1, %mul3A_95 : i32
    %add3A_97 = arith.constant 0 : i32
    %add3A_98 = arith.addi %mul3A_96, %add3A_97 : i32
    %add3A_99 = arith.addi %mul3A_2, %add3A_98 : i32
    "tpu.region"() ({
      %run_scoped3A = tpu.sem_alloc : memref<!tpu.dma_semaphore, #tpu.memory_space<semaphore_mem>>
      %dma_start3A = tpu.memref_slice %arg3[%add3A_99] : memref<3538944xf32, #tpu.memory_space<hbm>> -> memref<6144xf32, #tpu.memory_space<hbm>>
      %dma_start3A_186 = tpu.memref_slice %arg7[%add3A_98] : memref<1769600xf32, #tpu.memory_space<vmem_shared>> -> memref<6144xf32, #tpu.memory_space<vmem_shared>>
      tpu.enqueue_dma source(%dma_start3A_186 : memref<6144xf32, #tpu.memory_space<vmem_shared>>) target(%dma_start3A : memref<6144xf32, #tpu.memory_space<hbm>>) target_semaphore(%run_scoped3A : memref<!tpu.dma_semaphore, #tpu.memory_space<semaphore_mem>>)
      %dma_wait3A = tpu.memref_slice %arg3[%add3A_99] : memref<3538944xf32, #tpu.memory_space<hbm>> -> memref<6144xf32, #tpu.memory_space<hbm>>
      %dma_wait3A_187 = tpu.memref_slice %arg7[%add3A_98] : memref<1769600xf32, #tpu.memory_space<vmem_shared>> -> memref<6144xf32, #tpu.memory_space<vmem_shared>>
      tpu.wait_dma2 semaphore(%run_scoped3A : memref<!tpu.dma_semaphore, #tpu.memory_space<semaphore_mem>>) src(%dma_wait3A_187 : memref<6144xf32, #tpu.memory_space<vmem_shared>>) dst(%dma_wait3A : memref<6144xf32, #tpu.memory_space<hbm>>)
      tpu.yield
    }) : () -> ()
    %mul3A_100 = arith.constant 110592 : i32
    %mul3A_101 = arith.muli %arg1, %mul3A_100 : i32
    %add3A_102 = arith.constant 6144 : i32
    %add3A_103 = arith.addi %mul3A_101, %add3A_102 : i32
    %add3A_104 = arith.addi %mul3A_2, %add3A_103 : i32
    "tpu.region"() ({
      %run_scoped3A = tpu.sem_alloc : memref<!tpu.dma_semaphore, #tpu.memory_space<semaphore_mem>>
      %dma_start3A = tpu.memref_slice %arg3[%add3A_104] : memref<3538944xf32, #tpu.memory_space<hbm>> -> memref<6144xf32, #tpu.memory_space<hbm>>
      %dma_start3A_186 = tpu.memref_slice %arg7[%add3A_103] : memref<1769600xf32, #tpu.memory_space<vmem_shared>> -> memref<6144xf32, #tpu.memory_space<vmem_shared>>
      tpu.enqueue_dma source(%dma_start3A_186 : memref<6144xf32, #tpu.memory_space<vmem_shared>>) target(%dma_start3A : memref<6144xf32, #tpu.memory_space<hbm>>) target_semaphore(%run_scoped3A : memref<!tpu.dma_semaphore, #tpu.memory_space<semaphore_mem>>)
      %dma_wait3A = tpu.memref_slice %arg3[%add3A_104] : memref<3538944xf32, #tpu.memory_space<hbm>> -> memref<6144xf32, #tpu.memory_space<hbm>>
      %dma_wait3A_187 = tpu.memref_slice %arg7[%add3A_103] : memref<1769600xf32, #tpu.memory_space<vmem_shared>> -> memref<6144xf32, #tpu.memory_space<vmem_shared>>
      tpu.wait_dma2 semaphore(%run_scoped3A : memref<!tpu.dma_semaphore, #tpu.memory_space<semaphore_mem>>) src(%dma_wait3A_187 : memref<6144xf32, #tpu.memory_space<vmem_shared>>) dst(%dma_wait3A : memref<6144xf32, #tpu.memory_space<hbm>>)
      tpu.yield
    }) : () -> ()
    %mul3A_105 = arith.constant 110592 : i32
    %mul3A_106 = arith.muli %arg1, %mul3A_105 : i32
    %add3A_107 = arith.constant 12288 : i32
    %add3A_108 = arith.addi %mul3A_106, %add3A_107 : i32
    %add3A_109 = arith.addi %mul3A_2, %add3A_108 : i32
    "tpu.region"() ({
      %run_scoped3A = tpu.sem_alloc : memref<!tpu.dma_semaphore, #tpu.memory_space<semaphore_mem>>
      %dma_start3A = tpu.memref_slice %arg3[%add3A_109] : memref<3538944xf32, #tpu.memory_space<hbm>> -> memref<6144xf32, #tpu.memory_space<hbm>>
      %dma_start3A_186 = tpu.memref_slice %arg7[%add3A_108] : memref<1769600xf32, #tpu.memory_space<vmem_shared>> -> memref<6144xf32, #tpu.memory_space<vmem_shared>>
      tpu.enqueue_dma source(%dma_start3A_186 : memref<6144xf32, #tpu.memory_space<vmem_shared>>) target(%dma_start3A : memref<6144xf32, #tpu.memory_space<hbm>>) target_semaphore(%run_scoped3A : memref<!tpu.dma_semaphore, #tpu.memory_space<semaphore_mem>>)
      %dma_wait3A = tpu.memref_slice %arg3[%add3A_109] : memref<3538944xf32, #tpu.memory_space<hbm>> -> memref<6144xf32, #tpu.memory_space<hbm>>
      %dma_wait3A_187 = tpu.memref_slice %arg7[%add3A_108] : memref<1769600xf32, #tpu.memory_space<vmem_shared>> -> memref<6144xf32, #tpu.memory_space<vmem_shared>>
      tpu.wait_dma2 semaphore(%run_scoped3A : memref<!tpu.dma_semaphore, #tpu.memory_space<semaphore_mem>>) src(%dma_wait3A_187 : memref<6144xf32, #tpu.memory_space<vmem_shared>>) dst(%dma_wait3A : memref<6144xf32, #tpu.memory_space<hbm>>)
      tpu.yield
    }) : () -> ()
    %mul3A_110 = arith.constant 110592 : i32
    %mul3A_111 = arith.muli %arg1, %mul3A_110 : i32
    %add3A_112 = arith.constant 18432 : i32
    %add3A_113 = arith.addi %mul3A_111, %add3A_112 : i32
    %add3A_114 = arith.addi %mul3A_2, %add3A_113 : i32
    "tpu.region"() ({
      %run_scoped3A = tpu.sem_alloc : memref<!tpu.dma_semaphore, #tpu.memory_space<semaphore_mem>>
      %dma_start3A = tpu.memref_slice %arg3[%add3A_114] : memref<3538944xf32, #tpu.memory_space<hbm>> -> memref<6144xf32, #tpu.memory_space<hbm>>
      %dma_start3A_186 = tpu.memref_slice %arg7[%add3A_113] : memref<1769600xf32, #tpu.memory_space<vmem_shared>> -> memref<6144xf32, #tpu.memory_space<vmem_shared>>
      tpu.enqueue_dma source(%dma_start3A_186 : memref<6144xf32, #tpu.memory_space<vmem_shared>>) target(%dma_start3A : memref<6144xf32, #tpu.memory_space<hbm>>) target_semaphore(%run_scoped3A : memref<!tpu.dma_semaphore, #tpu.memory_space<semaphore_mem>>)
      %dma_wait3A = tpu.memref_slice %arg3[%add3A_114] : memref<3538944xf32, #tpu.memory_space<hbm>> -> memref<6144xf32, #tpu.memory_space<hbm>>
      %dma_wait3A_187 = tpu.memref_slice %arg7[%add3A_113] : memref<1769600xf32, #tpu.memory_space<vmem_shared>> -> memref<6144xf32, #tpu.memory_space<vmem_shared>>
      tpu.wait_dma2 semaphore(%run_scoped3A : memref<!tpu.dma_semaphore, #tpu.memory_space<semaphore_mem>>) src(%dma_wait3A_187 : memref<6144xf32, #tpu.memory_space<vmem_shared>>) dst(%dma_wait3A : memref<6144xf32, #tpu.memory_space<hbm>>)
      tpu.yield
    }) : () -> ()
    %mul3A_115 = arith.constant 110592 : i32
    %mul3A_116 = arith.muli %arg1, %mul3A_115 : i32
    %add3A_117 = arith.constant 24576 : i32
    %add3A_118 = arith.addi %mul3A_116, %add3A_117 : i32
    %add3A_119 = arith.addi %mul3A_2, %add3A_118 : i32
    "tpu.region"() ({
      %run_scoped3A = tpu.sem_alloc : memref<!tpu.dma_semaphore, #tpu.memory_space<semaphore_mem>>
      %dma_start3A = tpu.memref_slice %arg3[%add3A_119] : memref<3538944xf32, #tpu.memory_space<hbm>> -> memref<6144xf32, #tpu.memory_space<hbm>>
      %dma_start3A_186 = tpu.memref_slice %arg7[%add3A_118] : memref<1769600xf32, #tpu.memory_space<vmem_shared>> -> memref<6144xf32, #tpu.memory_space<vmem_shared>>
      tpu.enqueue_dma source(%dma_start3A_186 : memref<6144xf32, #tpu.memory_space<vmem_shared>>) target(%dma_start3A : memref<6144xf32, #tpu.memory_space<hbm>>) target_semaphore(%run_scoped3A : memref<!tpu.dma_semaphore, #tpu.memory_space<semaphore_mem>>)
      %dma_wait3A = tpu.memref_slice %arg3[%add3A_119] : memref<3538944xf32, #tpu.memory_space<hbm>> -> memref<6144xf32, #tpu.memory_space<hbm>>
      %dma_wait3A_187 = tpu.memref_slice %arg7[%add3A_118] : memref<1769600xf32, #tpu.memory_space<vmem_shared>> -> memref<6144xf32, #tpu.memory_space<vmem_shared>>
      tpu.wait_dma2 semaphore(%run_scoped3A : memref<!tpu.dma_semaphore, #tpu.memory_space<semaphore_mem>>) src(%dma_wait3A_187 : memref<6144xf32, #tpu.memory_space<vmem_shared>>) dst(%dma_wait3A : memref<6144xf32, #tpu.memory_space<hbm>>)
      tpu.yield
    }) : () -> ()
    %mul3A_120 = arith.constant 110592 : i32
    %mul3A_121 = arith.muli %arg1, %mul3A_120 : i32
    %add3A_122 = arith.constant 30720 : i32
    %add3A_123 = arith.addi %mul3A_121, %add3A_122 : i32
    %add3A_124 = arith.addi %mul3A_2, %add3A_123 : i32
    "tpu.region"() ({
      %run_scoped3A = tpu.sem_alloc : memref<!tpu.dma_semaphore, #tpu.memory_space<semaphore_mem>>
      %dma_start3A = tpu.memref_slice %arg3[%add3A_124] : memref<3538944xf32, #tpu.memory_space<hbm>> -> memref<6144xf32, #tpu.memory_space<hbm>>
      %dma_start3A_186 = tpu.memref_slice %arg7[%add3A_123] : memref<1769600xf32, #tpu.memory_space<vmem_shared>> -> memref<6144xf32, #tpu.memory_space<vmem_shared>>
      tpu.enqueue_dma source(%dma_start3A_186 : memref<6144xf32, #tpu.memory_space<vmem_shared>>) target(%dma_start3A : memref<6144xf32, #tpu.memory_space<hbm>>) target_semaphore(%run_scoped3A : memref<!tpu.dma_semaphore, #tpu.memory_space<semaphore_mem>>)
      %dma_wait3A = tpu.memref_slice %arg3[%add3A_124] : memref<3538944xf32, #tpu.memory_space<hbm>> -> memref<6144xf32, #tpu.memory_space<hbm>>
      %dma_wait3A_187 = tpu.memref_slice %arg7[%add3A_123] : memref<1769600xf32, #tpu.memory_space<vmem_shared>> -> memref<6144xf32, #tpu.memory_space<vmem_shared>>
      tpu.wait_dma2 semaphore(%run_scoped3A : memref<!tpu.dma_semaphore, #tpu.memory_space<semaphore_mem>>) src(%dma_wait3A_187 : memref<6144xf32, #tpu.memory_space<vmem_shared>>) dst(%dma_wait3A : memref<6144xf32, #tpu.memory_space<hbm>>)
      tpu.yield
    }) : () -> ()
    %mul3A_125 = arith.constant 110592 : i32
    %mul3A_126 = arith.muli %arg1, %mul3A_125 : i32
    %add3A_127 = arith.constant 36864 : i32
    %add3A_128 = arith.addi %mul3A_126, %add3A_127 : i32
    %add3A_129 = arith.addi %mul3A_2, %add3A_128 : i32
    "tpu.region"() ({
      %run_scoped3A = tpu.sem_alloc : memref<!tpu.dma_semaphore, #tpu.memory_space<semaphore_mem>>
      %dma_start3A = tpu.memref_slice %arg3[%add3A_129] : memref<3538944xf32, #tpu.memory_space<hbm>> -> memref<6144xf32, #tpu.memory_space<hbm>>
      %dma_start3A_186 = tpu.memref_slice %arg7[%add3A_128] : memref<1769600xf32, #tpu.memory_space<vmem_shared>> -> memref<6144xf32, #tpu.memory_space<vmem_shared>>
      tpu.enqueue_dma source(%dma_start3A_186 : memref<6144xf32, #tpu.memory_space<vmem_shared>>) target(%dma_start3A : memref<6144xf32, #tpu.memory_space<hbm>>) target_semaphore(%run_scoped3A : memref<!tpu.dma_semaphore, #tpu.memory_space<semaphore_mem>>)
      %dma_wait3A = tpu.memref_slice %arg3[%add3A_129] : memref<3538944xf32, #tpu.memory_space<hbm>> -> memref<6144xf32, #tpu.memory_space<hbm>>
      %dma_wait3A_187 = tpu.memref_slice %arg7[%add3A_128] : memref<1769600xf32, #tpu.memory_space<vmem_shared>> -> memref<6144xf32, #tpu.memory_space<vmem_shared>>
      tpu.wait_dma2 semaphore(%run_scoped3A : memref<!tpu.dma_semaphore, #tpu.memory_space<semaphore_mem>>) src(%dma_wait3A_187 : memref<6144xf32, #tpu.memory_space<vmem_shared>>) dst(%dma_wait3A : memref<6144xf32, #tpu.memory_space<hbm>>)
      tpu.yield
    }) : () -> ()
    %mul3A_130 = arith.constant 110592 : i32
    %mul3A_131 = arith.muli %arg1, %mul3A_130 : i32
    %add3A_132 = arith.constant 43008 : i32
    %add3A_133 = arith.addi %mul3A_131, %add3A_132 : i32
    %add3A_134 = arith.addi %mul3A_2, %add3A_133 : i32
    "tpu.region"() ({
      %run_scoped3A = tpu.sem_alloc : memref<!tpu.dma_semaphore, #tpu.memory_space<semaphore_mem>>
      %dma_start3A = tpu.memref_slice %arg3[%add3A_134] : memref<3538944xf32, #tpu.memory_space<hbm>> -> memref<6144xf32, #tpu.memory_space<hbm>>
      %dma_start3A_186 = tpu.memref_slice %arg7[%add3A_133] : memref<1769600xf32, #tpu.memory_space<vmem_shared>> -> memref<6144xf32, #tpu.memory_space<vmem_shared>>
      tpu.enqueue_dma source(%dma_start3A_186 : memref<6144xf32, #tpu.memory_space<vmem_shared>>) target(%dma_start3A : memref<6144xf32, #tpu.memory_space<hbm>>) target_semaphore(%run_scoped3A : memref<!tpu.dma_semaphore, #tpu.memory_space<semaphore_mem>>)
      %dma_wait3A = tpu.memref_slice %arg3[%add3A_134] : memref<3538944xf32, #tpu.memory_space<hbm>> -> memref<6144xf32, #tpu.memory_space<hbm>>
      %dma_wait3A_187 = tpu.memref_slice %arg7[%add3A_133] : memref<1769600xf32, #tpu.memory_space<vmem_shared>> -> memref<6144xf32, #tpu.memory_space<vmem_shared>>
      tpu.wait_dma2 semaphore(%run_scoped3A : memref<!tpu.dma_semaphore, #tpu.memory_space<semaphore_mem>>) src(%dma_wait3A_187 : memref<6144xf32, #tpu.memory_space<vmem_shared>>) dst(%dma_wait3A : memref<6144xf32, #tpu.memory_space<hbm>>)
      tpu.yield
    }) : () -> ()
    %mul3A_135 = arith.constant 110592 : i32
    %mul3A_136 = arith.muli %arg1, %mul3A_135 : i32
    %add3A_137 = arith.constant 49152 : i32
    %add3A_138 = arith.addi %mul3A_136, %add3A_137 : i32
    %add3A_139 = arith.addi %mul3A_2, %add3A_138 : i32
    "tpu.region"() ({
      %run_scoped3A = tpu.sem_alloc : memref<!tpu.dma_semaphore, #tpu.memory_space<semaphore_mem>>
      %dma_start3A = tpu.memref_slice %arg3[%add3A_139] : memref<3538944xf32, #tpu.memory_space<hbm>> -> memref<6144xf32, #tpu.memory_space<hbm>>
      %dma_start3A_186 = tpu.memref_slice %arg7[%add3A_138] : memref<1769600xf32, #tpu.memory_space<vmem_shared>> -> memref<6144xf32, #tpu.memory_space<vmem_shared>>
      tpu.enqueue_dma source(%dma_start3A_186 : memref<6144xf32, #tpu.memory_space<vmem_shared>>) target(%dma_start3A : memref<6144xf32, #tpu.memory_space<hbm>>) target_semaphore(%run_scoped3A : memref<!tpu.dma_semaphore, #tpu.memory_space<semaphore_mem>>)
      %dma_wait3A = tpu.memref_slice %arg3[%add3A_139] : memref<3538944xf32, #tpu.memory_space<hbm>> -> memref<6144xf32, #tpu.memory_space<hbm>>
      %dma_wait3A_187 = tpu.memref_slice %arg7[%add3A_138] : memref<1769600xf32, #tpu.memory_space<vmem_shared>> -> memref<6144xf32, #tpu.memory_space<vmem_shared>>
      tpu.wait_dma2 semaphore(%run_scoped3A : memref<!tpu.dma_semaphore, #tpu.memory_space<semaphore_mem>>) src(%dma_wait3A_187 : memref<6144xf32, #tpu.memory_space<vmem_shared>>) dst(%dma_wait3A : memref<6144xf32, #tpu.memory_space<hbm>>)
      tpu.yield
    }) : () -> ()
    %mul3A_140 = arith.constant 110592 : i32
    %mul3A_141 = arith.muli %arg1, %mul3A_140 : i32
    %add3A_142 = arith.constant 55296 : i32
    %add3A_143 = arith.addi %mul3A_141, %add3A_142 : i32
    %add3A_144 = arith.addi %mul3A_2, %add3A_143 : i32
    "tpu.region"() ({
      %run_scoped3A = tpu.sem_alloc : memref<!tpu.dma_semaphore, #tpu.memory_space<semaphore_mem>>
      %dma_start3A = tpu.memref_slice %arg3[%add3A_144] : memref<3538944xf32, #tpu.memory_space<hbm>> -> memref<6144xf32, #tpu.memory_space<hbm>>
      %dma_start3A_186 = tpu.memref_slice %arg7[%add3A_143] : memref<1769600xf32, #tpu.memory_space<vmem_shared>> -> memref<6144xf32, #tpu.memory_space<vmem_shared>>
      tpu.enqueue_dma source(%dma_start3A_186 : memref<6144xf32, #tpu.memory_space<vmem_shared>>) target(%dma_start3A : memref<6144xf32, #tpu.memory_space<hbm>>) target_semaphore(%run_scoped3A : memref<!tpu.dma_semaphore, #tpu.memory_space<semaphore_mem>>)
      %dma_wait3A = tpu.memref_slice %arg3[%add3A_144] : memref<3538944xf32, #tpu.memory_space<hbm>> -> memref<6144xf32, #tpu.memory_space<hbm>>
      %dma_wait3A_187 = tpu.memref_slice %arg7[%add3A_143] : memref<1769600xf32, #tpu.memory_space<vmem_shared>> -> memref<6144xf32, #tpu.memory_space<vmem_shared>>
      tpu.wait_dma2 semaphore(%run_scoped3A : memref<!tpu.dma_semaphore, #tpu.memory_space<semaphore_mem>>) src(%dma_wait3A_187 : memref<6144xf32, #tpu.memory_space<vmem_shared>>) dst(%dma_wait3A : memref<6144xf32, #tpu.memory_space<hbm>>)
      tpu.yield
    }) : () -> ()
    %mul3A_145 = arith.constant 110592 : i32
    %mul3A_146 = arith.muli %arg1, %mul3A_145 : i32
    %add3A_147 = arith.constant 61440 : i32
    %add3A_148 = arith.addi %mul3A_146, %add3A_147 : i32
    %add3A_149 = arith.addi %mul3A_2, %add3A_148 : i32
    "tpu.region"() ({
      %run_scoped3A = tpu.sem_alloc : memref<!tpu.dma_semaphore, #tpu.memory_space<semaphore_mem>>
      %dma_start3A = tpu.memref_slice %arg3[%add3A_149] : memref<3538944xf32, #tpu.memory_space<hbm>> -> memref<6144xf32, #tpu.memory_space<hbm>>
      %dma_start3A_186 = tpu.memref_slice %arg7[%add3A_148] : memref<1769600xf32, #tpu.memory_space<vmem_shared>> -> memref<6144xf32, #tpu.memory_space<vmem_shared>>
      tpu.enqueue_dma source(%dma_start3A_186 : memref<6144xf32, #tpu.memory_space<vmem_shared>>) target(%dma_start3A : memref<6144xf32, #tpu.memory_space<hbm>>) target_semaphore(%run_scoped3A : memref<!tpu.dma_semaphore, #tpu.memory_space<semaphore_mem>>)
      %dma_wait3A = tpu.memref_slice %arg3[%add3A_149] : memref<3538944xf32, #tpu.memory_space<hbm>> -> memref<6144xf32, #tpu.memory_space<hbm>>
      %dma_wait3A_187 = tpu.memref_slice %arg7[%add3A_148] : memref<1769600xf32, #tpu.memory_space<vmem_shared>> -> memref<6144xf32, #tpu.memory_space<vmem_shared>>
      tpu.wait_dma2 semaphore(%run_scoped3A : memref<!tpu.dma_semaphore, #tpu.memory_space<semaphore_mem>>) src(%dma_wait3A_187 : memref<6144xf32, #tpu.memory_space<vmem_shared>>) dst(%dma_wait3A : memref<6144xf32, #tpu.memory_space<hbm>>)
      tpu.yield
    }) : () -> ()
    %mul3A_150 = arith.constant 110592 : i32
    %mul3A_151 = arith.muli %arg1, %mul3A_150 : i32
    %add3A_152 = arith.constant 67584 : i32
    %add3A_153 = arith.addi %mul3A_151, %add3A_152 : i32
    %add3A_154 = arith.addi %mul3A_2, %add3A_153 : i32
    "tpu.region"() ({
      %run_scoped3A = tpu.sem_alloc : memref<!tpu.dma_semaphore, #tpu.memory_space<semaphore_mem>>
      %dma_start3A = tpu.memref_slice %arg3[%add3A_154] : memref<3538944xf32, #tpu.memory_space<hbm>> -> memref<6144xf32, #tpu.memory_space<hbm>>
      %dma_start3A_186 = tpu.memref_slice %arg7[%add3A_153] : memref<1769600xf32, #tpu.memory_space<vmem_shared>> -> memref<6144xf32, #tpu.memory_space<vmem_shared>>
      tpu.enqueue_dma source(%dma_start3A_186 : memref<6144xf32, #tpu.memory_space<vmem_shared>>) target(%dma_start3A : memref<6144xf32, #tpu.memory_space<hbm>>) target_semaphore(%run_scoped3A : memref<!tpu.dma_semaphore, #tpu.memory_space<semaphore_mem>>)
      %dma_wait3A = tpu.memref_slice %arg3[%add3A_154] : memref<3538944xf32, #tpu.memory_space<hbm>> -> memref<6144xf32, #tpu.memory_space<hbm>>
      %dma_wait3A_187 = tpu.memref_slice %arg7[%add3A_153] : memref<1769600xf32, #tpu.memory_space<vmem_shared>> -> memref<6144xf32, #tpu.memory_space<vmem_shared>>
      tpu.wait_dma2 semaphore(%run_scoped3A : memref<!tpu.dma_semaphore, #tpu.memory_space<semaphore_mem>>) src(%dma_wait3A_187 : memref<6144xf32, #tpu.memory_space<vmem_shared>>) dst(%dma_wait3A : memref<6144xf32, #tpu.memory_space<hbm>>)
      tpu.yield
    }) : () -> ()
    %mul3A_155 = arith.constant 110592 : i32
    %mul3A_156 = arith.muli %arg1, %mul3A_155 : i32
    %add3A_157 = arith.constant 73728 : i32
    %add3A_158 = arith.addi %mul3A_156, %add3A_157 : i32
    %add3A_159 = arith.addi %mul3A_2, %add3A_158 : i32
    "tpu.region"() ({
      %run_scoped3A = tpu.sem_alloc : memref<!tpu.dma_semaphore, #tpu.memory_space<semaphore_mem>>
      %dma_start3A = tpu.memref_slice %arg3[%add3A_159] : memref<3538944xf32, #tpu.memory_space<hbm>> -> memref<6144xf32, #tpu.memory_space<hbm>>
      %dma_start3A_186 = tpu.memref_slice %arg7[%add3A_158] : memref<1769600xf32, #tpu.memory_space<vmem_shared>> -> memref<6144xf32, #tpu.memory_space<vmem_shared>>
      tpu.enqueue_dma source(%dma_start3A_186 : memref<6144xf32, #tpu.memory_space<vmem_shared>>) target(%dma_start3A : memref<6144xf32, #tpu.memory_space<hbm>>) target_semaphore(%run_scoped3A : memref<!tpu.dma_semaphore, #tpu.memory_space<semaphore_mem>>)
      %dma_wait3A = tpu.memref_slice %arg3[%add3A_159] : memref<3538944xf32, #tpu.memory_space<hbm>> -> memref<6144xf32, #tpu.memory_space<hbm>>
      %dma_wait3A_187 = tpu.memref_slice %arg7[%add3A_158] : memref<1769600xf32, #tpu.memory_space<vmem_shared>> -> memref<6144xf32, #tpu.memory_space<vmem_shared>>
      tpu.wait_dma2 semaphore(%run_scoped3A : memref<!tpu.dma_semaphore, #tpu.memory_space<semaphore_mem>>) src(%dma_wait3A_187 : memref<6144xf32, #tpu.memory_space<vmem_shared>>) dst(%dma_wait3A : memref<6144xf32, #tpu.memory_space<hbm>>)
      tpu.yield
    }) : () -> ()
    %mul3A_160 = arith.constant 110592 : i32
    %mul3A_161 = arith.muli %arg1, %mul3A_160 : i32
    %add3A_162 = arith.constant 79872 : i32
    %add3A_163 = arith.addi %mul3A_161, %add3A_162 : i32
    %add3A_164 = arith.addi %mul3A_2, %add3A_163 : i32
    "tpu.region"() ({
      %run_scoped3A = tpu.sem_alloc : memref<!tpu.dma_semaphore, #tpu.memory_space<semaphore_mem>>
      %dma_start3A = tpu.memref_slice %arg3[%add3A_164] : memref<3538944xf32, #tpu.memory_space<hbm>> -> memref<6144xf32, #tpu.memory_space<hbm>>
      %dma_start3A_186 = tpu.memref_slice %arg7[%add3A_163] : memref<1769600xf32, #tpu.memory_space<vmem_shared>> -> memref<6144xf32, #tpu.memory_space<vmem_shared>>
      tpu.enqueue_dma source(%dma_start3A_186 : memref<6144xf32, #tpu.memory_space<vmem_shared>>) target(%dma_start3A : memref<6144xf32, #tpu.memory_space<hbm>>) target_semaphore(%run_scoped3A : memref<!tpu.dma_semaphore, #tpu.memory_space<semaphore_mem>>)
      %dma_wait3A = tpu.memref_slice %arg3[%add3A_164] : memref<3538944xf32, #tpu.memory_space<hbm>> -> memref<6144xf32, #tpu.memory_space<hbm>>
      %dma_wait3A_187 = tpu.memref_slice %arg7[%add3A_163] : memref<1769600xf32, #tpu.memory_space<vmem_shared>> -> memref<6144xf32, #tpu.memory_space<vmem_shared>>
      tpu.wait_dma2 semaphore(%run_scoped3A : memref<!tpu.dma_semaphore, #tpu.memory_space<semaphore_mem>>) src(%dma_wait3A_187 : memref<6144xf32, #tpu.memory_space<vmem_shared>>) dst(%dma_wait3A : memref<6144xf32, #tpu.memory_space<hbm>>)
      tpu.yield
    }) : () -> ()
    %mul3A_165 = arith.constant 110592 : i32
    %mul3A_166 = arith.muli %arg1, %mul3A_165 : i32
    %add3A_167 = arith.constant 86016 : i32
    %add3A_168 = arith.addi %mul3A_166, %add3A_167 : i32
    %add3A_169 = arith.addi %mul3A_2, %add3A_168 : i32
    "tpu.region"() ({
      %run_scoped3A = tpu.sem_alloc : memref<!tpu.dma_semaphore, #tpu.memory_space<semaphore_mem>>
      %dma_start3A = tpu.memref_slice %arg3[%add3A_169] : memref<3538944xf32, #tpu.memory_space<hbm>> -> memref<6144xf32, #tpu.memory_space<hbm>>
      %dma_start3A_186 = tpu.memref_slice %arg7[%add3A_168] : memref<1769600xf32, #tpu.memory_space<vmem_shared>> -> memref<6144xf32, #tpu.memory_space<vmem_shared>>
      tpu.enqueue_dma source(%dma_start3A_186 : memref<6144xf32, #tpu.memory_space<vmem_shared>>) target(%dma_start3A : memref<6144xf32, #tpu.memory_space<hbm>>) target_semaphore(%run_scoped3A : memref<!tpu.dma_semaphore, #tpu.memory_space<semaphore_mem>>)
      %dma_wait3A = tpu.memref_slice %arg3[%add3A_169] : memref<3538944xf32, #tpu.memory_space<hbm>> -> memref<6144xf32, #tpu.memory_space<hbm>>
      %dma_wait3A_187 = tpu.memref_slice %arg7[%add3A_168] : memref<1769600xf32, #tpu.memory_space<vmem_shared>> -> memref<6144xf32, #tpu.memory_space<vmem_shared>>
      tpu.wait_dma2 semaphore(%run_scoped3A : memref<!tpu.dma_semaphore, #tpu.memory_space<semaphore_mem>>) src(%dma_wait3A_187 : memref<6144xf32, #tpu.memory_space<vmem_shared>>) dst(%dma_wait3A : memref<6144xf32, #tpu.memory_space<hbm>>)
      tpu.yield
    }) : () -> ()
    %mul3A_170 = arith.constant 110592 : i32
    %mul3A_171 = arith.muli %arg1, %mul3A_170 : i32
    %add3A_172 = arith.constant 92160 : i32
    %add3A_173 = arith.addi %mul3A_171, %add3A_172 : i32
    %add3A_174 = arith.addi %mul3A_2, %add3A_173 : i32
    "tpu.region"() ({
      %run_scoped3A = tpu.sem_alloc : memref<!tpu.dma_semaphore, #tpu.memory_space<semaphore_mem>>
      %dma_start3A = tpu.memref_slice %arg3[%add3A_174] : memref<3538944xf32, #tpu.memory_space<hbm>> -> memref<6144xf32, #tpu.memory_space<hbm>>
      %dma_start3A_186 = tpu.memref_slice %arg7[%add3A_173] : memref<1769600xf32, #tpu.memory_space<vmem_shared>> -> memref<6144xf32, #tpu.memory_space<vmem_shared>>
      tpu.enqueue_dma source(%dma_start3A_186 : memref<6144xf32, #tpu.memory_space<vmem_shared>>) target(%dma_start3A : memref<6144xf32, #tpu.memory_space<hbm>>) target_semaphore(%run_scoped3A : memref<!tpu.dma_semaphore, #tpu.memory_space<semaphore_mem>>)
      %dma_wait3A = tpu.memref_slice %arg3[%add3A_174] : memref<3538944xf32, #tpu.memory_space<hbm>> -> memref<6144xf32, #tpu.memory_space<hbm>>
      %dma_wait3A_187 = tpu.memref_slice %arg7[%add3A_173] : memref<1769600xf32, #tpu.memory_space<vmem_shared>> -> memref<6144xf32, #tpu.memory_space<vmem_shared>>
      tpu.wait_dma2 semaphore(%run_scoped3A : memref<!tpu.dma_semaphore, #tpu.memory_space<semaphore_mem>>) src(%dma_wait3A_187 : memref<6144xf32, #tpu.memory_space<vmem_shared>>) dst(%dma_wait3A : memref<6144xf32, #tpu.memory_space<hbm>>)
      tpu.yield
    }) : () -> ()
    %mul3A_175 = arith.constant 110592 : i32
    %mul3A_176 = arith.muli %arg1, %mul3A_175 : i32
    %add3A_177 = arith.constant 98304 : i32
    %add3A_178 = arith.addi %mul3A_176, %add3A_177 : i32
    %add3A_179 = arith.addi %mul3A_2, %add3A_178 : i32
    "tpu.region"() ({
      %run_scoped3A = tpu.sem_alloc : memref<!tpu.dma_semaphore, #tpu.memory_space<semaphore_mem>>
      %dma_start3A = tpu.memref_slice %arg3[%add3A_179] : memref<3538944xf32, #tpu.memory_space<hbm>> -> memref<6144xf32, #tpu.memory_space<hbm>>
      %dma_start3A_186 = tpu.memref_slice %arg7[%add3A_178] : memref<1769600xf32, #tpu.memory_space<vmem_shared>> -> memref<6144xf32, #tpu.memory_space<vmem_shared>>
      tpu.enqueue_dma source(%dma_start3A_186 : memref<6144xf32, #tpu.memory_space<vmem_shared>>) target(%dma_start3A : memref<6144xf32, #tpu.memory_space<hbm>>) target_semaphore(%run_scoped3A : memref<!tpu.dma_semaphore, #tpu.memory_space<semaphore_mem>>)
      %dma_wait3A = tpu.memref_slice %arg3[%add3A_179] : memref<3538944xf32, #tpu.memory_space<hbm>> -> memref<6144xf32, #tpu.memory_space<hbm>>
      %dma_wait3A_187 = tpu.memref_slice %arg7[%add3A_178] : memref<1769600xf32, #tpu.memory_space<vmem_shared>> -> memref<6144xf32, #tpu.memory_space<vmem_shared>>
      tpu.wait_dma2 semaphore(%run_scoped3A : memref<!tpu.dma_semaphore, #tpu.memory_space<semaphore_mem>>) src(%dma_wait3A_187 : memref<6144xf32, #tpu.memory_space<vmem_shared>>) dst(%dma_wait3A : memref<6144xf32, #tpu.memory_space<hbm>>)
      tpu.yield
    }) : () -> ()
    %mul3A_180 = arith.constant 110592 : i32
    %mul3A_181 = arith.muli %arg1, %mul3A_180 : i32
    %add3A_182 = arith.constant 104448 : i32
    %add3A_183 = arith.addi %mul3A_181, %add3A_182 : i32
    %add3A_184 = arith.addi %mul3A_2, %add3A_183 : i32
    "tpu.region"() ({
      %run_scoped3A = tpu.sem_alloc : memref<!tpu.dma_semaphore, #tpu.memory_space<semaphore_mem>>
      %dma_start3A = tpu.memref_slice %arg3[%add3A_184] : memref<3538944xf32, #tpu.memory_space<hbm>> -> memref<6144xf32, #tpu.memory_space<hbm>>
      %dma_start3A_186 = tpu.memref_slice %arg7[%add3A_183] : memref<1769600xf32, #tpu.memory_space<vmem_shared>> -> memref<6144xf32, #tpu.memory_space<vmem_shared>>
      tpu.enqueue_dma source(%dma_start3A_186 : memref<6144xf32, #tpu.memory_space<vmem_shared>>) target(%dma_start3A : memref<6144xf32, #tpu.memory_space<hbm>>) target_semaphore(%run_scoped3A : memref<!tpu.dma_semaphore, #tpu.memory_space<semaphore_mem>>)
      %dma_wait3A = tpu.memref_slice %arg3[%add3A_184] : memref<3538944xf32, #tpu.memory_space<hbm>> -> memref<6144xf32, #tpu.memory_space<hbm>>
      %dma_wait3A_187 = tpu.memref_slice %arg7[%add3A_183] : memref<1769600xf32, #tpu.memory_space<vmem_shared>> -> memref<6144xf32, #tpu.memory_space<vmem_shared>>
      tpu.wait_dma2 semaphore(%run_scoped3A : memref<!tpu.dma_semaphore, #tpu.memory_space<semaphore_mem>>) src(%dma_wait3A_187 : memref<6144xf32, #tpu.memory_space<vmem_shared>>) dst(%dma_wait3A : memref<6144xf32, #tpu.memory_space<hbm>>)
      tpu.yield
    }) : () -> ()
    %barrier3A_185 = arith.constant 0 : index
    tpu.barrier barrier_id(%barrier3A_185)
    return
  }
}

#map = affine_map<(d0, d1) -> (0)>
module attributes {stable_mosaic.version = 14 : i64} {
  func.func @_sc_scatter(%arg0: i32, %arg1: i32, %arg2: memref<14155776xi32, #tpu.memory_space<hbm>>, %arg3: memref<3538944xf32, #tpu.memory_space<hbm>>, %arg4: memref<6144xi32, #tpu.memory_space<vmem>>, %arg5: memref<6144xi32, #tpu.memory_space<vmem>>, %arg6: memref<6144xf32, #tpu.memory_space<vmem>>, %arg7: memref<1769600xf32, #tpu.memory_space<vmem_shared>>, %arg8: memref<!tpu.dma_semaphore, #tpu.memory_space<semaphore_mem>>, %arg9: memref<!tpu.dma_semaphore, #tpu.memory_space<semaphore_mem>>) attributes {dimension_semantics = [#tpu.dimension_semantics<core_parallel>, #tpu.dimension_semantics<subcore_parallel>], iteration_bounds = array<i64: 2, 16>, scalar_prefetch = 0 : i64, scratch_operands = 6 : i64, tpu.core_type = #tpu.core_type<sc_vector_subcore>, window_params = [{transform_indices = #map}, {transform_indices = #map}]} {
    %mul3A = arith.constant 442368 : i32
    %mul3A_0 = arith.muli %arg1, %mul3A : i32
    %mul3A_1 = arith.constant 1769472 : i32
    %mul3A_2 = arith.muli %arg0, %mul3A_1 : i32
    %mul3A_3 = arith.constant 7077888 : i32
    %mul3A_4 = arith.muli %arg0, %mul3A_3 : i32
    %add3A = arith.addi %mul3A_4, %mul3A_0 : i32
    %scan3A = arith.constant 0 : i32
    %scan3A_5 = arith.constant 0 : i32
    %scan3A_6 = arith.constant 384 : i32
    %scan3A_7 = arith.addi %scan3A_5, %scan3A_6 : i32
    %scan3A_8 = arith.constant 1 : i32
    scf.for %scan3A_186 = %scan3A_5 to %scan3A_7 step %scan3A_8  : i32 {
      %broadcast_in_dim3A = arith.constant 0.000000e+00 : f32
      %broadcast_in_dim3A_187 = vector.broadcast %broadcast_in_dim3A : f32 to vector<16xf32>
      %mul3A_188 = arith.constant 16 : i32
      %mul3A_189 = arith.muli %scan3A_186, %mul3A_188 : i32
      %swap3A = arith.index_cast %mul3A_189 : i32 to index
      %swap3A_190 = tpu.vector_load %arg6[%swap3A] {strides = array<i32>} : memref<6144xf32, #tpu.memory_space<vmem>>, vector<16xf32>,
      %swap3A_191 = vector.shape_cast %swap3A_190 : vector<16xf32> to vector<16xf32>
      %swap3A_192 = vector.shape_cast %broadcast_in_dim3A_187 : vector<16xf32> to vector<16xf32>
      tpu.vector_store %arg6[%swap3A], %swap3A_192 {strides = array<i32>} : memref<6144xf32, #tpu.memory_space<vmem>>, vector<16xf32>,
    }
    %scan3A_9 = arith.constant 384 : i32
    %mul3A_10 = arith.constant 110592 : i32
    %mul3A_11 = arith.muli %arg1, %mul3A_10 : i32
    %add3A_12 = arith.constant 0 : i32
    %add3A_13 = arith.addi %mul3A_11, %add3A_12 : i32
    "tpu.region"() ({
      %run_scoped3A = tpu.sem_alloc : memref<!tpu.dma_semaphore, #tpu.memory_space<semaphore_mem>>
      %dma_start3A = tpu.memref_slice %arg7[%add3A_13] : memref<1769600xf32, #tpu.memory_space<vmem_shared>> -> memref<6144xf32, #tpu.memory_space<vmem_shared>>
      %dma_start3A_186 = tpu.memref_slice %arg7[%add3A_13] : memref<1769600xf32, #tpu.memory_space<vmem_shared>> -> memref<6144xf32, #tpu.memory_space<vmem_shared>>
      tpu.enqueue_dma source(%arg6 : memref<6144xf32, #tpu.memory_space<vmem>>) target(%dma_start3A_186 : memref<6144xf32, #tpu.memory_space<vmem_shared>>) target_semaphore(%run_scoped3A : memref<!tpu.dma_semaphore, #tpu.memory_space<semaphore_mem>>)
      %dma_wait3A = tpu.memref_slice %arg7[%add3A_13] : memref<1769600xf32, #tpu.memory_space<vmem_shared>> -> memref<6144xf32, #tpu.memory_space<vmem_shared>>
      %dma_wait3A_187 = tpu.memref_slice %arg7[%add3A_13] : memref<1769600xf32, #tpu.memory_space<vmem_shared>> -> memref<6144xf32, #tpu.memory_space<vmem_shared>>
      tpu.wait_dma2 semaphore(%run_scoped3A : memref<!tpu.dma_semaphore, #tpu.memory_space<semaphore_mem>>) src(%arg6 : memref<6144xf32, #tpu.memory_space<vmem>>) dst(%dma_wait3A_187 : memref<6144xf32, #tpu.memory_space<vmem_shared>>)
      tpu.yield
    }) : () -> ()
    %mul3A_14 = arith.constant 110592 : i32
    %mul3A_15 = arith.muli %arg1, %mul3A_14 : i32
    %add3A_16 = arith.constant 6144 : i32
    %add3A_17 = arith.addi %mul3A_15, %add3A_16 : i32
    "tpu.region"() ({
      %run_scoped3A = tpu.sem_alloc : memref<!tpu.dma_semaphore, #tpu.memory_space<semaphore_mem>>
      %dma_start3A = tpu.memref_slice %arg7[%add3A_17] : memref<1769600xf32, #tpu.memory_space<vmem_shared>> -> memref<6144xf32, #tpu.memory_space<vmem_shared>>
      %dma_start3A_186 = tpu.memref_slice %arg7[%add3A_17] : memref<1769600xf32, #tpu.memory_space<vmem_shared>> -> memref<6144xf32, #tpu.memory_space<vmem_shared>>
      tpu.enqueue_dma source(%arg6 : memref<6144xf32, #tpu.memory_space<vmem>>) target(%dma_start3A_186 : memref<6144xf32, #tpu.memory_space<vmem_shared>>) target_semaphore(%run_scoped3A : memref<!tpu.dma_semaphore, #tpu.memory_space<semaphore_mem>>)
      %dma_wait3A = tpu.memref_slice %arg7[%add3A_17] : memref<1769600xf32, #tpu.memory_space<vmem_shared>> -> memref<6144xf32, #tpu.memory_space<vmem_shared>>
      %dma_wait3A_187 = tpu.memref_slice %arg7[%add3A_17] : memref<1769600xf32, #tpu.memory_space<vmem_shared>> -> memref<6144xf32, #tpu.memory_space<vmem_shared>>
      tpu.wait_dma2 semaphore(%run_scoped3A : memref<!tpu.dma_semaphore, #tpu.memory_space<semaphore_mem>>) src(%arg6 : memref<6144xf32, #tpu.memory_space<vmem>>) dst(%dma_wait3A_187 : memref<6144xf32, #tpu.memory_space<vmem_shared>>)
      tpu.yield
    }) : () -> ()
    %mul3A_18 = arith.constant 110592 : i32
    %mul3A_19 = arith.muli %arg1, %mul3A_18 : i32
    %add3A_20 = arith.constant 12288 : i32
    %add3A_21 = arith.addi %mul3A_19, %add3A_20 : i32
    "tpu.region"() ({
      %run_scoped3A = tpu.sem_alloc : memref<!tpu.dma_semaphore, #tpu.memory_space<semaphore_mem>>
      %dma_start3A = tpu.memref_slice %arg7[%add3A_21] : memref<1769600xf32, #tpu.memory_space<vmem_shared>> -> memref<6144xf32, #tpu.memory_space<vmem_shared>>
      %dma_start3A_186 = tpu.memref_slice %arg7[%add3A_21] : memref<1769600xf32, #tpu.memory_space<vmem_shared>> -> memref<6144xf32, #tpu.memory_space<vmem_shared>>
      tpu.enqueue_dma source(%arg6 : memref<6144xf32, #tpu.memory_space<vmem>>) target(%dma_start3A_186 : memref<6144xf32, #tpu.memory_space<vmem_shared>>) target_semaphore(%run_scoped3A : memref<!tpu.dma_semaphore, #tpu.memory_space<semaphore_mem>>)
      %dma_wait3A = tpu.memref_slice %arg7[%add3A_21] : memref<1769600xf32, #tpu.memory_space<vmem_shared>> -> memref<6144xf32, #tpu.memory_space<vmem_shared>>
      %dma_wait3A_187 = tpu.memref_slice %arg7[%add3A_21] : memref<1769600xf32, #tpu.memory_space<vmem_shared>> -> memref<6144xf32, #tpu.memory_space<vmem_shared>>
      tpu.wait_dma2 semaphore(%run_scoped3A : memref<!tpu.dma_semaphore, #tpu.memory_space<semaphore_mem>>) src(%arg6 : memref<6144xf32, #tpu.memory_space<vmem>>) dst(%dma_wait3A_187 : memref<6144xf32, #tpu.memory_space<vmem_shared>>)
      tpu.yield
    }) : () -> ()
    %mul3A_22 = arith.constant 110592 : i32
    %mul3A_23 = arith.muli %arg1, %mul3A_22 : i32
    %add3A_24 = arith.constant 18432 : i32
    %add3A_25 = arith.addi %mul3A_23, %add3A_24 : i32
    "tpu.region"() ({
      %run_scoped3A = tpu.sem_alloc : memref<!tpu.dma_semaphore, #tpu.memory_space<semaphore_mem>>
      %dma_start3A = tpu.memref_slice %arg7[%add3A_25] : memref<1769600xf32, #tpu.memory_space<vmem_shared>> -> memref<6144xf32, #tpu.memory_space<vmem_shared>>
      %dma_start3A_186 = tpu.memref_slice %arg7[%add3A_25] : memref<1769600xf32, #tpu.memory_space<vmem_shared>> -> memref<6144xf32, #tpu.memory_space<vmem_shared>>
      tpu.enqueue_dma source(%arg6 : memref<6144xf32, #tpu.memory_space<vmem>>) target(%dma_start3A_186 : memref<6144xf32, #tpu.memory_space<vmem_shared>>) target_semaphore(%run_scoped3A : memref<!tpu.dma_semaphore, #tpu.memory_space<semaphore_mem>>)
      %dma_wait3A = tpu.memref_slice %arg7[%add3A_25] : memref<1769600xf32, #tpu.memory_space<vmem_shared>> -> memref<6144xf32, #tpu.memory_space<vmem_shared>>
      %dma_wait3A_187 = tpu.memref_slice %arg7[%add3A_25] : memref<1769600xf32, #tpu.memory_space<vmem_shared>> -> memref<6144xf32, #tpu.memory_space<vmem_shared>>
      tpu.wait_dma2 semaphore(%run_scoped3A : memref<!tpu.dma_semaphore, #tpu.memory_space<semaphore_mem>>) src(%arg6 : memref<6144xf32, #tpu.memory_space<vmem>>) dst(%dma_wait3A_187 : memref<6144xf32, #tpu.memory_space<vmem_shared>>)
      tpu.yield
    }) : () -> ()
    %mul3A_26 = arith.constant 110592 : i32
    %mul3A_27 = arith.muli %arg1, %mul3A_26 : i32
    %add3A_28 = arith.constant 24576 : i32
    %add3A_29 = arith.addi %mul3A_27, %add3A_28 : i32
    "tpu.region"() ({
      %run_scoped3A = tpu.sem_alloc : memref<!tpu.dma_semaphore, #tpu.memory_space<semaphore_mem>>
      %dma_start3A = tpu.memref_slice %arg7[%add3A_29] : memref<1769600xf32, #tpu.memory_space<vmem_shared>> -> memref<6144xf32, #tpu.memory_space<vmem_shared>>
      %dma_start3A_186 = tpu.memref_slice %arg7[%add3A_29] : memref<1769600xf32, #tpu.memory_space<vmem_shared>> -> memref<6144xf32, #tpu.memory_space<vmem_shared>>
      tpu.enqueue_dma source(%arg6 : memref<6144xf32, #tpu.memory_space<vmem>>) target(%dma_start3A_186 : memref<6144xf32, #tpu.memory_space<vmem_shared>>) target_semaphore(%run_scoped3A : memref<!tpu.dma_semaphore, #tpu.memory_space<semaphore_mem>>)
      %dma_wait3A = tpu.memref_slice %arg7[%add3A_29] : memref<1769600xf32, #tpu.memory_space<vmem_shared>> -> memref<6144xf32, #tpu.memory_space<vmem_shared>>
      %dma_wait3A_187 = tpu.memref_slice %arg7[%add3A_29] : memref<1769600xf32, #tpu.memory_space<vmem_shared>> -> memref<6144xf32, #tpu.memory_space<vmem_shared>>
      tpu.wait_dma2 semaphore(%run_scoped3A : memref<!tpu.dma_semaphore, #tpu.memory_space<semaphore_mem>>) src(%arg6 : memref<6144xf32, #tpu.memory_space<vmem>>) dst(%dma_wait3A_187 : memref<6144xf32, #tpu.memory_space<vmem_shared>>)
      tpu.yield
    }) : () -> ()
    %mul3A_30 = arith.constant 110592 : i32
    %mul3A_31 = arith.muli %arg1, %mul3A_30 : i32
    %add3A_32 = arith.constant 30720 : i32
    %add3A_33 = arith.addi %mul3A_31, %add3A_32 : i32
    "tpu.region"() ({
      %run_scoped3A = tpu.sem_alloc : memref<!tpu.dma_semaphore, #tpu.memory_space<semaphore_mem>>
      %dma_start3A = tpu.memref_slice %arg7[%add3A_33] : memref<1769600xf32, #tpu.memory_space<vmem_shared>> -> memref<6144xf32, #tpu.memory_space<vmem_shared>>
      %dma_start3A_186 = tpu.memref_slice %arg7[%add3A_33] : memref<1769600xf32, #tpu.memory_space<vmem_shared>> -> memref<6144xf32, #tpu.memory_space<vmem_shared>>
      tpu.enqueue_dma source(%arg6 : memref<6144xf32, #tpu.memory_space<vmem>>) target(%dma_start3A_186 : memref<6144xf32, #tpu.memory_space<vmem_shared>>) target_semaphore(%run_scoped3A : memref<!tpu.dma_semaphore, #tpu.memory_space<semaphore_mem>>)
      %dma_wait3A = tpu.memref_slice %arg7[%add3A_33] : memref<1769600xf32, #tpu.memory_space<vmem_shared>> -> memref<6144xf32, #tpu.memory_space<vmem_shared>>
      %dma_wait3A_187 = tpu.memref_slice %arg7[%add3A_33] : memref<1769600xf32, #tpu.memory_space<vmem_shared>> -> memref<6144xf32, #tpu.memory_space<vmem_shared>>
      tpu.wait_dma2 semaphore(%run_scoped3A : memref<!tpu.dma_semaphore, #tpu.memory_space<semaphore_mem>>) src(%arg6 : memref<6144xf32, #tpu.memory_space<vmem>>) dst(%dma_wait3A_187 : memref<6144xf32, #tpu.memory_space<vmem_shared>>)
      tpu.yield
    }) : () -> ()
    %mul3A_34 = arith.constant 110592 : i32
    %mul3A_35 = arith.muli %arg1, %mul3A_34 : i32
    %add3A_36 = arith.constant 36864 : i32
    %add3A_37 = arith.addi %mul3A_35, %add3A_36 : i32
    "tpu.region"() ({
      %run_scoped3A = tpu.sem_alloc : memref<!tpu.dma_semaphore, #tpu.memory_space<semaphore_mem>>
      %dma_start3A = tpu.memref_slice %arg7[%add3A_37] : memref<1769600xf32, #tpu.memory_space<vmem_shared>> -> memref<6144xf32, #tpu.memory_space<vmem_shared>>
      %dma_start3A_186 = tpu.memref_slice %arg7[%add3A_37] : memref<1769600xf32, #tpu.memory_space<vmem_shared>> -> memref<6144xf32, #tpu.memory_space<vmem_shared>>
      tpu.enqueue_dma source(%arg6 : memref<6144xf32, #tpu.memory_space<vmem>>) target(%dma_start3A_186 : memref<6144xf32, #tpu.memory_space<vmem_shared>>) target_semaphore(%run_scoped3A : memref<!tpu.dma_semaphore, #tpu.memory_space<semaphore_mem>>)
      %dma_wait3A = tpu.memref_slice %arg7[%add3A_37] : memref<1769600xf32, #tpu.memory_space<vmem_shared>> -> memref<6144xf32, #tpu.memory_space<vmem_shared>>
      %dma_wait3A_187 = tpu.memref_slice %arg7[%add3A_37] : memref<1769600xf32, #tpu.memory_space<vmem_shared>> -> memref<6144xf32, #tpu.memory_space<vmem_shared>>
      tpu.wait_dma2 semaphore(%run_scoped3A : memref<!tpu.dma_semaphore, #tpu.memory_space<semaphore_mem>>) src(%arg6 : memref<6144xf32, #tpu.memory_space<vmem>>) dst(%dma_wait3A_187 : memref<6144xf32, #tpu.memory_space<vmem_shared>>)
      tpu.yield
    }) : () -> ()
    %mul3A_38 = arith.constant 110592 : i32
    %mul3A_39 = arith.muli %arg1, %mul3A_38 : i32
    %add3A_40 = arith.constant 43008 : i32
    %add3A_41 = arith.addi %mul3A_39, %add3A_40 : i32
    "tpu.region"() ({
      %run_scoped3A = tpu.sem_alloc : memref<!tpu.dma_semaphore, #tpu.memory_space<semaphore_mem>>
      %dma_start3A = tpu.memref_slice %arg7[%add3A_41] : memref<1769600xf32, #tpu.memory_space<vmem_shared>> -> memref<6144xf32, #tpu.memory_space<vmem_shared>>
      %dma_start3A_186 = tpu.memref_slice %arg7[%add3A_41] : memref<1769600xf32, #tpu.memory_space<vmem_shared>> -> memref<6144xf32, #tpu.memory_space<vmem_shared>>
      tpu.enqueue_dma source(%arg6 : memref<6144xf32, #tpu.memory_space<vmem>>) target(%dma_start3A_186 : memref<6144xf32, #tpu.memory_space<vmem_shared>>) target_semaphore(%run_scoped3A : memref<!tpu.dma_semaphore, #tpu.memory_space<semaphore_mem>>)
      %dma_wait3A = tpu.memref_slice %arg7[%add3A_41] : memref<1769600xf32, #tpu.memory_space<vmem_shared>> -> memref<6144xf32, #tpu.memory_space<vmem_shared>>
      %dma_wait3A_187 = tpu.memref_slice %arg7[%add3A_41] : memref<1769600xf32, #tpu.memory_space<vmem_shared>> -> memref<6144xf32, #tpu.memory_space<vmem_shared>>
      tpu.wait_dma2 semaphore(%run_scoped3A : memref<!tpu.dma_semaphore, #tpu.memory_space<semaphore_mem>>) src(%arg6 : memref<6144xf32, #tpu.memory_space<vmem>>) dst(%dma_wait3A_187 : memref<6144xf32, #tpu.memory_space<vmem_shared>>)
      tpu.yield
    }) : () -> ()
    %mul3A_42 = arith.constant 110592 : i32
    %mul3A_43 = arith.muli %arg1, %mul3A_42 : i32
    %add3A_44 = arith.constant 49152 : i32
    %add3A_45 = arith.addi %mul3A_43, %add3A_44 : i32
    "tpu.region"() ({
      %run_scoped3A = tpu.sem_alloc : memref<!tpu.dma_semaphore, #tpu.memory_space<semaphore_mem>>
      %dma_start3A = tpu.memref_slice %arg7[%add3A_45] : memref<1769600xf32, #tpu.memory_space<vmem_shared>> -> memref<6144xf32, #tpu.memory_space<vmem_shared>>
      %dma_start3A_186 = tpu.memref_slice %arg7[%add3A_45] : memref<1769600xf32, #tpu.memory_space<vmem_shared>> -> memref<6144xf32, #tpu.memory_space<vmem_shared>>
      tpu.enqueue_dma source(%arg6 : memref<6144xf32, #tpu.memory_space<vmem>>) target(%dma_start3A_186 : memref<6144xf32, #tpu.memory_space<vmem_shared>>) target_semaphore(%run_scoped3A : memref<!tpu.dma_semaphore, #tpu.memory_space<semaphore_mem>>)
      %dma_wait3A = tpu.memref_slice %arg7[%add3A_45] : memref<1769600xf32, #tpu.memory_space<vmem_shared>> -> memref<6144xf32, #tpu.memory_space<vmem_shared>>
      %dma_wait3A_187 = tpu.memref_slice %arg7[%add3A_45] : memref<1769600xf32, #tpu.memory_space<vmem_shared>> -> memref<6144xf32, #tpu.memory_space<vmem_shared>>
      tpu.wait_dma2 semaphore(%run_scoped3A : memref<!tpu.dma_semaphore, #tpu.memory_space<semaphore_mem>>) src(%arg6 : memref<6144xf32, #tpu.memory_space<vmem>>) dst(%dma_wait3A_187 : memref<6144xf32, #tpu.memory_space<vmem_shared>>)
      tpu.yield
    }) : () -> ()
    %mul3A_46 = arith.constant 110592 : i32
    %mul3A_47 = arith.muli %arg1, %mul3A_46 : i32
    %add3A_48 = arith.constant 55296 : i32
    %add3A_49 = arith.addi %mul3A_47, %add3A_48 : i32
    "tpu.region"() ({
      %run_scoped3A = tpu.sem_alloc : memref<!tpu.dma_semaphore, #tpu.memory_space<semaphore_mem>>
      %dma_start3A = tpu.memref_slice %arg7[%add3A_49] : memref<1769600xf32, #tpu.memory_space<vmem_shared>> -> memref<6144xf32, #tpu.memory_space<vmem_shared>>
      %dma_start3A_186 = tpu.memref_slice %arg7[%add3A_49] : memref<1769600xf32, #tpu.memory_space<vmem_shared>> -> memref<6144xf32, #tpu.memory_space<vmem_shared>>
      tpu.enqueue_dma source(%arg6 : memref<6144xf32, #tpu.memory_space<vmem>>) target(%dma_start3A_186 : memref<6144xf32, #tpu.memory_space<vmem_shared>>) target_semaphore(%run_scoped3A : memref<!tpu.dma_semaphore, #tpu.memory_space<semaphore_mem>>)
      %dma_wait3A = tpu.memref_slice %arg7[%add3A_49] : memref<1769600xf32, #tpu.memory_space<vmem_shared>> -> memref<6144xf32, #tpu.memory_space<vmem_shared>>
      %dma_wait3A_187 = tpu.memref_slice %arg7[%add3A_49] : memref<1769600xf32, #tpu.memory_space<vmem_shared>> -> memref<6144xf32, #tpu.memory_space<vmem_shared>>
      tpu.wait_dma2 semaphore(%run_scoped3A : memref<!tpu.dma_semaphore, #tpu.memory_space<semaphore_mem>>) src(%arg6 : memref<6144xf32, #tpu.memory_space<vmem>>) dst(%dma_wait3A_187 : memref<6144xf32, #tpu.memory_space<vmem_shared>>)
      tpu.yield
    }) : () -> ()
    %mul3A_50 = arith.constant 110592 : i32
    %mul3A_51 = arith.muli %arg1, %mul3A_50 : i32
    %add3A_52 = arith.constant 61440 : i32
    %add3A_53 = arith.addi %mul3A_51, %add3A_52 : i32
    "tpu.region"() ({
      %run_scoped3A = tpu.sem_alloc : memref<!tpu.dma_semaphore, #tpu.memory_space<semaphore_mem>>
      %dma_start3A = tpu.memref_slice %arg7[%add3A_53] : memref<1769600xf32, #tpu.memory_space<vmem_shared>> -> memref<6144xf32, #tpu.memory_space<vmem_shared>>
      %dma_start3A_186 = tpu.memref_slice %arg7[%add3A_53] : memref<1769600xf32, #tpu.memory_space<vmem_shared>> -> memref<6144xf32, #tpu.memory_space<vmem_shared>>
      tpu.enqueue_dma source(%arg6 : memref<6144xf32, #tpu.memory_space<vmem>>) target(%dma_start3A_186 : memref<6144xf32, #tpu.memory_space<vmem_shared>>) target_semaphore(%run_scoped3A : memref<!tpu.dma_semaphore, #tpu.memory_space<semaphore_mem>>)
      %dma_wait3A = tpu.memref_slice %arg7[%add3A_53] : memref<1769600xf32, #tpu.memory_space<vmem_shared>> -> memref<6144xf32, #tpu.memory_space<vmem_shared>>
      %dma_wait3A_187 = tpu.memref_slice %arg7[%add3A_53] : memref<1769600xf32, #tpu.memory_space<vmem_shared>> -> memref<6144xf32, #tpu.memory_space<vmem_shared>>
      tpu.wait_dma2 semaphore(%run_scoped3A : memref<!tpu.dma_semaphore, #tpu.memory_space<semaphore_mem>>) src(%arg6 : memref<6144xf32, #tpu.memory_space<vmem>>) dst(%dma_wait3A_187 : memref<6144xf32, #tpu.memory_space<vmem_shared>>)
      tpu.yield
    }) : () -> ()
    %mul3A_54 = arith.constant 110592 : i32
    %mul3A_55 = arith.muli %arg1, %mul3A_54 : i32
    %add3A_56 = arith.constant 67584 : i32
    %add3A_57 = arith.addi %mul3A_55, %add3A_56 : i32
    "tpu.region"() ({
      %run_scoped3A = tpu.sem_alloc : memref<!tpu.dma_semaphore, #tpu.memory_space<semaphore_mem>>
      %dma_start3A = tpu.memref_slice %arg7[%add3A_57] : memref<1769600xf32, #tpu.memory_space<vmem_shared>> -> memref<6144xf32, #tpu.memory_space<vmem_shared>>
      %dma_start3A_186 = tpu.memref_slice %arg7[%add3A_57] : memref<1769600xf32, #tpu.memory_space<vmem_shared>> -> memref<6144xf32, #tpu.memory_space<vmem_shared>>
      tpu.enqueue_dma source(%arg6 : memref<6144xf32, #tpu.memory_space<vmem>>) target(%dma_start3A_186 : memref<6144xf32, #tpu.memory_space<vmem_shared>>) target_semaphore(%run_scoped3A : memref<!tpu.dma_semaphore, #tpu.memory_space<semaphore_mem>>)
      %dma_wait3A = tpu.memref_slice %arg7[%add3A_57] : memref<1769600xf32, #tpu.memory_space<vmem_shared>> -> memref<6144xf32, #tpu.memory_space<vmem_shared>>
      %dma_wait3A_187 = tpu.memref_slice %arg7[%add3A_57] : memref<1769600xf32, #tpu.memory_space<vmem_shared>> -> memref<6144xf32, #tpu.memory_space<vmem_shared>>
      tpu.wait_dma2 semaphore(%run_scoped3A : memref<!tpu.dma_semaphore, #tpu.memory_space<semaphore_mem>>) src(%arg6 : memref<6144xf32, #tpu.memory_space<vmem>>) dst(%dma_wait3A_187 : memref<6144xf32, #tpu.memory_space<vmem_shared>>)
      tpu.yield
    }) : () -> ()
    %mul3A_58 = arith.constant 110592 : i32
    %mul3A_59 = arith.muli %arg1, %mul3A_58 : i32
    %add3A_60 = arith.constant 73728 : i32
    %add3A_61 = arith.addi %mul3A_59, %add3A_60 : i32
    "tpu.region"() ({
      %run_scoped3A = tpu.sem_alloc : memref<!tpu.dma_semaphore, #tpu.memory_space<semaphore_mem>>
      %dma_start3A = tpu.memref_slice %arg7[%add3A_61] : memref<1769600xf32, #tpu.memory_space<vmem_shared>> -> memref<6144xf32, #tpu.memory_space<vmem_shared>>
      %dma_start3A_186 = tpu.memref_slice %arg7[%add3A_61] : memref<1769600xf32, #tpu.memory_space<vmem_shared>> -> memref<6144xf32, #tpu.memory_space<vmem_shared>>
      tpu.enqueue_dma source(%arg6 : memref<6144xf32, #tpu.memory_space<vmem>>) target(%dma_start3A_186 : memref<6144xf32, #tpu.memory_space<vmem_shared>>) target_semaphore(%run_scoped3A : memref<!tpu.dma_semaphore, #tpu.memory_space<semaphore_mem>>)
      %dma_wait3A = tpu.memref_slice %arg7[%add3A_61] : memref<1769600xf32, #tpu.memory_space<vmem_shared>> -> memref<6144xf32, #tpu.memory_space<vmem_shared>>
      %dma_wait3A_187 = tpu.memref_slice %arg7[%add3A_61] : memref<1769600xf32, #tpu.memory_space<vmem_shared>> -> memref<6144xf32, #tpu.memory_space<vmem_shared>>
      tpu.wait_dma2 semaphore(%run_scoped3A : memref<!tpu.dma_semaphore, #tpu.memory_space<semaphore_mem>>) src(%arg6 : memref<6144xf32, #tpu.memory_space<vmem>>) dst(%dma_wait3A_187 : memref<6144xf32, #tpu.memory_space<vmem_shared>>)
      tpu.yield
    }) : () -> ()
    %mul3A_62 = arith.constant 110592 : i32
    %mul3A_63 = arith.muli %arg1, %mul3A_62 : i32
    %add3A_64 = arith.constant 79872 : i32
    %add3A_65 = arith.addi %mul3A_63, %add3A_64 : i32
    "tpu.region"() ({
      %run_scoped3A = tpu.sem_alloc : memref<!tpu.dma_semaphore, #tpu.memory_space<semaphore_mem>>
      %dma_start3A = tpu.memref_slice %arg7[%add3A_65] : memref<1769600xf32, #tpu.memory_space<vmem_shared>> -> memref<6144xf32, #tpu.memory_space<vmem_shared>>
      %dma_start3A_186 = tpu.memref_slice %arg7[%add3A_65] : memref<1769600xf32, #tpu.memory_space<vmem_shared>> -> memref<6144xf32, #tpu.memory_space<vmem_shared>>
      tpu.enqueue_dma source(%arg6 : memref<6144xf32, #tpu.memory_space<vmem>>) target(%dma_start3A_186 : memref<6144xf32, #tpu.memory_space<vmem_shared>>) target_semaphore(%run_scoped3A : memref<!tpu.dma_semaphore, #tpu.memory_space<semaphore_mem>>)
      %dma_wait3A = tpu.memref_slice %arg7[%add3A_65] : memref<1769600xf32, #tpu.memory_space<vmem_shared>> -> memref<6144xf32, #tpu.memory_space<vmem_shared>>
      %dma_wait3A_187 = tpu.memref_slice %arg7[%add3A_65] : memref<1769600xf32, #tpu.memory_space<vmem_shared>> -> memref<6144xf32, #tpu.memory_space<vmem_shared>>
      tpu.wait_dma2 semaphore(%run_scoped3A : memref<!tpu.dma_semaphore, #tpu.memory_space<semaphore_mem>>) src(%arg6 : memref<6144xf32, #tpu.memory_space<vmem>>) dst(%dma_wait3A_187 : memref<6144xf32, #tpu.memory_space<vmem_shared>>)
      tpu.yield
    }) : () -> ()
    %mul3A_66 = arith.constant 110592 : i32
    %mul3A_67 = arith.muli %arg1, %mul3A_66 : i32
    %add3A_68 = arith.constant 86016 : i32
    %add3A_69 = arith.addi %mul3A_67, %add3A_68 : i32
    "tpu.region"() ({
      %run_scoped3A = tpu.sem_alloc : memref<!tpu.dma_semaphore, #tpu.memory_space<semaphore_mem>>
      %dma_start3A = tpu.memref_slice %arg7[%add3A_69] : memref<1769600xf32, #tpu.memory_space<vmem_shared>> -> memref<6144xf32, #tpu.memory_space<vmem_shared>>
      %dma_start3A_186 = tpu.memref_slice %arg7[%add3A_69] : memref<1769600xf32, #tpu.memory_space<vmem_shared>> -> memref<6144xf32, #tpu.memory_space<vmem_shared>>
      tpu.enqueue_dma source(%arg6 : memref<6144xf32, #tpu.memory_space<vmem>>) target(%dma_start3A_186 : memref<6144xf32, #tpu.memory_space<vmem_shared>>) target_semaphore(%run_scoped3A : memref<!tpu.dma_semaphore, #tpu.memory_space<semaphore_mem>>)
      %dma_wait3A = tpu.memref_slice %arg7[%add3A_69] : memref<1769600xf32, #tpu.memory_space<vmem_shared>> -> memref<6144xf32, #tpu.memory_space<vmem_shared>>
      %dma_wait3A_187 = tpu.memref_slice %arg7[%add3A_69] : memref<1769600xf32, #tpu.memory_space<vmem_shared>> -> memref<6144xf32, #tpu.memory_space<vmem_shared>>
      tpu.wait_dma2 semaphore(%run_scoped3A : memref<!tpu.dma_semaphore, #tpu.memory_space<semaphore_mem>>) src(%arg6 : memref<6144xf32, #tpu.memory_space<vmem>>) dst(%dma_wait3A_187 : memref<6144xf32, #tpu.memory_space<vmem_shared>>)
      tpu.yield
    }) : () -> ()
    %mul3A_70 = arith.constant 110592 : i32
    %mul3A_71 = arith.muli %arg1, %mul3A_70 : i32
    %add3A_72 = arith.constant 92160 : i32
    %add3A_73 = arith.addi %mul3A_71, %add3A_72 : i32
    "tpu.region"() ({
      %run_scoped3A = tpu.sem_alloc : memref<!tpu.dma_semaphore, #tpu.memory_space<semaphore_mem>>
      %dma_start3A = tpu.memref_slice %arg7[%add3A_73] : memref<1769600xf32, #tpu.memory_space<vmem_shared>> -> memref<6144xf32, #tpu.memory_space<vmem_shared>>
      %dma_start3A_186 = tpu.memref_slice %arg7[%add3A_73] : memref<1769600xf32, #tpu.memory_space<vmem_shared>> -> memref<6144xf32, #tpu.memory_space<vmem_shared>>
      tpu.enqueue_dma source(%arg6 : memref<6144xf32, #tpu.memory_space<vmem>>) target(%dma_start3A_186 : memref<6144xf32, #tpu.memory_space<vmem_shared>>) target_semaphore(%run_scoped3A : memref<!tpu.dma_semaphore, #tpu.memory_space<semaphore_mem>>)
      %dma_wait3A = tpu.memref_slice %arg7[%add3A_73] : memref<1769600xf32, #tpu.memory_space<vmem_shared>> -> memref<6144xf32, #tpu.memory_space<vmem_shared>>
      %dma_wait3A_187 = tpu.memref_slice %arg7[%add3A_73] : memref<1769600xf32, #tpu.memory_space<vmem_shared>> -> memref<6144xf32, #tpu.memory_space<vmem_shared>>
      tpu.wait_dma2 semaphore(%run_scoped3A : memref<!tpu.dma_semaphore, #tpu.memory_space<semaphore_mem>>) src(%arg6 : memref<6144xf32, #tpu.memory_space<vmem>>) dst(%dma_wait3A_187 : memref<6144xf32, #tpu.memory_space<vmem_shared>>)
      tpu.yield
    }) : () -> ()
    %mul3A_74 = arith.constant 110592 : i32
    %mul3A_75 = arith.muli %arg1, %mul3A_74 : i32
    %add3A_76 = arith.constant 98304 : i32
    %add3A_77 = arith.addi %mul3A_75, %add3A_76 : i32
    "tpu.region"() ({
      %run_scoped3A = tpu.sem_alloc : memref<!tpu.dma_semaphore, #tpu.memory_space<semaphore_mem>>
      %dma_start3A = tpu.memref_slice %arg7[%add3A_77] : memref<1769600xf32, #tpu.memory_space<vmem_shared>> -> memref<6144xf32, #tpu.memory_space<vmem_shared>>
      %dma_start3A_186 = tpu.memref_slice %arg7[%add3A_77] : memref<1769600xf32, #tpu.memory_space<vmem_shared>> -> memref<6144xf32, #tpu.memory_space<vmem_shared>>
      tpu.enqueue_dma source(%arg6 : memref<6144xf32, #tpu.memory_space<vmem>>) target(%dma_start3A_186 : memref<6144xf32, #tpu.memory_space<vmem_shared>>) target_semaphore(%run_scoped3A : memref<!tpu.dma_semaphore, #tpu.memory_space<semaphore_mem>>)
      %dma_wait3A = tpu.memref_slice %arg7[%add3A_77] : memref<1769600xf32, #tpu.memory_space<vmem_shared>> -> memref<6144xf32, #tpu.memory_space<vmem_shared>>
      %dma_wait3A_187 = tpu.memref_slice %arg7[%add3A_77] : memref<1769600xf32, #tpu.memory_space<vmem_shared>> -> memref<6144xf32, #tpu.memory_space<vmem_shared>>
      tpu.wait_dma2 semaphore(%run_scoped3A : memref<!tpu.dma_semaphore, #tpu.memory_space<semaphore_mem>>) src(%arg6 : memref<6144xf32, #tpu.memory_space<vmem>>) dst(%dma_wait3A_187 : memref<6144xf32, #tpu.memory_space<vmem_shared>>)
      tpu.yield
    }) : () -> ()
    %mul3A_78 = arith.constant 110592 : i32
    %mul3A_79 = arith.muli %arg1, %mul3A_78 : i32
    %add3A_80 = arith.constant 104448 : i32
    %add3A_81 = arith.addi %mul3A_79, %add3A_80 : i32
    "tpu.region"() ({
      %run_scoped3A = tpu.sem_alloc : memref<!tpu.dma_semaphore, #tpu.memory_space<semaphore_mem>>
      %dma_start3A = tpu.memref_slice %arg7[%add3A_81] : memref<1769600xf32, #tpu.memory_space<vmem_shared>> -> memref<6144xf32, #tpu.memory_space<vmem_shared>>
      %dma_start3A_186 = tpu.memref_slice %arg7[%add3A_81] : memref<1769600xf32, #tpu.memory_space<vmem_shared>> -> memref<6144xf32, #tpu.memory_space<vmem_shared>>
      tpu.enqueue_dma source(%arg6 : memref<6144xf32, #tpu.memory_space<vmem>>) target(%dma_start3A_186 : memref<6144xf32, #tpu.memory_space<vmem_shared>>) target_semaphore(%run_scoped3A : memref<!tpu.dma_semaphore, #tpu.memory_space<semaphore_mem>>)
      %dma_wait3A = tpu.memref_slice %arg7[%add3A_81] : memref<1769600xf32, #tpu.memory_space<vmem_shared>> -> memref<6144xf32, #tpu.memory_space<vmem_shared>>
      %dma_wait3A_187 = tpu.memref_slice %arg7[%add3A_81] : memref<1769600xf32, #tpu.memory_space<vmem_shared>> -> memref<6144xf32, #tpu.memory_space<vmem_shared>>
      tpu.wait_dma2 semaphore(%run_scoped3A : memref<!tpu.dma_semaphore, #tpu.memory_space<semaphore_mem>>) src(%arg6 : memref<6144xf32, #tpu.memory_space<vmem>>) dst(%dma_wait3A_187 : memref<6144xf32, #tpu.memory_space<vmem_shared>>)
      tpu.yield
    }) : () -> ()
    %barrier3A = arith.constant 0 : index
    tpu.barrier barrier_id(%barrier3A)
    %scan3A_82 = arith.constant 0 : i32
    %scan3A_83 = arith.constant 0 : i32
    %scan3A_84 = arith.constant 384 : i32
    %scan3A_85 = arith.addi %scan3A_83, %scan3A_84 : i32
    %scan3A_86 = arith.constant 1 : i32
    scf.for %scan3A_186 = %scan3A_83 to %scan3A_85 step %scan3A_86  : i32 {
      %broadcast_in_dim3A = arith.constant 1.000000e+00 : f32
      %broadcast_in_dim3A_187 = vector.broadcast %broadcast_in_dim3A : f32 to vector<16xf32>
      %mul3A_188 = arith.constant 16 : i32
      %mul3A_189 = arith.muli %scan3A_186, %mul3A_188 : i32
      %swap3A = arith.index_cast %mul3A_189 : i32 to index
      %swap3A_190 = tpu.vector_load %arg6[%swap3A] {strides = array<i32>} : memref<6144xf32, #tpu.memory_space<vmem>>, vector<16xf32>,
      %swap3A_191 = vector.shape_cast %swap3A_190 : vector<16xf32> to vector<16xf32>
      %swap3A_192 = vector.shape_cast %broadcast_in_dim3A_187 : vector<16xf32> to vector<16xf32>
      tpu.vector_store %arg6[%swap3A], %swap3A_192 {strides = array<i32>} : memref<6144xf32, #tpu.memory_space<vmem>>, vector<16xf32>,
    }
    %scan3A_87 = arith.constant 384 : i32
    %scan3A_88 = arith.constant 0 : i32
    %scan3A_89 = arith.constant 0 : i32
    %scan3A_90 = arith.constant 12 : i32
    %scan3A_91 = arith.addi %scan3A_89, %scan3A_90 : i32
    %scan3A_92 = arith.constant 1 : i32
    scf.for %scan3A_186 = %scan3A_89 to %scan3A_91 step %scan3A_92  : i32 {
      %mul3A_187 = arith.constant 36864 : i32
      %mul3A_188 = arith.muli %scan3A_186, %mul3A_187 : i32
      %add3A_189 = arith.addi %add3A, %mul3A_188 : i32
      "tpu.region"() ({
        %run_scoped3A = tpu.sem_alloc : memref<!tpu.dma_semaphore, #tpu.memory_space<semaphore_mem>>
        %dma_start3A_218 = tpu.memref_slice %arg2[%add3A_189] : memref<14155776xi32, #tpu.memory_space<hbm>> -> memref<6144xi32, #tpu.memory_space<hbm>>
        %dma_start3A_219 = tpu.memref_slice %arg2[%add3A_189] : memref<14155776xi32, #tpu.memory_space<hbm>> -> memref<6144xi32, #tpu.memory_space<hbm>>
        tpu.enqueue_dma source(%dma_start3A_219 : memref<6144xi32, #tpu.memory_space<hbm>>) target(%arg4 : memref<6144xi32, #tpu.memory_space<vmem>>) target_semaphore(%run_scoped3A : memref<!tpu.dma_semaphore, #tpu.memory_space<semaphore_mem>>)
        %dma_wait3A_220 = tpu.memref_slice %arg2[%add3A_189] : memref<14155776xi32, #tpu.memory_space<hbm>> -> memref<6144xi32, #tpu.memory_space<hbm>>
        %dma_wait3A_221 = tpu.memref_slice %arg2[%add3A_189] : memref<14155776xi32, #tpu.memory_space<hbm>> -> memref<6144xi32, #tpu.memory_space<hbm>>
        tpu.wait_dma2 semaphore(%run_scoped3A : memref<!tpu.dma_semaphore, #tpu.memory_space<semaphore_mem>>) src(%dma_wait3A_221 : memref<6144xi32, #tpu.memory_space<hbm>>) dst(%arg4 : memref<6144xi32, #tpu.memory_space<vmem>>)
        tpu.yield
      }) : () -> ()
      %add3A_190 = arith.constant 6144 : i32
      %add3A_191 = arith.addi %add3A_189, %add3A_190 : i32
      %dma_start3A = tpu.memref_slice %arg2[%add3A_191] : memref<14155776xi32, #tpu.memory_space<hbm>> -> memref<6144xi32, #tpu.memory_space<hbm>>
      %dma_start3A_192 = tpu.memref_slice %arg2[%add3A_191] : memref<14155776xi32, #tpu.memory_space<hbm>> -> memref<6144xi32, #tpu.memory_space<hbm>>
      tpu.enqueue_dma source(%dma_start3A_192 : memref<6144xi32, #tpu.memory_space<hbm>>) target(%arg5 : memref<6144xi32, #tpu.memory_space<vmem>>) target_semaphore(%arg9 : memref<!tpu.dma_semaphore, #tpu.memory_space<semaphore_mem>>)
      "tpu.region"() ({
        %run_scoped3A = tpu.sem_alloc : memref<!tpu.dma_semaphore, #tpu.memory_space<semaphore_mem>>
        %dma_start3A_218 = arith.constant 0 : i32
        %dma_start3A_219 = tpu.memref_slice %arg7[%dma_start3A_218] : memref<1769600xf32, #tpu.memory_space<vmem_shared>> -> memref<1769600xf32, #tpu.memory_space<vmem_shared>>
        tpu.enqueue_indirect_dma source(%arg6 : memref<6144xf32, #tpu.memory_space<vmem>>) target(%dma_start3A_219 : memref<1769600xf32, #tpu.memory_space<vmem_shared>>) offsets(%arg4 : memref<6144xi32, #tpu.memory_space<vmem>>) semaphore(%run_scoped3A : memref<!tpu.dma_semaphore, #tpu.memory_space<semaphore_mem>>)
        %dma_wait3A_220 = arith.constant 0 : i32
        %dma_wait3A_221 = tpu.memref_slice %arg7[%dma_wait3A_220] : memref<1769600xf32, #tpu.memory_space<vmem_shared>> -> memref<1769600xf32, #tpu.memory_space<vmem_shared>>
        tpu.wait_indirect_dma semaphore(%run_scoped3A : memref<!tpu.dma_semaphore, #tpu.memory_space<semaphore_mem>>) src(%arg6 : memref<6144xf32, #tpu.memory_space<vmem>>) dst(%dma_wait3A_221 : memref<1769600xf32, #tpu.memory_space<vmem_shared>>)
        tpu.yield
      }) : () -> ()
      %add3A_193 = arith.constant 12288 : i32
      %add3A_194 = arith.addi %add3A_189, %add3A_193 : i32
      %dma_start3A_195 = tpu.memref_slice %arg2[%add3A_194] : memref<14155776xi32, #tpu.memory_space<hbm>> -> memref<6144xi32, #tpu.memory_space<hbm>>
      %dma_start3A_196 = tpu.memref_slice %arg2[%add3A_194] : memref<14155776xi32, #tpu.memory_space<hbm>> -> memref<6144xi32, #tpu.memory_space<hbm>>
      tpu.enqueue_dma source(%dma_start3A_196 : memref<6144xi32, #tpu.memory_space<hbm>>) target(%arg4 : memref<6144xi32, #tpu.memory_space<vmem>>) target_semaphore(%arg8 : memref<!tpu.dma_semaphore, #tpu.memory_space<semaphore_mem>>)
      %dma_wait3A = tpu.memref_slice %arg2[%add3A_191] : memref<14155776xi32, #tpu.memory_space<hbm>> -> memref<6144xi32, #tpu.memory_space<hbm>>
      %dma_wait3A_197 = tpu.memref_slice %arg2[%add3A_191] : memref<14155776xi32, #tpu.memory_space<hbm>> -> memref<6144xi32, #tpu.memory_space<hbm>>
      tpu.wait_dma2 semaphore(%arg9 : memref<!tpu.dma_semaphore, #tpu.memory_space<semaphore_mem>>) src(%dma_wait3A_197 : memref<6144xi32, #tpu.memory_space<hbm>>) dst(%arg5 : memref<6144xi32, #tpu.memory_space<vmem>>)
      "tpu.region"() ({
        %run_scoped3A = tpu.sem_alloc : memref<!tpu.dma_semaphore, #tpu.memory_space<semaphore_mem>>
        %dma_start3A_218 = arith.constant 0 : i32
        %dma_start3A_219 = tpu.memref_slice %arg7[%dma_start3A_218] : memref<1769600xf32, #tpu.memory_space<vmem_shared>> -> memref<1769600xf32, #tpu.memory_space<vmem_shared>>
        tpu.enqueue_indirect_dma source(%arg6 : memref<6144xf32, #tpu.memory_space<vmem>>) target(%dma_start3A_219 : memref<1769600xf32, #tpu.memory_space<vmem_shared>>) offsets(%arg5 : memref<6144xi32, #tpu.memory_space<vmem>>) semaphore(%run_scoped3A : memref<!tpu.dma_semaphore, #tpu.memory_space<semaphore_mem>>)
        %dma_wait3A_220 = arith.constant 0 : i32
        %dma_wait3A_221 = tpu.memref_slice %arg7[%dma_wait3A_220] : memref<1769600xf32, #tpu.memory_space<vmem_shared>> -> memref<1769600xf32, #tpu.memory_space<vmem_shared>>
        tpu.wait_indirect_dma semaphore(%run_scoped3A : memref<!tpu.dma_semaphore, #tpu.memory_space<semaphore_mem>>) src(%arg6 : memref<6144xf32, #tpu.memory_space<vmem>>) dst(%dma_wait3A_221 : memref<1769600xf32, #tpu.memory_space<vmem_shared>>)
        tpu.yield
      }) : () -> ()
      %add3A_198 = arith.constant 18432 : i32
      %add3A_199 = arith.addi %add3A_189, %add3A_198 : i32
      %dma_start3A_200 = tpu.memref_slice %arg2[%add3A_199] : memref<14155776xi32, #tpu.memory_space<hbm>> -> memref<6144xi32, #tpu.memory_space<hbm>>
      %dma_start3A_201 = tpu.memref_slice %arg2[%add3A_199] : memref<14155776xi32, #tpu.memory_space<hbm>> -> memref<6144xi32, #tpu.memory_space<hbm>>
      tpu.enqueue_dma source(%dma_start3A_201 : memref<6144xi32, #tpu.memory_space<hbm>>) target(%arg5 : memref<6144xi32, #tpu.memory_space<vmem>>) target_semaphore(%arg9 : memref<!tpu.dma_semaphore, #tpu.memory_space<semaphore_mem>>)
      %dma_wait3A_202 = tpu.memref_slice %arg2[%add3A_194] : memref<14155776xi32, #tpu.memory_space<hbm>> -> memref<6144xi32, #tpu.memory_space<hbm>>
      %dma_wait3A_203 = tpu.memref_slice %arg2[%add3A_194] : memref<14155776xi32, #tpu.memory_space<hbm>> -> memref<6144xi32, #tpu.memory_space<hbm>>
      tpu.wait_dma2 semaphore(%arg8 : memref<!tpu.dma_semaphore, #tpu.memory_space<semaphore_mem>>) src(%dma_wait3A_203 : memref<6144xi32, #tpu.memory_space<hbm>>) dst(%arg4 : memref<6144xi32, #tpu.memory_space<vmem>>)
      "tpu.region"() ({
        %run_scoped3A = tpu.sem_alloc : memref<!tpu.dma_semaphore, #tpu.memory_space<semaphore_mem>>
        %dma_start3A_218 = arith.constant 0 : i32
        %dma_start3A_219 = tpu.memref_slice %arg7[%dma_start3A_218] : memref<1769600xf32, #tpu.memory_space<vmem_shared>> -> memref<1769600xf32, #tpu.memory_space<vmem_shared>>
        tpu.enqueue_indirect_dma source(%arg6 : memref<6144xf32, #tpu.memory_space<vmem>>) target(%dma_start3A_219 : memref<1769600xf32, #tpu.memory_space<vmem_shared>>) offsets(%arg4 : memref<6144xi32, #tpu.memory_space<vmem>>) semaphore(%run_scoped3A : memref<!tpu.dma_semaphore, #tpu.memory_space<semaphore_mem>>)
        %dma_wait3A_220 = arith.constant 0 : i32
        %dma_wait3A_221 = tpu.memref_slice %arg7[%dma_wait3A_220] : memref<1769600xf32, #tpu.memory_space<vmem_shared>> -> memref<1769600xf32, #tpu.memory_space<vmem_shared>>
        tpu.wait_indirect_dma semaphore(%run_scoped3A : memref<!tpu.dma_semaphore, #tpu.memory_space<semaphore_mem>>) src(%arg6 : memref<6144xf32, #tpu.memory_space<vmem>>) dst(%dma_wait3A_221 : memref<1769600xf32, #tpu.memory_space<vmem_shared>>)
        tpu.yield
      }) : () -> ()
      %add3A_204 = arith.constant 24576 : i32
      %add3A_205 = arith.addi %add3A_189, %add3A_204 : i32
      %dma_start3A_206 = tpu.memref_slice %arg2[%add3A_205] : memref<14155776xi32, #tpu.memory_space<hbm>> -> memref<6144xi32, #tpu.memory_space<hbm>>
      %dma_start3A_207 = tpu.memref_slice %arg2[%add3A_205] : memref<14155776xi32, #tpu.memory_space<hbm>> -> memref<6144xi32, #tpu.memory_space<hbm>>
      tpu.enqueue_dma source(%dma_start3A_207 : memref<6144xi32, #tpu.memory_space<hbm>>) target(%arg4 : memref<6144xi32, #tpu.memory_space<vmem>>) target_semaphore(%arg8 : memref<!tpu.dma_semaphore, #tpu.memory_space<semaphore_mem>>)
      %dma_wait3A_208 = tpu.memref_slice %arg2[%add3A_199] : memref<14155776xi32, #tpu.memory_space<hbm>> -> memref<6144xi32, #tpu.memory_space<hbm>>
      %dma_wait3A_209 = tpu.memref_slice %arg2[%add3A_199] : memref<14155776xi32, #tpu.memory_space<hbm>> -> memref<6144xi32, #tpu.memory_space<hbm>>
      tpu.wait_dma2 semaphore(%arg9 : memref<!tpu.dma_semaphore, #tpu.memory_space<semaphore_mem>>) src(%dma_wait3A_209 : memref<6144xi32, #tpu.memory_space<hbm>>) dst(%arg5 : memref<6144xi32, #tpu.memory_space<vmem>>)
      "tpu.region"() ({
        %run_scoped3A = tpu.sem_alloc : memref<!tpu.dma_semaphore, #tpu.memory_space<semaphore_mem>>
        %dma_start3A_218 = arith.constant 0 : i32
        %dma_start3A_219 = tpu.memref_slice %arg7[%dma_start3A_218] : memref<1769600xf32, #tpu.memory_space<vmem_shared>> -> memref<1769600xf32, #tpu.memory_space<vmem_shared>>
        tpu.enqueue_indirect_dma source(%arg6 : memref<6144xf32, #tpu.memory_space<vmem>>) target(%dma_start3A_219 : memref<1769600xf32, #tpu.memory_space<vmem_shared>>) offsets(%arg5 : memref<6144xi32, #tpu.memory_space<vmem>>) semaphore(%run_scoped3A : memref<!tpu.dma_semaphore, #tpu.memory_space<semaphore_mem>>)
        %dma_wait3A_220 = arith.constant 0 : i32
        %dma_wait3A_221 = tpu.memref_slice %arg7[%dma_wait3A_220] : memref<1769600xf32, #tpu.memory_space<vmem_shared>> -> memref<1769600xf32, #tpu.memory_space<vmem_shared>>
        tpu.wait_indirect_dma semaphore(%run_scoped3A : memref<!tpu.dma_semaphore, #tpu.memory_space<semaphore_mem>>) src(%arg6 : memref<6144xf32, #tpu.memory_space<vmem>>) dst(%dma_wait3A_221 : memref<1769600xf32, #tpu.memory_space<vmem_shared>>)
        tpu.yield
      }) : () -> ()
      %add3A_210 = arith.constant 30720 : i32
      %add3A_211 = arith.addi %add3A_189, %add3A_210 : i32
      %dma_start3A_212 = tpu.memref_slice %arg2[%add3A_211] : memref<14155776xi32, #tpu.memory_space<hbm>> -> memref<6144xi32, #tpu.memory_space<hbm>>
      %dma_start3A_213 = tpu.memref_slice %arg2[%add3A_211] : memref<14155776xi32, #tpu.memory_space<hbm>> -> memref<6144xi32, #tpu.memory_space<hbm>>
      tpu.enqueue_dma source(%dma_start3A_213 : memref<6144xi32, #tpu.memory_space<hbm>>) target(%arg5 : memref<6144xi32, #tpu.memory_space<vmem>>) target_semaphore(%arg9 : memref<!tpu.dma_semaphore, #tpu.memory_space<semaphore_mem>>)
      %dma_wait3A_214 = tpu.memref_slice %arg2[%add3A_205] : memref<14155776xi32, #tpu.memory_space<hbm>> -> memref<6144xi32, #tpu.memory_space<hbm>>
      %dma_wait3A_215 = tpu.memref_slice %arg2[%add3A_205] : memref<14155776xi32, #tpu.memory_space<hbm>> -> memref<6144xi32, #tpu.memory_space<hbm>>
      tpu.wait_dma2 semaphore(%arg8 : memref<!tpu.dma_semaphore, #tpu.memory_space<semaphore_mem>>) src(%dma_wait3A_215 : memref<6144xi32, #tpu.memory_space<hbm>>) dst(%arg4 : memref<6144xi32, #tpu.memory_space<vmem>>)
      "tpu.region"() ({
        %run_scoped3A = tpu.sem_alloc : memref<!tpu.dma_semaphore, #tpu.memory_space<semaphore_mem>>
        %dma_start3A_218 = arith.constant 0 : i32
        %dma_start3A_219 = tpu.memref_slice %arg7[%dma_start3A_218] : memref<1769600xf32, #tpu.memory_space<vmem_shared>> -> memref<1769600xf32, #tpu.memory_space<vmem_shared>>
        tpu.enqueue_indirect_dma source(%arg6 : memref<6144xf32, #tpu.memory_space<vmem>>) target(%dma_start3A_219 : memref<1769600xf32, #tpu.memory_space<vmem_shared>>) offsets(%arg4 : memref<6144xi32, #tpu.memory_space<vmem>>) semaphore(%run_scoped3A : memref<!tpu.dma_semaphore, #tpu.memory_space<semaphore_mem>>)
        %dma_wait3A_220 = arith.constant 0 : i32
        %dma_wait3A_221 = tpu.memref_slice %arg7[%dma_wait3A_220] : memref<1769600xf32, #tpu.memory_space<vmem_shared>> -> memref<1769600xf32, #tpu.memory_space<vmem_shared>>
        tpu.wait_indirect_dma semaphore(%run_scoped3A : memref<!tpu.dma_semaphore, #tpu.memory_space<semaphore_mem>>) src(%arg6 : memref<6144xf32, #tpu.memory_space<vmem>>) dst(%dma_wait3A_221 : memref<1769600xf32, #tpu.memory_space<vmem_shared>>)
        tpu.yield
      }) : () -> ()
      %dma_wait3A_216 = tpu.memref_slice %arg2[%add3A_211] : memref<14155776xi32, #tpu.memory_space<hbm>> -> memref<6144xi32, #tpu.memory_space<hbm>>
      %dma_wait3A_217 = tpu.memref_slice %arg2[%add3A_211] : memref<14155776xi32, #tpu.memory_space<hbm>> -> memref<6144xi32, #tpu.memory_space<hbm>>
      tpu.wait_dma2 semaphore(%arg9 : memref<!tpu.dma_semaphore, #tpu.memory_space<semaphore_mem>>) src(%dma_wait3A_217 : memref<6144xi32, #tpu.memory_space<hbm>>) dst(%arg5 : memref<6144xi32, #tpu.memory_space<vmem>>)
      "tpu.region"() ({
        %run_scoped3A = tpu.sem_alloc : memref<!tpu.dma_semaphore, #tpu.memory_space<semaphore_mem>>
        %dma_start3A_218 = arith.constant 0 : i32
        %dma_start3A_219 = tpu.memref_slice %arg7[%dma_start3A_218] : memref<1769600xf32, #tpu.memory_space<vmem_shared>> -> memref<1769600xf32, #tpu.memory_space<vmem_shared>>
        tpu.enqueue_indirect_dma source(%arg6 : memref<6144xf32, #tpu.memory_space<vmem>>) target(%dma_start3A_219 : memref<1769600xf32, #tpu.memory_space<vmem_shared>>) offsets(%arg5 : memref<6144xi32, #tpu.memory_space<vmem>>) semaphore(%run_scoped3A : memref<!tpu.dma_semaphore, #tpu.memory_space<semaphore_mem>>)
        %dma_wait3A_220 = arith.constant 0 : i32
        %dma_wait3A_221 = tpu.memref_slice %arg7[%dma_wait3A_220] : memref<1769600xf32, #tpu.memory_space<vmem_shared>> -> memref<1769600xf32, #tpu.memory_space<vmem_shared>>
        tpu.wait_indirect_dma semaphore(%run_scoped3A : memref<!tpu.dma_semaphore, #tpu.memory_space<semaphore_mem>>) src(%arg6 : memref<6144xf32, #tpu.memory_space<vmem>>) dst(%dma_wait3A_221 : memref<1769600xf32, #tpu.memory_space<vmem_shared>>)
        tpu.yield
      }) : () -> ()
    }
    %scan3A_93 = arith.constant 12 : i32
    %barrier3A_94 = arith.constant 0 : index
    tpu.barrier barrier_id(%barrier3A_94)
    %mul3A_95 = arith.constant 110592 : i32
    %mul3A_96 = arith.muli %arg1, %mul3A_95 : i32
    %add3A_97 = arith.constant 0 : i32
    %add3A_98 = arith.addi %mul3A_96, %add3A_97 : i32
    %add3A_99 = arith.addi %mul3A_2, %add3A_98 : i32
    "tpu.region"() ({
      %run_scoped3A = tpu.sem_alloc : memref<!tpu.dma_semaphore, #tpu.memory_space<semaphore_mem>>
      %dma_start3A = tpu.memref_slice %arg3[%add3A_99] : memref<3538944xf32, #tpu.memory_space<hbm>> -> memref<6144xf32, #tpu.memory_space<hbm>>
      %dma_start3A_186 = tpu.memref_slice %arg7[%add3A_98] : memref<1769600xf32, #tpu.memory_space<vmem_shared>> -> memref<6144xf32, #tpu.memory_space<vmem_shared>>
      tpu.enqueue_dma source(%dma_start3A_186 : memref<6144xf32, #tpu.memory_space<vmem_shared>>) target(%dma_start3A : memref<6144xf32, #tpu.memory_space<hbm>>) target_semaphore(%run_scoped3A : memref<!tpu.dma_semaphore, #tpu.memory_space<semaphore_mem>>)
      %dma_wait3A = tpu.memref_slice %arg3[%add3A_99] : memref<3538944xf32, #tpu.memory_space<hbm>> -> memref<6144xf32, #tpu.memory_space<hbm>>
      %dma_wait3A_187 = tpu.memref_slice %arg7[%add3A_98] : memref<1769600xf32, #tpu.memory_space<vmem_shared>> -> memref<6144xf32, #tpu.memory_space<vmem_shared>>
      tpu.wait_dma2 semaphore(%run_scoped3A : memref<!tpu.dma_semaphore, #tpu.memory_space<semaphore_mem>>) src(%dma_wait3A_187 : memref<6144xf32, #tpu.memory_space<vmem_shared>>) dst(%dma_wait3A : memref<6144xf32, #tpu.memory_space<hbm>>)
      tpu.yield
    }) : () -> ()
    %mul3A_100 = arith.constant 110592 : i32
    %mul3A_101 = arith.muli %arg1, %mul3A_100 : i32
    %add3A_102 = arith.constant 6144 : i32
    %add3A_103 = arith.addi %mul3A_101, %add3A_102 : i32
    %add3A_104 = arith.addi %mul3A_2, %add3A_103 : i32
    "tpu.region"() ({
      %run_scoped3A = tpu.sem_alloc : memref<!tpu.dma_semaphore, #tpu.memory_space<semaphore_mem>>
      %dma_start3A = tpu.memref_slice %arg3[%add3A_104] : memref<3538944xf32, #tpu.memory_space<hbm>> -> memref<6144xf32, #tpu.memory_space<hbm>>
      %dma_start3A_186 = tpu.memref_slice %arg7[%add3A_103] : memref<1769600xf32, #tpu.memory_space<vmem_shared>> -> memref<6144xf32, #tpu.memory_space<vmem_shared>>
      tpu.enqueue_dma source(%dma_start3A_186 : memref<6144xf32, #tpu.memory_space<vmem_shared>>) target(%dma_start3A : memref<6144xf32, #tpu.memory_space<hbm>>) target_semaphore(%run_scoped3A : memref<!tpu.dma_semaphore, #tpu.memory_space<semaphore_mem>>)
      %dma_wait3A = tpu.memref_slice %arg3[%add3A_104] : memref<3538944xf32, #tpu.memory_space<hbm>> -> memref<6144xf32, #tpu.memory_space<hbm>>
      %dma_wait3A_187 = tpu.memref_slice %arg7[%add3A_103] : memref<1769600xf32, #tpu.memory_space<vmem_shared>> -> memref<6144xf32, #tpu.memory_space<vmem_shared>>
      tpu.wait_dma2 semaphore(%run_scoped3A : memref<!tpu.dma_semaphore, #tpu.memory_space<semaphore_mem>>) src(%dma_wait3A_187 : memref<6144xf32, #tpu.memory_space<vmem_shared>>) dst(%dma_wait3A : memref<6144xf32, #tpu.memory_space<hbm>>)
      tpu.yield
    }) : () -> ()
    %mul3A_105 = arith.constant 110592 : i32
    %mul3A_106 = arith.muli %arg1, %mul3A_105 : i32
    %add3A_107 = arith.constant 12288 : i32
    %add3A_108 = arith.addi %mul3A_106, %add3A_107 : i32
    %add3A_109 = arith.addi %mul3A_2, %add3A_108 : i32
    "tpu.region"() ({
      %run_scoped3A = tpu.sem_alloc : memref<!tpu.dma_semaphore, #tpu.memory_space<semaphore_mem>>
      %dma_start3A = tpu.memref_slice %arg3[%add3A_109] : memref<3538944xf32, #tpu.memory_space<hbm>> -> memref<6144xf32, #tpu.memory_space<hbm>>
      %dma_start3A_186 = tpu.memref_slice %arg7[%add3A_108] : memref<1769600xf32, #tpu.memory_space<vmem_shared>> -> memref<6144xf32, #tpu.memory_space<vmem_shared>>
      tpu.enqueue_dma source(%dma_start3A_186 : memref<6144xf32, #tpu.memory_space<vmem_shared>>) target(%dma_start3A : memref<6144xf32, #tpu.memory_space<hbm>>) target_semaphore(%run_scoped3A : memref<!tpu.dma_semaphore, #tpu.memory_space<semaphore_mem>>)
      %dma_wait3A = tpu.memref_slice %arg3[%add3A_109] : memref<3538944xf32, #tpu.memory_space<hbm>> -> memref<6144xf32, #tpu.memory_space<hbm>>
      %dma_wait3A_187 = tpu.memref_slice %arg7[%add3A_108] : memref<1769600xf32, #tpu.memory_space<vmem_shared>> -> memref<6144xf32, #tpu.memory_space<vmem_shared>>
      tpu.wait_dma2 semaphore(%run_scoped3A : memref<!tpu.dma_semaphore, #tpu.memory_space<semaphore_mem>>) src(%dma_wait3A_187 : memref<6144xf32, #tpu.memory_space<vmem_shared>>) dst(%dma_wait3A : memref<6144xf32, #tpu.memory_space<hbm>>)
      tpu.yield
    }) : () -> ()
    %mul3A_110 = arith.constant 110592 : i32
    %mul3A_111 = arith.muli %arg1, %mul3A_110 : i32
    %add3A_112 = arith.constant 18432 : i32
    %add3A_113 = arith.addi %mul3A_111, %add3A_112 : i32
    %add3A_114 = arith.addi %mul3A_2, %add3A_113 : i32
    "tpu.region"() ({
      %run_scoped3A = tpu.sem_alloc : memref<!tpu.dma_semaphore, #tpu.memory_space<semaphore_mem>>
      %dma_start3A = tpu.memref_slice %arg3[%add3A_114] : memref<3538944xf32, #tpu.memory_space<hbm>> -> memref<6144xf32, #tpu.memory_space<hbm>>
      %dma_start3A_186 = tpu.memref_slice %arg7[%add3A_113] : memref<1769600xf32, #tpu.memory_space<vmem_shared>> -> memref<6144xf32, #tpu.memory_space<vmem_shared>>
      tpu.enqueue_dma source(%dma_start3A_186 : memref<6144xf32, #tpu.memory_space<vmem_shared>>) target(%dma_start3A : memref<6144xf32, #tpu.memory_space<hbm>>) target_semaphore(%run_scoped3A : memref<!tpu.dma_semaphore, #tpu.memory_space<semaphore_mem>>)
      %dma_wait3A = tpu.memref_slice %arg3[%add3A_114] : memref<3538944xf32, #tpu.memory_space<hbm>> -> memref<6144xf32, #tpu.memory_space<hbm>>
      %dma_wait3A_187 = tpu.memref_slice %arg7[%add3A_113] : memref<1769600xf32, #tpu.memory_space<vmem_shared>> -> memref<6144xf32, #tpu.memory_space<vmem_shared>>
      tpu.wait_dma2 semaphore(%run_scoped3A : memref<!tpu.dma_semaphore, #tpu.memory_space<semaphore_mem>>) src(%dma_wait3A_187 : memref<6144xf32, #tpu.memory_space<vmem_shared>>) dst(%dma_wait3A : memref<6144xf32, #tpu.memory_space<hbm>>)
      tpu.yield
    }) : () -> ()
    %mul3A_115 = arith.constant 110592 : i32
    %mul3A_116 = arith.muli %arg1, %mul3A_115 : i32
    %add3A_117 = arith.constant 24576 : i32
    %add3A_118 = arith.addi %mul3A_116, %add3A_117 : i32
    %add3A_119 = arith.addi %mul3A_2, %add3A_118 : i32
    "tpu.region"() ({
      %run_scoped3A = tpu.sem_alloc : memref<!tpu.dma_semaphore, #tpu.memory_space<semaphore_mem>>
      %dma_start3A = tpu.memref_slice %arg3[%add3A_119] : memref<3538944xf32, #tpu.memory_space<hbm>> -> memref<6144xf32, #tpu.memory_space<hbm>>
      %dma_start3A_186 = tpu.memref_slice %arg7[%add3A_118] : memref<1769600xf32, #tpu.memory_space<vmem_shared>> -> memref<6144xf32, #tpu.memory_space<vmem_shared>>
      tpu.enqueue_dma source(%dma_start3A_186 : memref<6144xf32, #tpu.memory_space<vmem_shared>>) target(%dma_start3A : memref<6144xf32, #tpu.memory_space<hbm>>) target_semaphore(%run_scoped3A : memref<!tpu.dma_semaphore, #tpu.memory_space<semaphore_mem>>)
      %dma_wait3A = tpu.memref_slice %arg3[%add3A_119] : memref<3538944xf32, #tpu.memory_space<hbm>> -> memref<6144xf32, #tpu.memory_space<hbm>>
      %dma_wait3A_187 = tpu.memref_slice %arg7[%add3A_118] : memref<1769600xf32, #tpu.memory_space<vmem_shared>> -> memref<6144xf32, #tpu.memory_space<vmem_shared>>
      tpu.wait_dma2 semaphore(%run_scoped3A : memref<!tpu.dma_semaphore, #tpu.memory_space<semaphore_mem>>) src(%dma_wait3A_187 : memref<6144xf32, #tpu.memory_space<vmem_shared>>) dst(%dma_wait3A : memref<6144xf32, #tpu.memory_space<hbm>>)
      tpu.yield
    }) : () -> ()
    %mul3A_120 = arith.constant 110592 : i32
    %mul3A_121 = arith.muli %arg1, %mul3A_120 : i32
    %add3A_122 = arith.constant 30720 : i32
    %add3A_123 = arith.addi %mul3A_121, %add3A_122 : i32
    %add3A_124 = arith.addi %mul3A_2, %add3A_123 : i32
    "tpu.region"() ({
      %run_scoped3A = tpu.sem_alloc : memref<!tpu.dma_semaphore, #tpu.memory_space<semaphore_mem>>
      %dma_start3A = tpu.memref_slice %arg3[%add3A_124] : memref<3538944xf32, #tpu.memory_space<hbm>> -> memref<6144xf32, #tpu.memory_space<hbm>>
      %dma_start3A_186 = tpu.memref_slice %arg7[%add3A_123] : memref<1769600xf32, #tpu.memory_space<vmem_shared>> -> memref<6144xf32, #tpu.memory_space<vmem_shared>>
      tpu.enqueue_dma source(%dma_start3A_186 : memref<6144xf32, #tpu.memory_space<vmem_shared>>) target(%dma_start3A : memref<6144xf32, #tpu.memory_space<hbm>>) target_semaphore(%run_scoped3A : memref<!tpu.dma_semaphore, #tpu.memory_space<semaphore_mem>>)
      %dma_wait3A = tpu.memref_slice %arg3[%add3A_124] : memref<3538944xf32, #tpu.memory_space<hbm>> -> memref<6144xf32, #tpu.memory_space<hbm>>
      %dma_wait3A_187 = tpu.memref_slice %arg7[%add3A_123] : memref<1769600xf32, #tpu.memory_space<vmem_shared>> -> memref<6144xf32, #tpu.memory_space<vmem_shared>>
      tpu.wait_dma2 semaphore(%run_scoped3A : memref<!tpu.dma_semaphore, #tpu.memory_space<semaphore_mem>>) src(%dma_wait3A_187 : memref<6144xf32, #tpu.memory_space<vmem_shared>>) dst(%dma_wait3A : memref<6144xf32, #tpu.memory_space<hbm>>)
      tpu.yield
    }) : () -> ()
    %mul3A_125 = arith.constant 110592 : i32
    %mul3A_126 = arith.muli %arg1, %mul3A_125 : i32
    %add3A_127 = arith.constant 36864 : i32
    %add3A_128 = arith.addi %mul3A_126, %add3A_127 : i32
    %add3A_129 = arith.addi %mul3A_2, %add3A_128 : i32
    "tpu.region"() ({
      %run_scoped3A = tpu.sem_alloc : memref<!tpu.dma_semaphore, #tpu.memory_space<semaphore_mem>>
      %dma_start3A = tpu.memref_slice %arg3[%add3A_129] : memref<3538944xf32, #tpu.memory_space<hbm>> -> memref<6144xf32, #tpu.memory_space<hbm>>
      %dma_start3A_186 = tpu.memref_slice %arg7[%add3A_128] : memref<1769600xf32, #tpu.memory_space<vmem_shared>> -> memref<6144xf32, #tpu.memory_space<vmem_shared>>
      tpu.enqueue_dma source(%dma_start3A_186 : memref<6144xf32, #tpu.memory_space<vmem_shared>>) target(%dma_start3A : memref<6144xf32, #tpu.memory_space<hbm>>) target_semaphore(%run_scoped3A : memref<!tpu.dma_semaphore, #tpu.memory_space<semaphore_mem>>)
      %dma_wait3A = tpu.memref_slice %arg3[%add3A_129] : memref<3538944xf32, #tpu.memory_space<hbm>> -> memref<6144xf32, #tpu.memory_space<hbm>>
      %dma_wait3A_187 = tpu.memref_slice %arg7[%add3A_128] : memref<1769600xf32, #tpu.memory_space<vmem_shared>> -> memref<6144xf32, #tpu.memory_space<vmem_shared>>
      tpu.wait_dma2 semaphore(%run_scoped3A : memref<!tpu.dma_semaphore, #tpu.memory_space<semaphore_mem>>) src(%dma_wait3A_187 : memref<6144xf32, #tpu.memory_space<vmem_shared>>) dst(%dma_wait3A : memref<6144xf32, #tpu.memory_space<hbm>>)
      tpu.yield
    }) : () -> ()
    %mul3A_130 = arith.constant 110592 : i32
    %mul3A_131 = arith.muli %arg1, %mul3A_130 : i32
    %add3A_132 = arith.constant 43008 : i32
    %add3A_133 = arith.addi %mul3A_131, %add3A_132 : i32
    %add3A_134 = arith.addi %mul3A_2, %add3A_133 : i32
    "tpu.region"() ({
      %run_scoped3A = tpu.sem_alloc : memref<!tpu.dma_semaphore, #tpu.memory_space<semaphore_mem>>
      %dma_start3A = tpu.memref_slice %arg3[%add3A_134] : memref<3538944xf32, #tpu.memory_space<hbm>> -> memref<6144xf32, #tpu.memory_space<hbm>>
      %dma_start3A_186 = tpu.memref_slice %arg7[%add3A_133] : memref<1769600xf32, #tpu.memory_space<vmem_shared>> -> memref<6144xf32, #tpu.memory_space<vmem_shared>>
      tpu.enqueue_dma source(%dma_start3A_186 : memref<6144xf32, #tpu.memory_space<vmem_shared>>) target(%dma_start3A : memref<6144xf32, #tpu.memory_space<hbm>>) target_semaphore(%run_scoped3A : memref<!tpu.dma_semaphore, #tpu.memory_space<semaphore_mem>>)
      %dma_wait3A = tpu.memref_slice %arg3[%add3A_134] : memref<3538944xf32, #tpu.memory_space<hbm>> -> memref<6144xf32, #tpu.memory_space<hbm>>
      %dma_wait3A_187 = tpu.memref_slice %arg7[%add3A_133] : memref<1769600xf32, #tpu.memory_space<vmem_shared>> -> memref<6144xf32, #tpu.memory_space<vmem_shared>>
      tpu.wait_dma2 semaphore(%run_scoped3A : memref<!tpu.dma_semaphore, #tpu.memory_space<semaphore_mem>>) src(%dma_wait3A_187 : memref<6144xf32, #tpu.memory_space<vmem_shared>>) dst(%dma_wait3A : memref<6144xf32, #tpu.memory_space<hbm>>)
      tpu.yield
    }) : () -> ()
    %mul3A_135 = arith.constant 110592 : i32
    %mul3A_136 = arith.muli %arg1, %mul3A_135 : i32
    %add3A_137 = arith.constant 49152 : i32
    %add3A_138 = arith.addi %mul3A_136, %add3A_137 : i32
    %add3A_139 = arith.addi %mul3A_2, %add3A_138 : i32
    "tpu.region"() ({
      %run_scoped3A = tpu.sem_alloc : memref<!tpu.dma_semaphore, #tpu.memory_space<semaphore_mem>>
      %dma_start3A = tpu.memref_slice %arg3[%add3A_139] : memref<3538944xf32, #tpu.memory_space<hbm>> -> memref<6144xf32, #tpu.memory_space<hbm>>
      %dma_start3A_186 = tpu.memref_slice %arg7[%add3A_138] : memref<1769600xf32, #tpu.memory_space<vmem_shared>> -> memref<6144xf32, #tpu.memory_space<vmem_shared>>
      tpu.enqueue_dma source(%dma_start3A_186 : memref<6144xf32, #tpu.memory_space<vmem_shared>>) target(%dma_start3A : memref<6144xf32, #tpu.memory_space<hbm>>) target_semaphore(%run_scoped3A : memref<!tpu.dma_semaphore, #tpu.memory_space<semaphore_mem>>)
      %dma_wait3A = tpu.memref_slice %arg3[%add3A_139] : memref<3538944xf32, #tpu.memory_space<hbm>> -> memref<6144xf32, #tpu.memory_space<hbm>>
      %dma_wait3A_187 = tpu.memref_slice %arg7[%add3A_138] : memref<1769600xf32, #tpu.memory_space<vmem_shared>> -> memref<6144xf32, #tpu.memory_space<vmem_shared>>
      tpu.wait_dma2 semaphore(%run_scoped3A : memref<!tpu.dma_semaphore, #tpu.memory_space<semaphore_mem>>) src(%dma_wait3A_187 : memref<6144xf32, #tpu.memory_space<vmem_shared>>) dst(%dma_wait3A : memref<6144xf32, #tpu.memory_space<hbm>>)
      tpu.yield
    }) : () -> ()
    %mul3A_140 = arith.constant 110592 : i32
    %mul3A_141 = arith.muli %arg1, %mul3A_140 : i32
    %add3A_142 = arith.constant 55296 : i32
    %add3A_143 = arith.addi %mul3A_141, %add3A_142 : i32
    %add3A_144 = arith.addi %mul3A_2, %add3A_143 : i32
    "tpu.region"() ({
      %run_scoped3A = tpu.sem_alloc : memref<!tpu.dma_semaphore, #tpu.memory_space<semaphore_mem>>
      %dma_start3A = tpu.memref_slice %arg3[%add3A_144] : memref<3538944xf32, #tpu.memory_space<hbm>> -> memref<6144xf32, #tpu.memory_space<hbm>>
      %dma_start3A_186 = tpu.memref_slice %arg7[%add3A_143] : memref<1769600xf32, #tpu.memory_space<vmem_shared>> -> memref<6144xf32, #tpu.memory_space<vmem_shared>>
      tpu.enqueue_dma source(%dma_start3A_186 : memref<6144xf32, #tpu.memory_space<vmem_shared>>) target(%dma_start3A : memref<6144xf32, #tpu.memory_space<hbm>>) target_semaphore(%run_scoped3A : memref<!tpu.dma_semaphore, #tpu.memory_space<semaphore_mem>>)
      %dma_wait3A = tpu.memref_slice %arg3[%add3A_144] : memref<3538944xf32, #tpu.memory_space<hbm>> -> memref<6144xf32, #tpu.memory_space<hbm>>
      %dma_wait3A_187 = tpu.memref_slice %arg7[%add3A_143] : memref<1769600xf32, #tpu.memory_space<vmem_shared>> -> memref<6144xf32, #tpu.memory_space<vmem_shared>>
      tpu.wait_dma2 semaphore(%run_scoped3A : memref<!tpu.dma_semaphore, #tpu.memory_space<semaphore_mem>>) src(%dma_wait3A_187 : memref<6144xf32, #tpu.memory_space<vmem_shared>>) dst(%dma_wait3A : memref<6144xf32, #tpu.memory_space<hbm>>)
      tpu.yield
    }) : () -> ()
    %mul3A_145 = arith.constant 110592 : i32
    %mul3A_146 = arith.muli %arg1, %mul3A_145 : i32
    %add3A_147 = arith.constant 61440 : i32
    %add3A_148 = arith.addi %mul3A_146, %add3A_147 : i32
    %add3A_149 = arith.addi %mul3A_2, %add3A_148 : i32
    "tpu.region"() ({
      %run_scoped3A = tpu.sem_alloc : memref<!tpu.dma_semaphore, #tpu.memory_space<semaphore_mem>>
      %dma_start3A = tpu.memref_slice %arg3[%add3A_149] : memref<3538944xf32, #tpu.memory_space<hbm>> -> memref<6144xf32, #tpu.memory_space<hbm>>
      %dma_start3A_186 = tpu.memref_slice %arg7[%add3A_148] : memref<1769600xf32, #tpu.memory_space<vmem_shared>> -> memref<6144xf32, #tpu.memory_space<vmem_shared>>
      tpu.enqueue_dma source(%dma_start3A_186 : memref<6144xf32, #tpu.memory_space<vmem_shared>>) target(%dma_start3A : memref<6144xf32, #tpu.memory_space<hbm>>) target_semaphore(%run_scoped3A : memref<!tpu.dma_semaphore, #tpu.memory_space<semaphore_mem>>)
      %dma_wait3A = tpu.memref_slice %arg3[%add3A_149] : memref<3538944xf32, #tpu.memory_space<hbm>> -> memref<6144xf32, #tpu.memory_space<hbm>>
      %dma_wait3A_187 = tpu.memref_slice %arg7[%add3A_148] : memref<1769600xf32, #tpu.memory_space<vmem_shared>> -> memref<6144xf32, #tpu.memory_space<vmem_shared>>
      tpu.wait_dma2 semaphore(%run_scoped3A : memref<!tpu.dma_semaphore, #tpu.memory_space<semaphore_mem>>) src(%dma_wait3A_187 : memref<6144xf32, #tpu.memory_space<vmem_shared>>) dst(%dma_wait3A : memref<6144xf32, #tpu.memory_space<hbm>>)
      tpu.yield
    }) : () -> ()
    %mul3A_150 = arith.constant 110592 : i32
    %mul3A_151 = arith.muli %arg1, %mul3A_150 : i32
    %add3A_152 = arith.constant 67584 : i32
    %add3A_153 = arith.addi %mul3A_151, %add3A_152 : i32
    %add3A_154 = arith.addi %mul3A_2, %add3A_153 : i32
    "tpu.region"() ({
      %run_scoped3A = tpu.sem_alloc : memref<!tpu.dma_semaphore, #tpu.memory_space<semaphore_mem>>
      %dma_start3A = tpu.memref_slice %arg3[%add3A_154] : memref<3538944xf32, #tpu.memory_space<hbm>> -> memref<6144xf32, #tpu.memory_space<hbm>>
      %dma_start3A_186 = tpu.memref_slice %arg7[%add3A_153] : memref<1769600xf32, #tpu.memory_space<vmem_shared>> -> memref<6144xf32, #tpu.memory_space<vmem_shared>>
      tpu.enqueue_dma source(%dma_start3A_186 : memref<6144xf32, #tpu.memory_space<vmem_shared>>) target(%dma_start3A : memref<6144xf32, #tpu.memory_space<hbm>>) target_semaphore(%run_scoped3A : memref<!tpu.dma_semaphore, #tpu.memory_space<semaphore_mem>>)
      %dma_wait3A = tpu.memref_slice %arg3[%add3A_154] : memref<3538944xf32, #tpu.memory_space<hbm>> -> memref<6144xf32, #tpu.memory_space<hbm>>
      %dma_wait3A_187 = tpu.memref_slice %arg7[%add3A_153] : memref<1769600xf32, #tpu.memory_space<vmem_shared>> -> memref<6144xf32, #tpu.memory_space<vmem_shared>>
      tpu.wait_dma2 semaphore(%run_scoped3A : memref<!tpu.dma_semaphore, #tpu.memory_space<semaphore_mem>>) src(%dma_wait3A_187 : memref<6144xf32, #tpu.memory_space<vmem_shared>>) dst(%dma_wait3A : memref<6144xf32, #tpu.memory_space<hbm>>)
      tpu.yield
    }) : () -> ()
    %mul3A_155 = arith.constant 110592 : i32
    %mul3A_156 = arith.muli %arg1, %mul3A_155 : i32
    %add3A_157 = arith.constant 73728 : i32
    %add3A_158 = arith.addi %mul3A_156, %add3A_157 : i32
    %add3A_159 = arith.addi %mul3A_2, %add3A_158 : i32
    "tpu.region"() ({
      %run_scoped3A = tpu.sem_alloc : memref<!tpu.dma_semaphore, #tpu.memory_space<semaphore_mem>>
      %dma_start3A = tpu.memref_slice %arg3[%add3A_159] : memref<3538944xf32, #tpu.memory_space<hbm>> -> memref<6144xf32, #tpu.memory_space<hbm>>
      %dma_start3A_186 = tpu.memref_slice %arg7[%add3A_158] : memref<1769600xf32, #tpu.memory_space<vmem_shared>> -> memref<6144xf32, #tpu.memory_space<vmem_shared>>
      tpu.enqueue_dma source(%dma_start3A_186 : memref<6144xf32, #tpu.memory_space<vmem_shared>>) target(%dma_start3A : memref<6144xf32, #tpu.memory_space<hbm>>) target_semaphore(%run_scoped3A : memref<!tpu.dma_semaphore, #tpu.memory_space<semaphore_mem>>)
      %dma_wait3A = tpu.memref_slice %arg3[%add3A_159] : memref<3538944xf32, #tpu.memory_space<hbm>> -> memref<6144xf32, #tpu.memory_space<hbm>>
      %dma_wait3A_187 = tpu.memref_slice %arg7[%add3A_158] : memref<1769600xf32, #tpu.memory_space<vmem_shared>> -> memref<6144xf32, #tpu.memory_space<vmem_shared>>
      tpu.wait_dma2 semaphore(%run_scoped3A : memref<!tpu.dma_semaphore, #tpu.memory_space<semaphore_mem>>) src(%dma_wait3A_187 : memref<6144xf32, #tpu.memory_space<vmem_shared>>) dst(%dma_wait3A : memref<6144xf32, #tpu.memory_space<hbm>>)
      tpu.yield
    }) : () -> ()
    %mul3A_160 = arith.constant 110592 : i32
    %mul3A_161 = arith.muli %arg1, %mul3A_160 : i32
    %add3A_162 = arith.constant 79872 : i32
    %add3A_163 = arith.addi %mul3A_161, %add3A_162 : i32
    %add3A_164 = arith.addi %mul3A_2, %add3A_163 : i32
    "tpu.region"() ({
      %run_scoped3A = tpu.sem_alloc : memref<!tpu.dma_semaphore, #tpu.memory_space<semaphore_mem>>
      %dma_start3A = tpu.memref_slice %arg3[%add3A_164] : memref<3538944xf32, #tpu.memory_space<hbm>> -> memref<6144xf32, #tpu.memory_space<hbm>>
      %dma_start3A_186 = tpu.memref_slice %arg7[%add3A_163] : memref<1769600xf32, #tpu.memory_space<vmem_shared>> -> memref<6144xf32, #tpu.memory_space<vmem_shared>>
      tpu.enqueue_dma source(%dma_start3A_186 : memref<6144xf32, #tpu.memory_space<vmem_shared>>) target(%dma_start3A : memref<6144xf32, #tpu.memory_space<hbm>>) target_semaphore(%run_scoped3A : memref<!tpu.dma_semaphore, #tpu.memory_space<semaphore_mem>>)
      %dma_wait3A = tpu.memref_slice %arg3[%add3A_164] : memref<3538944xf32, #tpu.memory_space<hbm>> -> memref<6144xf32, #tpu.memory_space<hbm>>
      %dma_wait3A_187 = tpu.memref_slice %arg7[%add3A_163] : memref<1769600xf32, #tpu.memory_space<vmem_shared>> -> memref<6144xf32, #tpu.memory_space<vmem_shared>>
      tpu.wait_dma2 semaphore(%run_scoped3A : memref<!tpu.dma_semaphore, #tpu.memory_space<semaphore_mem>>) src(%dma_wait3A_187 : memref<6144xf32, #tpu.memory_space<vmem_shared>>) dst(%dma_wait3A : memref<6144xf32, #tpu.memory_space<hbm>>)
      tpu.yield
    }) : () -> ()
    %mul3A_165 = arith.constant 110592 : i32
    %mul3A_166 = arith.muli %arg1, %mul3A_165 : i32
    %add3A_167 = arith.constant 86016 : i32
    %add3A_168 = arith.addi %mul3A_166, %add3A_167 : i32
    %add3A_169 = arith.addi %mul3A_2, %add3A_168 : i32
    "tpu.region"() ({
      %run_scoped3A = tpu.sem_alloc : memref<!tpu.dma_semaphore, #tpu.memory_space<semaphore_mem>>
      %dma_start3A = tpu.memref_slice %arg3[%add3A_169] : memref<3538944xf32, #tpu.memory_space<hbm>> -> memref<6144xf32, #tpu.memory_space<hbm>>
      %dma_start3A_186 = tpu.memref_slice %arg7[%add3A_168] : memref<1769600xf32, #tpu.memory_space<vmem_shared>> -> memref<6144xf32, #tpu.memory_space<vmem_shared>>
      tpu.enqueue_dma source(%dma_start3A_186 : memref<6144xf32, #tpu.memory_space<vmem_shared>>) target(%dma_start3A : memref<6144xf32, #tpu.memory_space<hbm>>) target_semaphore(%run_scoped3A : memref<!tpu.dma_semaphore, #tpu.memory_space<semaphore_mem>>)
      %dma_wait3A = tpu.memref_slice %arg3[%add3A_169] : memref<3538944xf32, #tpu.memory_space<hbm>> -> memref<6144xf32, #tpu.memory_space<hbm>>
      %dma_wait3A_187 = tpu.memref_slice %arg7[%add3A_168] : memref<1769600xf32, #tpu.memory_space<vmem_shared>> -> memref<6144xf32, #tpu.memory_space<vmem_shared>>
      tpu.wait_dma2 semaphore(%run_scoped3A : memref<!tpu.dma_semaphore, #tpu.memory_space<semaphore_mem>>) src(%dma_wait3A_187 : memref<6144xf32, #tpu.memory_space<vmem_shared>>) dst(%dma_wait3A : memref<6144xf32, #tpu.memory_space<hbm>>)
      tpu.yield
    }) : () -> ()
    %mul3A_170 = arith.constant 110592 : i32
    %mul3A_171 = arith.muli %arg1, %mul3A_170 : i32
    %add3A_172 = arith.constant 92160 : i32
    %add3A_173 = arith.addi %mul3A_171, %add3A_172 : i32
    %add3A_174 = arith.addi %mul3A_2, %add3A_173 : i32
    "tpu.region"() ({
      %run_scoped3A = tpu.sem_alloc : memref<!tpu.dma_semaphore, #tpu.memory_space<semaphore_mem>>
      %dma_start3A = tpu.memref_slice %arg3[%add3A_174] : memref<3538944xf32, #tpu.memory_space<hbm>> -> memref<6144xf32, #tpu.memory_space<hbm>>
      %dma_start3A_186 = tpu.memref_slice %arg7[%add3A_173] : memref<1769600xf32, #tpu.memory_space<vmem_shared>> -> memref<6144xf32, #tpu.memory_space<vmem_shared>>
      tpu.enqueue_dma source(%dma_start3A_186 : memref<6144xf32, #tpu.memory_space<vmem_shared>>) target(%dma_start3A : memref<6144xf32, #tpu.memory_space<hbm>>) target_semaphore(%run_scoped3A : memref<!tpu.dma_semaphore, #tpu.memory_space<semaphore_mem>>)
      %dma_wait3A = tpu.memref_slice %arg3[%add3A_174] : memref<3538944xf32, #tpu.memory_space<hbm>> -> memref<6144xf32, #tpu.memory_space<hbm>>
      %dma_wait3A_187 = tpu.memref_slice %arg7[%add3A_173] : memref<1769600xf32, #tpu.memory_space<vmem_shared>> -> memref<6144xf32, #tpu.memory_space<vmem_shared>>
      tpu.wait_dma2 semaphore(%run_scoped3A : memref<!tpu.dma_semaphore, #tpu.memory_space<semaphore_mem>>) src(%dma_wait3A_187 : memref<6144xf32, #tpu.memory_space<vmem_shared>>) dst(%dma_wait3A : memref<6144xf32, #tpu.memory_space<hbm>>)
      tpu.yield
    }) : () -> ()
    %mul3A_175 = arith.constant 110592 : i32
    %mul3A_176 = arith.muli %arg1, %mul3A_175 : i32
    %add3A_177 = arith.constant 98304 : i32
    %add3A_178 = arith.addi %mul3A_176, %add3A_177 : i32
    %add3A_179 = arith.addi %mul3A_2, %add3A_178 : i32
    "tpu.region"() ({
      %run_scoped3A = tpu.sem_alloc : memref<!tpu.dma_semaphore, #tpu.memory_space<semaphore_mem>>
      %dma_start3A = tpu.memref_slice %arg3[%add3A_179] : memref<3538944xf32, #tpu.memory_space<hbm>> -> memref<6144xf32, #tpu.memory_space<hbm>>
      %dma_start3A_186 = tpu.memref_slice %arg7[%add3A_178] : memref<1769600xf32, #tpu.memory_space<vmem_shared>> -> memref<6144xf32, #tpu.memory_space<vmem_shared>>
      tpu.enqueue_dma source(%dma_start3A_186 : memref<6144xf32, #tpu.memory_space<vmem_shared>>) target(%dma_start3A : memref<6144xf32, #tpu.memory_space<hbm>>) target_semaphore(%run_scoped3A : memref<!tpu.dma_semaphore, #tpu.memory_space<semaphore_mem>>)
      %dma_wait3A = tpu.memref_slice %arg3[%add3A_179] : memref<3538944xf32, #tpu.memory_space<hbm>> -> memref<6144xf32, #tpu.memory_space<hbm>>
      %dma_wait3A_187 = tpu.memref_slice %arg7[%add3A_178] : memref<1769600xf32, #tpu.memory_space<vmem_shared>> -> memref<6144xf32, #tpu.memory_space<vmem_shared>>
      tpu.wait_dma2 semaphore(%run_scoped3A : memref<!tpu.dma_semaphore, #tpu.memory_space<semaphore_mem>>) src(%dma_wait3A_187 : memref<6144xf32, #tpu.memory_space<vmem_shared>>) dst(%dma_wait3A : memref<6144xf32, #tpu.memory_space<hbm>>)
      tpu.yield
    }) : () -> ()
    %mul3A_180 = arith.constant 110592 : i32
    %mul3A_181 = arith.muli %arg1, %mul3A_180 : i32
    %add3A_182 = arith.constant 104448 : i32
    %add3A_183 = arith.addi %mul3A_181, %add3A_182 : i32
    %add3A_184 = arith.addi %mul3A_2, %add3A_183 : i32
    "tpu.region"() ({
      %run_scoped3A = tpu.sem_alloc : memref<!tpu.dma_semaphore, #tpu.memory_space<semaphore_mem>>
      %dma_start3A = tpu.memref_slice %arg3[%add3A_184] : memref<3538944xf32, #tpu.memory_space<hbm>> -> memref<6144xf32, #tpu.memory_space<hbm>>
      %dma_start3A_186 = tpu.memref_slice %arg7[%add3A_183] : memref<1769600xf32, #tpu.memory_space<vmem_shared>> -> memref<6144xf32, #tpu.memory_space<vmem_shared>>
      tpu.enqueue_dma source(%dma_start3A_186 : memref<6144xf32, #tpu.memory_space<vmem_shared>>) target(%dma_start3A : memref<6144xf32, #tpu.memory_space<hbm>>) target_semaphore(%run_scoped3A : memref<!tpu.dma_semaphore, #tpu.memory_space<semaphore_mem>>)
      %dma_wait3A = tpu.memref_slice %arg3[%add3A_184] : memref<3538944xf32, #tpu.memory_space<hbm>> -> memref<6144xf32, #tpu.memory_space<hbm>>
      %dma_wait3A_187 = tpu.memref_slice %arg7[%add3A_183] : memref<1769600xf32, #tpu.memory_space<vmem_shared>> -> memref<6144xf32, #tpu.memory_space<vmem_shared>>
      tpu.wait_dma2 semaphore(%run_scoped3A : memref<!tpu.dma_semaphore, #tpu.memory_space<semaphore_mem>>) src(%dma_wait3A_187 : memref<6144xf32, #tpu.memory_space<vmem_shared>>) dst(%dma_wait3A : memref<6144xf32, #tpu.memory_space<hbm>>)
      tpu.yield
    }) : () -> ()
    %barrier3A_185 = arith.constant 0 : index
    tpu.barrier barrier_id(%barrier3A_185)
    return
  }
}

module attributes {stable_mosaic.version = 14 : i64} {
  func.func @_tc_idx_body(%arg0: i32, %arg1: memref<4xf32, #tpu.memory_space<smem>>, %arg2: memref<512x128xf32, #tpu.memory_space<vmem>>, %arg3: memref<2x512x128xi32, #tpu.memory_space<vmem>>) attributes {dimension_semantics = [#tpu.dimension_semantics<arbitrary>], iteration_bounds = array<i64: 108>, scalar_prefetch = 0 : i64, scratch_operands = 0 : i64, tpu.core_type = #tpu.core_type<tc>, window_params = [{transform_indices = @transform_0, window_bounds = array<i64: 4>}, {transform_indices = @transform_1, window_bounds = array<i64: 512, 128>}, {transform_indices = @transform_2, window_bounds = array<i64: 2, 512, 128>}]} {
    %get3A = arith.constant 0 : index
    %get3A_0 = memref.load %arg1[%get3A] : memref<4xf32, #tpu.memory_space<smem>>
    %get3A_1 = arith.constant 1 : index
    %get3A_2 = memref.load %arg1[%get3A_1] : memref<4xf32, #tpu.memory_space<smem>>
    %get3A_3 = arith.constant 2 : index
    %get3A_4 = memref.load %arg1[%get3A_3] : memref<4xf32, #tpu.memory_space<smem>>
    %get3A_5 = arith.constant 3 : index
    %get3A_6 = memref.load %arg1[%get3A_5] : memref<4xf32, #tpu.memory_space<smem>>
    %mul3A = arith.constant 512 : i32
    %mul3A_7 = arith.muli %arg0, %mul3A : i32
    %iota3A = tpu.iota {dimensions = array<i32: 1>} : vector<512x128xi32>
    %iota3A_8 = tpu.iota {dimensions = array<i32: 0>} : vector<512x128xi32>
    %add3A = vector.broadcast %mul3A_7 : i32 to vector<512x128xi32>
    %add3A_9 = arith.addi %add3A, %iota3A_8 : vector<512x128xi32>
    %mul3A_10 = arith.constant 128 : i32
    %mul3A_11 = vector.broadcast %mul3A_10 : i32 to vector<512x128xi32>
    %mul3A_12 = arith.muli %add3A_9, %mul3A_11 : vector<512x128xi32>
    %add3A_13 = arith.addi %mul3A_12, %iota3A : vector<512x128xi32>
    %shift_right_logical3A = arith.constant 12 : i32
    %shift_right_logical3A_14 = vector.broadcast %shift_right_logical3A : i32 to vector<512x128xi32>
    %shift_right_logical3A_15 = arith.shrui %add3A_13, %shift_right_logical3A_14 : vector<512x128xi32>
    %mul3A_16 = arith.constant 58255 : i32
    %mul3A_17 = vector.broadcast %mul3A_16 : i32 to vector<512x128xi32>
    %mul3A_18 = arith.muli %shift_right_logical3A_15, %mul3A_17 : vector<512x128xi32>
    %shift_right_logical3A_19 = arith.constant 19 : i32
    %shift_right_logical3A_20 = vector.broadcast %shift_right_logical3A_19 : i32 to vector<512x128xi32>
    %shift_right_logical3A_21 = arith.shrui %mul3A_18, %shift_right_logical3A_20 : vector<512x128xi32>
    %mul3A_22 = arith.constant 36864 : i32
    %mul3A_23 = vector.broadcast %mul3A_22 : i32 to vector<512x128xi32>
    %mul3A_24 = arith.muli %shift_right_logical3A_21, %mul3A_23 : vector<512x128xi32>
    %sub3A = arith.subi %add3A_13, %mul3A_24 : vector<512x128xi32>
    %shift_right_logical3A_25 = arith.constant 6 : i32
    %shift_right_logical3A_26 = vector.broadcast %shift_right_logical3A_25 : i32 to vector<512x128xi32>
    %shift_right_logical3A_27 = arith.shrui %sub3A, %shift_right_logical3A_26 : vector<512x128xi32>
    %mul3A_28 = arith.constant 43691 : i32
    %mul3A_29 = vector.broadcast %mul3A_28 : i32 to vector<512x128xi32>
    %mul3A_30 = arith.muli %shift_right_logical3A_27, %mul3A_29 : vector<512x128xi32>
    %shift_right_logical3A_31 = arith.constant 17 : i32
    %shift_right_logical3A_32 = vector.broadcast %shift_right_logical3A_31 : i32 to vector<512x128xi32>
    %shift_right_logical3A_33 = arith.shrui %mul3A_30, %shift_right_logical3A_32 : vector<512x128xi32>
    %mul3A_34 = arith.constant 192 : i32
    %mul3A_35 = vector.broadcast %mul3A_34 : i32 to vector<512x128xi32>
    %mul3A_36 = arith.muli %shift_right_logical3A_33, %mul3A_35 : vector<512x128xi32>
    %sub3A_37 = arith.subi %sub3A, %mul3A_36 : vector<512x128xi32>
    %convert_element_type3A = arith.sitofp %shift_right_logical3A_21 : vector<512x128xi32> to vector<512x128xf32>
    %convert_element_type3A_38 = arith.sitofp %shift_right_logical3A_33 : vector<512x128xi32> to vector<512x128xf32>
    %convert_element_type3A_39 = arith.sitofp %sub3A_37 : vector<512x128xi32> to vector<512x128xf32>
    %mul3A_40 = vector.broadcast %get3A_2 : f32 to vector<512x128xf32>
    %mul3A_41 = arith.mulf %mul3A_40, %convert_element_type3A : vector<512x128xf32>
    %sub3A_42 = arith.constant 0.000000e+00 : f32
    %sub3A_43 = vector.broadcast %sub3A_42 : f32 to vector<512x128xf32>
    %sub3A_44 = arith.subf %sub3A_43, %mul3A_41 : vector<512x128xf32>
    %mul3A_45 = vector.broadcast %get3A_4 : f32 to vector<512x128xf32>
    %mul3A_46 = arith.mulf %mul3A_45, %convert_element_type3A_38 : vector<512x128xf32>
    %sub3A_47 = arith.subf %sub3A_44, %mul3A_46 : vector<512x128xf32>
    %mul3A_48 = vector.broadcast %get3A_6 : f32 to vector<512x128xf32>
    %mul3A_49 = arith.mulf %mul3A_48, %convert_element_type3A_39 : vector<512x128xf32>
    %sub3A_50 = arith.subf %sub3A_47, %mul3A_49 : vector<512x128xf32>
    %mul3A_51 = vector.broadcast %get3A_0 : f32 to vector<512x128xf32>
    %mul3A_52 = arith.mulf %mul3A_51, %convert_element_type3A : vector<512x128xf32>
    %mul3A_53 = vector.broadcast %get3A_4 : f32 to vector<512x128xf32>
    %mul3A_54 = arith.mulf %mul3A_53, %convert_element_type3A_39 : vector<512x128xf32>
    %add3A_55 = arith.addf %mul3A_52, %mul3A_54 : vector<512x128xf32>
    %mul3A_56 = vector.broadcast %get3A_6 : f32 to vector<512x128xf32>
    %mul3A_57 = arith.mulf %mul3A_56, %convert_element_type3A_38 : vector<512x128xf32>
    %sub3A_58 = arith.subf %add3A_55, %mul3A_57 : vector<512x128xf32>
    %mul3A_59 = vector.broadcast %get3A_0 : f32 to vector<512x128xf32>
    %mul3A_60 = arith.mulf %mul3A_59, %convert_element_type3A_38 : vector<512x128xf32>
    %mul3A_61 = vector.broadcast %get3A_6 : f32 to vector<512x128xf32>
    %mul3A_62 = arith.mulf %mul3A_61, %convert_element_type3A : vector<512x128xf32>
    %add3A_63 = arith.addf %mul3A_60, %mul3A_62 : vector<512x128xf32>
    %mul3A_64 = vector.broadcast %get3A_2 : f32 to vector<512x128xf32>
    %mul3A_65 = arith.mulf %mul3A_64, %convert_element_type3A_39 : vector<512x128xf32>
    %sub3A_66 = arith.subf %add3A_63, %mul3A_65 : vector<512x128xf32>
    %mul3A_67 = vector.broadcast %get3A_0 : f32 to vector<512x128xf32>
    %mul3A_68 = arith.mulf %mul3A_67, %convert_element_type3A_39 : vector<512x128xf32>
    %mul3A_69 = vector.broadcast %get3A_2 : f32 to vector<512x128xf32>
    %mul3A_70 = arith.mulf %mul3A_69, %convert_element_type3A_38 : vector<512x128xf32>
    %add3A_71 = arith.addf %mul3A_68, %mul3A_70 : vector<512x128xf32>
    %mul3A_72 = vector.broadcast %get3A_4 : f32 to vector<512x128xf32>
    %mul3A_73 = arith.mulf %mul3A_72, %convert_element_type3A : vector<512x128xf32>
    %sub3A_74 = arith.subf %add3A_71, %mul3A_73 : vector<512x128xf32>
    %neg3A = arith.constant 0.000000e+00 : f32
    %neg3A_75 = arith.subf %neg3A, %get3A_2 : f32
    %neg3A_76 = arith.constant 0.000000e+00 : f32
    %neg3A_77 = arith.subf %neg3A_76, %get3A_4 : f32
    %neg3A_78 = arith.constant 0.000000e+00 : f32
    %neg3A_79 = arith.subf %neg3A_78, %get3A_6 : f32
    %mul3A_80 = vector.broadcast %neg3A_75 : f32 to vector<512x128xf32>
    %mul3A_81 = arith.mulf %sub3A_50, %mul3A_80 : vector<512x128xf32>
    %mul3A_82 = vector.broadcast %get3A_0 : f32 to vector<512x128xf32>
    %mul3A_83 = arith.mulf %sub3A_58, %mul3A_82 : vector<512x128xf32>
    %add3A_84 = arith.addf %mul3A_81, %mul3A_83 : vector<512x128xf32>
    %mul3A_85 = vector.broadcast %neg3A_79 : f32 to vector<512x128xf32>
    %mul3A_86 = arith.mulf %sub3A_66, %mul3A_85 : vector<512x128xf32>
    %add3A_87 = arith.addf %add3A_84, %mul3A_86 : vector<512x128xf32>
    %mul3A_88 = vector.broadcast %neg3A_77 : f32 to vector<512x128xf32>
    %mul3A_89 = arith.mulf %sub3A_74, %mul3A_88 : vector<512x128xf32>
    %sub3A_90 = arith.subf %add3A_87, %mul3A_89 : vector<512x128xf32>
    %mul3A_91 = vector.broadcast %neg3A_77 : f32 to vector<512x128xf32>
    %mul3A_92 = arith.mulf %sub3A_50, %mul3A_91 : vector<512x128xf32>
    %mul3A_93 = vector.broadcast %get3A_0 : f32 to vector<512x128xf32>
    %mul3A_94 = arith.mulf %sub3A_66, %mul3A_93 : vector<512x128xf32>
    %add3A_95 = arith.addf %mul3A_92, %mul3A_94 : vector<512x128xf32>
    %mul3A_96 = vector.broadcast %neg3A_75 : f32 to vector<512x128xf32>
    %mul3A_97 = arith.mulf %sub3A_74, %mul3A_96 : vector<512x128xf32>
    %add3A_98 = arith.addf %add3A_95, %mul3A_97 : vector<512x128xf32>
    %mul3A_99 = vector.broadcast %neg3A_79 : f32 to vector<512x128xf32>
    %mul3A_100 = arith.mulf %sub3A_58, %mul3A_99 : vector<512x128xf32>
    %sub3A_101 = arith.subf %add3A_98, %mul3A_100 : vector<512x128xf32>
    %mul3A_102 = vector.broadcast %neg3A_79 : f32 to vector<512x128xf32>
    %mul3A_103 = arith.mulf %sub3A_50, %mul3A_102 : vector<512x128xf32>
    %mul3A_104 = vector.broadcast %get3A_0 : f32 to vector<512x128xf32>
    %mul3A_105 = arith.mulf %sub3A_74, %mul3A_104 : vector<512x128xf32>
    %add3A_106 = arith.addf %mul3A_103, %mul3A_105 : vector<512x128xf32>
    %mul3A_107 = vector.broadcast %neg3A_77 : f32 to vector<512x128xf32>
    %mul3A_108 = arith.mulf %sub3A_58, %mul3A_107 : vector<512x128xf32>
    %add3A_109 = arith.addf %add3A_106, %mul3A_108 : vector<512x128xf32>
    %mul3A_110 = vector.broadcast %neg3A_75 : f32 to vector<512x128xf32>
    %mul3A_111 = arith.mulf %sub3A_66, %mul3A_110 : vector<512x128xf32>
    %sub3A_112 = arith.subf %add3A_109, %mul3A_111 : vector<512x128xf32>
    %convert_element_type3A_113 = arith.fptosi %sub3A_90 : vector<512x128xf32> to vector<512x128xi32>
    %convert_element_type3A_114 = arith.fptosi %sub3A_101 : vector<512x128xf32> to vector<512x128xi32>
    %convert_element_type3A_115 = arith.fptosi %sub3A_112 : vector<512x128xf32> to vector<512x128xi32>
    %ge3A = arith.constant 0 : i32
    %ge3A_116 = vector.broadcast %ge3A : i32 to vector<512x128xi32>
    %ge3A_117 = arith.cmpi sge, %convert_element_type3A_113, %ge3A_116 : vector<512x128xi32>
    %lt3A = arith.constant 192 : i32
    %lt3A_118 = vector.broadcast %lt3A : i32 to vector<512x128xi32>
    %lt3A_119 = arith.cmpi slt, %convert_element_type3A_113, %lt3A_118 : vector<512x128xi32>
    %and3A = arith.andi %ge3A_117, %lt3A_119 : vector<512x128xi1>
    %ge3A_120 = arith.constant 0 : i32
    %ge3A_121 = vector.broadcast %ge3A_120 : i32 to vector<512x128xi32>
    %ge3A_122 = arith.cmpi sge, %convert_element_type3A_114, %ge3A_121 : vector<512x128xi32>
    %and3A_123 = arith.andi %and3A, %ge3A_122 : vector<512x128xi1>
    %lt3A_124 = arith.constant 192 : i32
    %lt3A_125 = vector.broadcast %lt3A_124 : i32 to vector<512x128xi32>
    %lt3A_126 = arith.cmpi slt, %convert_element_type3A_114, %lt3A_125 : vector<512x128xi32>
    %and3A_127 = arith.andi %and3A_123, %lt3A_126 : vector<512x128xi1>
    %ge3A_128 = arith.constant 0 : i32
    %ge3A_129 = vector.broadcast %ge3A_128 : i32 to vector<512x128xi32>
    %ge3A_130 = arith.cmpi sge, %convert_element_type3A_115, %ge3A_129 : vector<512x128xi32>
    %and3A_131 = arith.andi %and3A_127, %ge3A_130 : vector<512x128xi1>
    %lt3A_132 = arith.constant 192 : i32
    %lt3A_133 = vector.broadcast %lt3A_132 : i32 to vector<512x128xi32>
    %lt3A_134 = arith.cmpi slt, %convert_element_type3A_115, %lt3A_133 : vector<512x128xi32>
    %and3A_135 = arith.andi %and3A_131, %lt3A_134 : vector<512x128xi1>
    %get3A_136 = arith.constant 0 : index
    %get3A_137 = arith.constant 0 : index
    %get3A_138 = vector.load %arg2[%get3A_136, %get3A_137] : memref<512x128xf32, #tpu.memory_space<vmem>>, vector<512x128xf32>
    %ne3A = arith.constant 0.000000e+00 : f32
    %ne3A_139 = vector.broadcast %ne3A : f32 to vector<512x128xf32>
    %ne3A_140 = arith.cmpf one, %get3A_138, %ne3A_139 : vector<512x128xf32>
    %and3A_141 = arith.andi %and3A_135, %ne3A_140 : vector<512x128xi1>
    %mul3A_142 = arith.constant 36864 : i32
    %mul3A_143 = vector.broadcast %mul3A_142 : i32 to vector<512x128xi32>
    %mul3A_144 = arith.muli %convert_element_type3A_113, %mul3A_143 : vector<512x128xi32>
    %mul3A_145 = arith.constant 192 : i32
    %mul3A_146 = vector.broadcast %mul3A_145 : i32 to vector<512x128xi32>
    %mul3A_147 = arith.muli %convert_element_type3A_114, %mul3A_146 : vector<512x128xi32>
    %add3A_148 = arith.addi %mul3A_144, %mul3A_147 : vector<512x128xi32>
    %add3A_149 = arith.addi %add3A_148, %convert_element_type3A_115 : vector<512x128xi32>
    %add3A_150 = arith.constant 1769472 : i32
    %add3A_151 = vector.broadcast %add3A_150 : i32 to vector<512x128xi32>
    %add3A_152 = arith.addi %add3A_151, %iota3A : vector<512x128xi32>
    %sub3A_153 = arith.constant 3538944 : i32
    %sub3A_154 = vector.broadcast %sub3A_153 : i32 to vector<512x128xi32>
    %sub3A_155 = arith.subi %add3A_149, %sub3A_154 : vector<512x128xi32>
    %ge3A_156 = arith.constant 0 : i32
    %ge3A_157 = vector.broadcast %ge3A_156 : i32 to vector<512x128xi32>
    %ge3A_158 = arith.cmpi sge, %sub3A_155, %ge3A_157 : vector<512x128xi32>
    %and3A_159 = arith.andi %and3A_141, %ge3A_158 : vector<512x128xi1>
    %lt3A_160 = arith.constant 1769472 : i32
    %lt3A_161 = vector.broadcast %lt3A_160 : i32 to vector<512x128xi32>
    %lt3A_162 = arith.cmpi slt, %sub3A_155, %lt3A_161 : vector<512x128xi32>
    %and3A_163 = arith.andi %and3A_159, %lt3A_162 : vector<512x128xi1>
    %select_n3A = arith.select %and3A_163, %sub3A_155, %add3A_152 : vector<512x128xi1>, vector<512x128xi32>
    %swap3A = arith.constant 0 : index
    %swap3A_164 = arith.constant 0 : index
    %swap3A_165 = arith.constant 0 : index
    %swap3A_166 = vector.load %arg3[%swap3A, %swap3A_164, %swap3A_165] : memref<2x512x128xi32, #tpu.memory_space<vmem>>, vector<1x512x128xi32>
    %swap3A_167 = vector.shape_cast %swap3A_166 : vector<1x512x128xi32> to vector<512x128xi32>
    %swap3A_168 = vector.shape_cast %select_n3A : vector<512x128xi32> to vector<1x512x128xi32>
    tpu.vector_store %arg3[%swap3A, %swap3A_164, %swap3A_165], %swap3A_168 {strides = array<i32>} : memref<2x512x128xi32, #tpu.memory_space<vmem>>, vector<1x512x128xi32>,
    %sub3A_169 = arith.constant 5308416 : i32
    %sub3A_170 = vector.broadcast %sub3A_169 : i32 to vector<512x128xi32>
    %sub3A_171 = arith.subi %add3A_149, %sub3A_170 : vector<512x128xi32>
    %ge3A_172 = arith.constant 0 : i32
    %ge3A_173 = vector.broadcast %ge3A_172 : i32 to vector<512x128xi32>
    %ge3A_174 = arith.cmpi sge, %sub3A_171, %ge3A_173 : vector<512x128xi32>
    %and3A_175 = arith.andi %and3A_141, %ge3A_174 : vector<512x128xi1>
    %lt3A_176 = arith.constant 1769472 : i32
    %lt3A_177 = vector.broadcast %lt3A_176 : i32 to vector<512x128xi32>
    %lt3A_178 = arith.cmpi slt, %sub3A_171, %lt3A_177 : vector<512x128xi32>
    %and3A_179 = arith.andi %and3A_175, %lt3A_178 : vector<512x128xi1>
    %select_n3A_180 = arith.select %and3A_179, %sub3A_171, %add3A_152 : vector<512x128xi1>, vector<512x128xi32>
    %swap3A_181 = arith.constant 1 : index
    %swap3A_182 = arith.constant 0 : index
    %swap3A_183 = arith.constant 0 : index
    %swap3A_184 = vector.load %arg3[%swap3A_181, %swap3A_182, %swap3A_183] : memref<2x512x128xi32, #tpu.memory_space<vmem>>, vector<1x512x128xi32>
    %swap3A_185 = vector.shape_cast %swap3A_184 : vector<1x512x128xi32> to vector<512x128xi32>
    %swap3A_186 = vector.shape_cast %select_n3A_180 : vector<512x128xi32> to vector<1x512x128xi32>
    tpu.vector_store %arg3[%swap3A_181, %swap3A_182, %swap3A_183], %swap3A_186 {strides = array<i32>} : memref<2x512x128xi32, #tpu.memory_space<vmem>>, vector<1x512x128xi32>,
    return
  }
  func.func @transform_0(%arg0: i32) -> i32 {
    %c0_i32 = arith.constant 0 : i32
    %c0_i32_0 = arith.constant 0 : i32
    return %c0_i32 : i32
  }
  func.func @transform_1(%arg0: i32) -> (i32, i32) {
    %c0_i32 = arith.constant 0 : i32
    %c0_i32_0 = arith.constant 0 : i32
    return %arg0, %c0_i32 : i32, i32
  }
  func.func @transform_2(%arg0: i32) -> (i32, i32, i32) {
    %c0_i32 = arith.constant 0 : i32
    %c0_i32_0 = arith.constant 0 : i32
    %c0_i32_1 = arith.constant 0 : i32
    return %c0_i32, %arg0, %c0_i32_0 : i32, i32, i32
  }
}

module attributes {stable_mosaic.version = 14 : i64} {
  func.func @_tc_idx_body(%arg0: i32, %arg1: memref<4xf32, #tpu.memory_space<smem>>, %arg2: memref<512x128xf32, #tpu.memory_space<vmem>>, %arg3: memref<2x512x128xi32, #tpu.memory_space<vmem>>) attributes {dimension_semantics = [#tpu.dimension_semantics<arbitrary>], iteration_bounds = array<i64: 108>, scalar_prefetch = 0 : i64, scratch_operands = 0 : i64, tpu.core_type = #tpu.core_type<tc>, window_params = [{transform_indices = @transform_0, window_bounds = array<i64: 4>}, {transform_indices = @transform_1, window_bounds = array<i64: 512, 128>}, {transform_indices = @transform_2, window_bounds = array<i64: 2, 512, 128>}]} {
    %get3A = arith.constant 0 : index
    %get3A_0 = memref.load %arg1[%get3A] : memref<4xf32, #tpu.memory_space<smem>>
    %get3A_1 = arith.constant 1 : index
    %get3A_2 = memref.load %arg1[%get3A_1] : memref<4xf32, #tpu.memory_space<smem>>
    %get3A_3 = arith.constant 2 : index
    %get3A_4 = memref.load %arg1[%get3A_3] : memref<4xf32, #tpu.memory_space<smem>>
    %get3A_5 = arith.constant 3 : index
    %get3A_6 = memref.load %arg1[%get3A_5] : memref<4xf32, #tpu.memory_space<smem>>
    %mul3A = arith.constant 512 : i32
    %mul3A_7 = arith.muli %arg0, %mul3A : i32
    %iota3A = tpu.iota {dimensions = array<i32: 1>} : vector<512x128xi32>
    %iota3A_8 = tpu.iota {dimensions = array<i32: 0>} : vector<512x128xi32>
    %add3A = vector.broadcast %mul3A_7 : i32 to vector<512x128xi32>
    %add3A_9 = arith.addi %add3A, %iota3A_8 : vector<512x128xi32>
    %mul3A_10 = arith.constant 128 : i32
    %mul3A_11 = vector.broadcast %mul3A_10 : i32 to vector<512x128xi32>
    %mul3A_12 = arith.muli %add3A_9, %mul3A_11 : vector<512x128xi32>
    %add3A_13 = arith.addi %mul3A_12, %iota3A : vector<512x128xi32>
    %shift_right_logical3A = arith.constant 12 : i32
    %shift_right_logical3A_14 = vector.broadcast %shift_right_logical3A : i32 to vector<512x128xi32>
    %shift_right_logical3A_15 = arith.shrui %add3A_13, %shift_right_logical3A_14 : vector<512x128xi32>
    %mul3A_16 = arith.constant 58255 : i32
    %mul3A_17 = vector.broadcast %mul3A_16 : i32 to vector<512x128xi32>
    %mul3A_18 = arith.muli %shift_right_logical3A_15, %mul3A_17 : vector<512x128xi32>
    %shift_right_logical3A_19 = arith.constant 19 : i32
    %shift_right_logical3A_20 = vector.broadcast %shift_right_logical3A_19 : i32 to vector<512x128xi32>
    %shift_right_logical3A_21 = arith.shrui %mul3A_18, %shift_right_logical3A_20 : vector<512x128xi32>
    %mul3A_22 = arith.constant 36864 : i32
    %mul3A_23 = vector.broadcast %mul3A_22 : i32 to vector<512x128xi32>
    %mul3A_24 = arith.muli %shift_right_logical3A_21, %mul3A_23 : vector<512x128xi32>
    %sub3A = arith.subi %add3A_13, %mul3A_24 : vector<512x128xi32>
    %shift_right_logical3A_25 = arith.constant 6 : i32
    %shift_right_logical3A_26 = vector.broadcast %shift_right_logical3A_25 : i32 to vector<512x128xi32>
    %shift_right_logical3A_27 = arith.shrui %sub3A, %shift_right_logical3A_26 : vector<512x128xi32>
    %mul3A_28 = arith.constant 43691 : i32
    %mul3A_29 = vector.broadcast %mul3A_28 : i32 to vector<512x128xi32>
    %mul3A_30 = arith.muli %shift_right_logical3A_27, %mul3A_29 : vector<512x128xi32>
    %shift_right_logical3A_31 = arith.constant 17 : i32
    %shift_right_logical3A_32 = vector.broadcast %shift_right_logical3A_31 : i32 to vector<512x128xi32>
    %shift_right_logical3A_33 = arith.shrui %mul3A_30, %shift_right_logical3A_32 : vector<512x128xi32>
    %mul3A_34 = arith.constant 192 : i32
    %mul3A_35 = vector.broadcast %mul3A_34 : i32 to vector<512x128xi32>
    %mul3A_36 = arith.muli %shift_right_logical3A_33, %mul3A_35 : vector<512x128xi32>
    %sub3A_37 = arith.subi %sub3A, %mul3A_36 : vector<512x128xi32>
    %convert_element_type3A = arith.sitofp %shift_right_logical3A_21 : vector<512x128xi32> to vector<512x128xf32>
    %convert_element_type3A_38 = arith.sitofp %shift_right_logical3A_33 : vector<512x128xi32> to vector<512x128xf32>
    %convert_element_type3A_39 = arith.sitofp %sub3A_37 : vector<512x128xi32> to vector<512x128xf32>
    %mul3A_40 = vector.broadcast %get3A_2 : f32 to vector<512x128xf32>
    %mul3A_41 = arith.mulf %mul3A_40, %convert_element_type3A : vector<512x128xf32>
    %sub3A_42 = arith.constant 0.000000e+00 : f32
    %sub3A_43 = vector.broadcast %sub3A_42 : f32 to vector<512x128xf32>
    %sub3A_44 = arith.subf %sub3A_43, %mul3A_41 : vector<512x128xf32>
    %mul3A_45 = vector.broadcast %get3A_4 : f32 to vector<512x128xf32>
    %mul3A_46 = arith.mulf %mul3A_45, %convert_element_type3A_38 : vector<512x128xf32>
    %sub3A_47 = arith.subf %sub3A_44, %mul3A_46 : vector<512x128xf32>
    %mul3A_48 = vector.broadcast %get3A_6 : f32 to vector<512x128xf32>
    %mul3A_49 = arith.mulf %mul3A_48, %convert_element_type3A_39 : vector<512x128xf32>
    %sub3A_50 = arith.subf %sub3A_47, %mul3A_49 : vector<512x128xf32>
    %mul3A_51 = vector.broadcast %get3A_0 : f32 to vector<512x128xf32>
    %mul3A_52 = arith.mulf %mul3A_51, %convert_element_type3A : vector<512x128xf32>
    %mul3A_53 = vector.broadcast %get3A_4 : f32 to vector<512x128xf32>
    %mul3A_54 = arith.mulf %mul3A_53, %convert_element_type3A_39 : vector<512x128xf32>
    %add3A_55 = arith.addf %mul3A_52, %mul3A_54 : vector<512x128xf32>
    %mul3A_56 = vector.broadcast %get3A_6 : f32 to vector<512x128xf32>
    %mul3A_57 = arith.mulf %mul3A_56, %convert_element_type3A_38 : vector<512x128xf32>
    %sub3A_58 = arith.subf %add3A_55, %mul3A_57 : vector<512x128xf32>
    %mul3A_59 = vector.broadcast %get3A_0 : f32 to vector<512x128xf32>
    %mul3A_60 = arith.mulf %mul3A_59, %convert_element_type3A_38 : vector<512x128xf32>
    %mul3A_61 = vector.broadcast %get3A_6 : f32 to vector<512x128xf32>
    %mul3A_62 = arith.mulf %mul3A_61, %convert_element_type3A : vector<512x128xf32>
    %add3A_63 = arith.addf %mul3A_60, %mul3A_62 : vector<512x128xf32>
    %mul3A_64 = vector.broadcast %get3A_2 : f32 to vector<512x128xf32>
    %mul3A_65 = arith.mulf %mul3A_64, %convert_element_type3A_39 : vector<512x128xf32>
    %sub3A_66 = arith.subf %add3A_63, %mul3A_65 : vector<512x128xf32>
    %mul3A_67 = vector.broadcast %get3A_0 : f32 to vector<512x128xf32>
    %mul3A_68 = arith.mulf %mul3A_67, %convert_element_type3A_39 : vector<512x128xf32>
    %mul3A_69 = vector.broadcast %get3A_2 : f32 to vector<512x128xf32>
    %mul3A_70 = arith.mulf %mul3A_69, %convert_element_type3A_38 : vector<512x128xf32>
    %add3A_71 = arith.addf %mul3A_68, %mul3A_70 : vector<512x128xf32>
    %mul3A_72 = vector.broadcast %get3A_4 : f32 to vector<512x128xf32>
    %mul3A_73 = arith.mulf %mul3A_72, %convert_element_type3A : vector<512x128xf32>
    %sub3A_74 = arith.subf %add3A_71, %mul3A_73 : vector<512x128xf32>
    %neg3A = arith.constant 0.000000e+00 : f32
    %neg3A_75 = arith.subf %neg3A, %get3A_2 : f32
    %neg3A_76 = arith.constant 0.000000e+00 : f32
    %neg3A_77 = arith.subf %neg3A_76, %get3A_4 : f32
    %neg3A_78 = arith.constant 0.000000e+00 : f32
    %neg3A_79 = arith.subf %neg3A_78, %get3A_6 : f32
    %mul3A_80 = vector.broadcast %neg3A_75 : f32 to vector<512x128xf32>
    %mul3A_81 = arith.mulf %sub3A_50, %mul3A_80 : vector<512x128xf32>
    %mul3A_82 = vector.broadcast %get3A_0 : f32 to vector<512x128xf32>
    %mul3A_83 = arith.mulf %sub3A_58, %mul3A_82 : vector<512x128xf32>
    %add3A_84 = arith.addf %mul3A_81, %mul3A_83 : vector<512x128xf32>
    %mul3A_85 = vector.broadcast %neg3A_79 : f32 to vector<512x128xf32>
    %mul3A_86 = arith.mulf %sub3A_66, %mul3A_85 : vector<512x128xf32>
    %add3A_87 = arith.addf %add3A_84, %mul3A_86 : vector<512x128xf32>
    %mul3A_88 = vector.broadcast %neg3A_77 : f32 to vector<512x128xf32>
    %mul3A_89 = arith.mulf %sub3A_74, %mul3A_88 : vector<512x128xf32>
    %sub3A_90 = arith.subf %add3A_87, %mul3A_89 : vector<512x128xf32>
    %mul3A_91 = vector.broadcast %neg3A_77 : f32 to vector<512x128xf32>
    %mul3A_92 = arith.mulf %sub3A_50, %mul3A_91 : vector<512x128xf32>
    %mul3A_93 = vector.broadcast %get3A_0 : f32 to vector<512x128xf32>
    %mul3A_94 = arith.mulf %sub3A_66, %mul3A_93 : vector<512x128xf32>
    %add3A_95 = arith.addf %mul3A_92, %mul3A_94 : vector<512x128xf32>
    %mul3A_96 = vector.broadcast %neg3A_75 : f32 to vector<512x128xf32>
    %mul3A_97 = arith.mulf %sub3A_74, %mul3A_96 : vector<512x128xf32>
    %add3A_98 = arith.addf %add3A_95, %mul3A_97 : vector<512x128xf32>
    %mul3A_99 = vector.broadcast %neg3A_79 : f32 to vector<512x128xf32>
    %mul3A_100 = arith.mulf %sub3A_58, %mul3A_99 : vector<512x128xf32>
    %sub3A_101 = arith.subf %add3A_98, %mul3A_100 : vector<512x128xf32>
    %mul3A_102 = vector.broadcast %neg3A_79 : f32 to vector<512x128xf32>
    %mul3A_103 = arith.mulf %sub3A_50, %mul3A_102 : vector<512x128xf32>
    %mul3A_104 = vector.broadcast %get3A_0 : f32 to vector<512x128xf32>
    %mul3A_105 = arith.mulf %sub3A_74, %mul3A_104 : vector<512x128xf32>
    %add3A_106 = arith.addf %mul3A_103, %mul3A_105 : vector<512x128xf32>
    %mul3A_107 = vector.broadcast %neg3A_77 : f32 to vector<512x128xf32>
    %mul3A_108 = arith.mulf %sub3A_58, %mul3A_107 : vector<512x128xf32>
    %add3A_109 = arith.addf %add3A_106, %mul3A_108 : vector<512x128xf32>
    %mul3A_110 = vector.broadcast %neg3A_75 : f32 to vector<512x128xf32>
    %mul3A_111 = arith.mulf %sub3A_66, %mul3A_110 : vector<512x128xf32>
    %sub3A_112 = arith.subf %add3A_109, %mul3A_111 : vector<512x128xf32>
    %convert_element_type3A_113 = arith.fptosi %sub3A_90 : vector<512x128xf32> to vector<512x128xi32>
    %convert_element_type3A_114 = arith.fptosi %sub3A_101 : vector<512x128xf32> to vector<512x128xi32>
    %convert_element_type3A_115 = arith.fptosi %sub3A_112 : vector<512x128xf32> to vector<512x128xi32>
    %ge3A = arith.constant 0 : i32
    %ge3A_116 = vector.broadcast %ge3A : i32 to vector<512x128xi32>
    %ge3A_117 = arith.cmpi sge, %convert_element_type3A_113, %ge3A_116 : vector<512x128xi32>
    %lt3A = arith.constant 192 : i32
    %lt3A_118 = vector.broadcast %lt3A : i32 to vector<512x128xi32>
    %lt3A_119 = arith.cmpi slt, %convert_element_type3A_113, %lt3A_118 : vector<512x128xi32>
    %and3A = arith.andi %ge3A_117, %lt3A_119 : vector<512x128xi1>
    %ge3A_120 = arith.constant 0 : i32
    %ge3A_121 = vector.broadcast %ge3A_120 : i32 to vector<512x128xi32>
    %ge3A_122 = arith.cmpi sge, %convert_element_type3A_114, %ge3A_121 : vector<512x128xi32>
    %and3A_123 = arith.andi %and3A, %ge3A_122 : vector<512x128xi1>
    %lt3A_124 = arith.constant 192 : i32
    %lt3A_125 = vector.broadcast %lt3A_124 : i32 to vector<512x128xi32>
    %lt3A_126 = arith.cmpi slt, %convert_element_type3A_114, %lt3A_125 : vector<512x128xi32>
    %and3A_127 = arith.andi %and3A_123, %lt3A_126 : vector<512x128xi1>
    %ge3A_128 = arith.constant 0 : i32
    %ge3A_129 = vector.broadcast %ge3A_128 : i32 to vector<512x128xi32>
    %ge3A_130 = arith.cmpi sge, %convert_element_type3A_115, %ge3A_129 : vector<512x128xi32>
    %and3A_131 = arith.andi %and3A_127, %ge3A_130 : vector<512x128xi1>
    %lt3A_132 = arith.constant 192 : i32
    %lt3A_133 = vector.broadcast %lt3A_132 : i32 to vector<512x128xi32>
    %lt3A_134 = arith.cmpi slt, %convert_element_type3A_115, %lt3A_133 : vector<512x128xi32>
    %and3A_135 = arith.andi %and3A_131, %lt3A_134 : vector<512x128xi1>
    %get3A_136 = arith.constant 0 : index
    %get3A_137 = arith.constant 0 : index
    %get3A_138 = vector.load %arg2[%get3A_136, %get3A_137] : memref<512x128xf32, #tpu.memory_space<vmem>>, vector<512x128xf32>
    %ne3A = arith.constant 0.000000e+00 : f32
    %ne3A_139 = vector.broadcast %ne3A : f32 to vector<512x128xf32>
    %ne3A_140 = arith.cmpf one, %get3A_138, %ne3A_139 : vector<512x128xf32>
    %and3A_141 = arith.andi %and3A_135, %ne3A_140 : vector<512x128xi1>
    %mul3A_142 = arith.constant 36864 : i32
    %mul3A_143 = vector.broadcast %mul3A_142 : i32 to vector<512x128xi32>
    %mul3A_144 = arith.muli %convert_element_type3A_113, %mul3A_143 : vector<512x128xi32>
    %mul3A_145 = arith.constant 192 : i32
    %mul3A_146 = vector.broadcast %mul3A_145 : i32 to vector<512x128xi32>
    %mul3A_147 = arith.muli %convert_element_type3A_114, %mul3A_146 : vector<512x128xi32>
    %add3A_148 = arith.addi %mul3A_144, %mul3A_147 : vector<512x128xi32>
    %add3A_149 = arith.addi %add3A_148, %convert_element_type3A_115 : vector<512x128xi32>
    %add3A_150 = arith.constant 1769472 : i32
    %add3A_151 = vector.broadcast %add3A_150 : i32 to vector<512x128xi32>
    %add3A_152 = arith.addi %add3A_151, %iota3A : vector<512x128xi32>
    %sub3A_153 = arith.constant 0 : i32
    %sub3A_154 = vector.broadcast %sub3A_153 : i32 to vector<512x128xi32>
    %sub3A_155 = arith.subi %add3A_149, %sub3A_154 : vector<512x128xi32>
    %ge3A_156 = arith.constant 0 : i32
    %ge3A_157 = vector.broadcast %ge3A_156 : i32 to vector<512x128xi32>
    %ge3A_158 = arith.cmpi sge, %sub3A_155, %ge3A_157 : vector<512x128xi32>
    %and3A_159 = arith.andi %and3A_141, %ge3A_158 : vector<512x128xi1>
    %lt3A_160 = arith.constant 1769472 : i32
    %lt3A_161 = vector.broadcast %lt3A_160 : i32 to vector<512x128xi32>
    %lt3A_162 = arith.cmpi slt, %sub3A_155, %lt3A_161 : vector<512x128xi32>
    %and3A_163 = arith.andi %and3A_159, %lt3A_162 : vector<512x128xi1>
    %select_n3A = arith.select %and3A_163, %sub3A_155, %add3A_152 : vector<512x128xi1>, vector<512x128xi32>
    %swap3A = arith.constant 0 : index
    %swap3A_164 = arith.constant 0 : index
    %swap3A_165 = arith.constant 0 : index
    %swap3A_166 = vector.load %arg3[%swap3A, %swap3A_164, %swap3A_165] : memref<2x512x128xi32, #tpu.memory_space<vmem>>, vector<1x512x128xi32>
    %swap3A_167 = vector.shape_cast %swap3A_166 : vector<1x512x128xi32> to vector<512x128xi32>
    %swap3A_168 = vector.shape_cast %select_n3A : vector<512x128xi32> to vector<1x512x128xi32>
    tpu.vector_store %arg3[%swap3A, %swap3A_164, %swap3A_165], %swap3A_168 {strides = array<i32>} : memref<2x512x128xi32, #tpu.memory_space<vmem>>, vector<1x512x128xi32>,
    %sub3A_169 = arith.constant 1769472 : i32
    %sub3A_170 = vector.broadcast %sub3A_169 : i32 to vector<512x128xi32>
    %sub3A_171 = arith.subi %add3A_149, %sub3A_170 : vector<512x128xi32>
    %ge3A_172 = arith.constant 0 : i32
    %ge3A_173 = vector.broadcast %ge3A_172 : i32 to vector<512x128xi32>
    %ge3A_174 = arith.cmpi sge, %sub3A_171, %ge3A_173 : vector<512x128xi32>
    %and3A_175 = arith.andi %and3A_141, %ge3A_174 : vector<512x128xi1>
    %lt3A_176 = arith.constant 1769472 : i32
    %lt3A_177 = vector.broadcast %lt3A_176 : i32 to vector<512x128xi32>
    %lt3A_178 = arith.cmpi slt, %sub3A_171, %lt3A_177 : vector<512x128xi32>
    %and3A_179 = arith.andi %and3A_175, %lt3A_178 : vector<512x128xi1>
    %select_n3A_180 = arith.select %and3A_179, %sub3A_171, %add3A_152 : vector<512x128xi1>, vector<512x128xi32>
    %swap3A_181 = arith.constant 1 : index
    %swap3A_182 = arith.constant 0 : index
    %swap3A_183 = arith.constant 0 : index
    %swap3A_184 = vector.load %arg3[%swap3A_181, %swap3A_182, %swap3A_183] : memref<2x512x128xi32, #tpu.memory_space<vmem>>, vector<1x512x128xi32>
    %swap3A_185 = vector.shape_cast %swap3A_184 : vector<1x512x128xi32> to vector<512x128xi32>
    %swap3A_186 = vector.shape_cast %select_n3A_180 : vector<512x128xi32> to vector<1x512x128xi32>
    tpu.vector_store %arg3[%swap3A_181, %swap3A_182, %swap3A_183], %swap3A_186 {strides = array<i32>} : memref<2x512x128xi32, #tpu.memory_space<vmem>>, vector<1x512x128xi32>,
    return
  }
  func.func @transform_0(%arg0: i32) -> i32 {
    %c0_i32 = arith.constant 0 : i32
    %c0_i32_0 = arith.constant 0 : i32
    return %c0_i32 : i32
  }
  func.func @transform_1(%arg0: i32) -> (i32, i32) {
    %c0_i32 = arith.constant 0 : i32
    %c0_i32_0 = arith.constant 0 : i32
    return %arg0, %c0_i32 : i32, i32
  }
  func.func @transform_2(%arg0: i32) -> (i32, i32, i32) {
    %c0_i32 = arith.constant 0 : i32
    %c0_i32_0 = arith.constant 0 : i32
    %c0_i32_1 = arith.constant 0 : i32
    return %c0_i32, %arg0, %c0_i32_0 : i32, i32, i32
  }
}

</mosaic_0001>

<sc_bundles>
// kernel: kernel.6.cloned.1.call-start
scs
__scs_entry_jumppad:
0x0: {  	(pc) =	sbr.rel $0x88, $3  }
0x1: {  	(tag) =	ssettag $0x0;
	lr =	simm.s32 $0x1  }
0x2: {  	[smem:$0x3F9E] =	sst lr;
	_ =	strace $0xD0000000  }
0x3: {  	_ = 	snop  }
0x4: {  	_ = 	snop  }
0x5: {  	_ = 	snop  }
0x6: {  	_ = 	snop  }
0x7: {  	_ = 	snop  }
__scs_overlays_trampoline_lowered:
0x8: {  	[smem:$0x3FAD] =	sst s0  }
0x9: {  	[smem:$0x3FAE] =	sst s1  }
0xa: {  	[smem:$0x3FAF] =	sst s2  }
0xb: {  	[smem:$0x3FB0] =	sst s3  }
0xc: {  	[smem:$0x3FB1] =	sst s4  }
0xd: {  	[smem:$0x3FB2] =	sst s5  }
0xe: {  	[smem:$0x3FB3] =	sst s6  }
0xf: {  	[smem:$0x3FB4] =	sst s7  }
0x10: {  	[smem:$0x3FB5] =	sst s8  }
0x11: {  	[smem:$0x3FB6] =	sst s9;
	s0 =	simm.s32 @!p0 $0x0  }
0x12: {  	s1 =	sld [smem:$0x3F9C];
	s0 =	simm.s32 @p0 $0x1  }
0x13: {  	[smem:$0x3FB7] =	sst s0;
	s0 =	simm.s32 @!p1 $0x0  }
0x14: {  	s2 =	sld [smem:$0x3F9B];
	s0 =	simm.s32 @p1 $0x1  }
0x15: {  	[smem:$0x3FB8] =	sst s0;
	s0 =	simm.s32 @!p2 $0x0  }
0x16: {  	s3 =	sld [smem:$0x3FDB];
	s0 =	simm.s32 @p2 $0x1  }
0x17: {  	s4 =	simm.s32 $0x1BF5;
	[smem:$0x3FBA] =	sst s0  }
0x18: {  	s0 =	sld [smem:$0x3F9D];
	_ =	swait.ge [sflag:s4], $0x0  }
0x19: {  	s7 =	sld [smem:$0x3F9E]  }
0x1a: {  	s8 =	sadd.s32 $0xFFFFE003, lr  }
0x1b: {  	s9 =	sadd.s32 $0xFFFFFEF7, lr;
	s5 =	simm.s32 $0xFFFFFFFF;
	p2 =	slt.u32 s8, $0xFFFFF086  }
0x1c: {  	p1 =	slt.u32 s9, $0xF7A;
	s5 =	simm.s32 @!p2 $0x0  }
0x1d: {  	s5 =	simm.s32 @p1 $0x1;
	p0 =	seq.s32 s7, s2  }
0x1e: {  	s7 =	smul.u32 @!p0 $0xF7A, s2;
	p2 =	seq.s32 @!p0 s5, $0x0  }
0x1f: {  	s9 =	smul.u32 $0xF7A, s1;
	s8 =	simm.s32 @!p0 $0x1BF5;
	p2 =	por !p2, p0  }
0x20: {  	[sflag:s8] =	ssyncset.s32 @!p0 $0xFFFFF086;
	s6 =	sadd.s32 @!p0 s3, s7;
	s7 =	simm.s32 @!p0 $0x108  }
0x21: {  	s3 =	sadd.s32 s3, s9;
	s6 =	sadd.s32 @!p0 $0x88, s6;
	s7 =	simm.s32 @p2 $0x1082  }
0x22: {  	[simem:s7], [sflag:s8] =	dma.local @!p0 [hbm:s6], $0xF7A  }
0x23: {  	s9 =	sor.u32 $0xD0000000, s2;
	s6 =	simm.s32 $0x108;
	_ =	swait.ge @!p0 [sflag:s8], $0x0  }
0x24: {  	s3 =	sadd.s32 $0x88, s3;
	s6 =	simm.s32 @!p1 $0x1082;
	[sflag:s4] =	ssyncset.s32 $0xFFFFF086  }
0x25: {  	[simem:s6], [sflag:s4] =	dma.local [hbm:s3], $0xF7A  }
0x26: {  	[smem:$0x3F9E] =	sst s1;
	(tag) =	ssettag s2;
	_ =	strace s9  }
0x27: {  	s1 =	sld [smem:$0x3FAE]  }
0x28: {  	s2 =	sld [smem:$0x3FAF]  }
0x29: {  	s4 =	sld [smem:$0x3FB1]  }
0x2a: {  	p0 =	seq.s32 s5, $0x0;
	s5 =	sld [smem:$0x3FB2]  }
0x2b: {  	s6 =	sld [smem:$0x3FB3]  }
0x2c: {  	s7 =	sld [smem:$0x3FB4]  }
0x2d: {  	s3 =	simm.s32 $0x108;
	s8 =	sld [smem:$0x3FB5]  }
0x2e: {  	s3 =	simm.s32 @!p0 $0x1082;
	s9 =	sld [smem:$0x3FB6]  }
0x2f: {  	lr =	sadd.s32 s0, s3;
	s0 =	sld [smem:$0x3FAD]  }
0x30: {  	s3 =	sld [smem:$0x3FB0]  }
0x31: {  	[smem:$0x3FB9] =	sst s10  }
0x32: {  	s10 =	sld [smem:$0x3FB7];
	_ =	sdelay $0x3  }
0x33: {  	p0 =	seq.s32 s10, $0x1;
	s10 =	sld [smem:$0x3FB9];
	_ =	sdelay $0x3  }
0x34: {  	[smem:$0x3FB9] =	sst s10  }
0x35: {  	s10 =	sld [smem:$0x3FB8];
	_ =	sdelay $0x3  }
0x36: {  	p1 =	seq.s32 s10, $0x1;
	s10 =	sld [smem:$0x3FB9];
	_ =	sdelay $0x3  }
0x37: {  	[smem:$0x3FB9] =	sst s10  }
0x38: {  	s10 =	sld [smem:$0x3FBA]  }
0x39: {  	_ = 	snop;
	(pc) =	sbr.ind lr, $3  }
0x3a: {  	_ = 	snop  }
0x3b: {  	_ = 	snop  }
0x3c: {  	p2 =	seq.s32 s10, $0x1;
	s10 =	sld [smem:$0x3FB9]  }
0x3d: {  	_ =	shalt  }
0x3e: {  	_ =	shalt  }
0x3f: {  	_ =	shalt  }
0x40: {  	_ =	shalt  }
0x41: {  	_ =	shalt  }
0x42: {  	_ =	shalt  }
0x43: {  	_ =	shalt  }
0x44: {  	_ =	shalt  }
0x45: {  	_ =	shalt  }
0x46: {  	_ =	shalt  }
0x47: {  	_ =	shalt  }
0x48: {  	_ =	shalt  }
0x49: {  	_ =	shalt  }
0x4a: {  	_ =	shalt  }
0x4b: {  	_ =	shalt  }
0x4c: {  	_ =	shalt  }
0x4d: {  	_ =	shalt  }
0x4e: {  	_ =	shalt  }
0x4f: {  	_ =	shalt  }
0x50: {  	_ =	shalt  }
0x51: {  	_ =	shalt  }
0x52: {  	_ =	shalt  }
0x53: {  	_ =	shalt  }
0x54: {  	_ =	shalt  }
0x55: {  	_ =	shalt  }
0x56: {  	_ =	shalt  }
0x57: {  	_ =	shalt  }
0x58: {  	_ =	shalt  }
0x59: {  	_ =	shalt  }
0x5a: {  	_ =	shalt  }
0x5b: {  	_ =	shalt  }
0x5c: {  	_ =	shalt  }
0x5d: {  	_ =	shalt  }
0x5e: {  	_ =	shalt  }
0x5f: {  	_ =	shalt  }
0x60: {  	_ =	shalt  }
0x61: {  	_ =	shalt  }
0x62: {  	_ =	shalt  }
0x63: {  	_ =	shalt  }
0x64: {  	_ =	shalt  }
0x65: {  	_ =	shalt  }
0x66: {  	_ =	shalt  }
0x67: {  	_ =	shalt  }
0x68: {  	_ =	shalt  }
0x69: {  	_ =	shalt  }
0x6a: {  	_ =	shalt  }
0x6b: {  	_ =	shalt  }
0x6c: {  	_ =	shalt  }
0x6d: {  	_ =	shalt  }
0x6e: {  	_ =	shalt  }
0x6f: {  	_ =	shalt  }
0x70: {  	_ =	shalt  }
0x71: {  	_ =	shalt  }
0x72: {  	_ =	shalt  }
0x73: {  	_ =	shalt  }
0x74: {  	_ =	shalt  }
0x75: {  	_ =	shalt  }
0x76: {  	_ =	shalt  }
0x77: {  	_ =	shalt  }
0x78: {  	_ =	shalt  }
0x79: {  	_ =	shalt  }
0x7a: {  	_ =	shalt  }
0x7b: {  	_ =	shalt  }
0x7c: {  	_ =	shalt  }
0x7d: {  	_ =	shalt  }
0x7e: {  	_ =	shalt  }
0x7f: {  	_ =	shalt  }
0x80: {  	_ =	shalt  }
0x81: {  	_ =	shalt  }
0x82: {  	_ =	shalt  }
0x83: {  	_ =	shalt  }
0x84: {  	_ =	shalt  }
0x85: {  	_ =	shalt  }
0x86: {  	_ =	shalt  }
0x87: {  	_ =	shalt  }
.Lfunc_end0:
.L_simem_size_0:
called_computation_lowered:
.L_overlay_start_0:
0x88: {  	s2 =	sld [smem:$0x3FD9]  }
0x89: {  	s3 =	sld [smem:$0x3FFE];
	_ =	sdelay $0x1  }
0x8a: {  	s1 =	srdreg.scid  }
0x8b: {  	s0 =	sand.u32 $0x1, s1  }
0x8c: {  	s17 =	sshll.u32 s0, $0xA;
	s2 =	sadd.s32 s3, s2  }
0x8d: {  	s2 =	sadd.s32 s2, s17  }
0x8e: {  	[smem:$0x3FC5] =	sst s2  }
0x8f: {  	_ = 	snop  }
0x90: {  	s18 =	sld [smem:$0x3FD0];
	(tm) =	ssettm $0x1  }
0x91: {  	s19 =	sld [smem:$0x3FFB];
	_ =	sdelay $0x3  }
0x92: {  	_ =	strace s19  }
0x93: {  	s2 =	sld [smem:$0x3FFC];
	_ =	sdelay $0x3  }
0x94: {  	_ =	strace s2  }
0x95: {  	s2 =	sld [smem:$0x3FFD];
	_ =	sdelay $0x3  }
0x96: {  	_ =	strace s2  }
0x97: {  	_ =	strace $0x8FFFFFFF  }
0x98: {  	s20 =	sld [smem:$0x3FDB];
	_ =	sdelay $0x1  }
0x99: {  	s4 =	simm.s32 $_scs_section_size  }
0x9a: {  	s5 =	simm.s32 $_size__tile_overlayer_lowered;
	s6 =	simm.s32 $_tile_overlayer_lowered  }
0x9b: {  	s7 =	simm.s32 $0x1BFF;
	s21 =	sshll.u32 s6, $0x1;
	s4 =	sadd.s32 s4, s20  }
0x9c: {  	s22 =	simm.s32 $0x0;
	s5 =	sshll.u32 s5, $0x1;
	s6 =	sadd.s32 s21, s4  }
0x9d: {  	[timem:s22], [sflag:s7] =	dma.local [hbm:s6], s5  }
0x9e: {  	_ =	swait.ge [sflag:s7], s5  }
0x9f: {  	s5 =	ssub.s32 $0x0, s5;
	[sflag:s7] =	ssyncset.done $0x0  }
0xa0: {  	[sflag:s7] =	ssyncadd.s32 s5;
	_ =	sdelay $0x1  }
0xa1: {  	s23 =	simm.s32 $0x1B8B  }
0xa2: {  	_ =	swait.ge [sflag:s23], $0x1  }
0xa3: {  	[sflag:s23] =	ssyncset.done $0x0  }
0xa4: {  	[sflag:s23] =	ssyncadd.s32 $0xFFFFFFFF  }
0xa5: {  	s5 =	sld [smem:$0x0]  }
0xa6: {  	s6 =	sand.u32 $0xFFFFFFFE, s1  }
0xa7: {  	p0 =	sne.s32 s1, s6  }
0xa8: {  	s6 =	sshll.u32 @p0 s6, $0xE  }
0xa9: {  	s6 =	sadd.s32 @p0 $0x11B8D, s6;
	s7 =	sshll.u32 @p0 s5, $0x11  }
0xaa: {  	s6 =	sor.u32 @p0 s7, s6  }
0xab: {  	[sflag:s6] =	ssyncadd.remote.s32 @p0 $0x1;
	_ =	sdelay $0x1  }
0xac: {  	s6 =	simm.s32 @p0 $0x1B8D  }
0xad: {  	_ =	swait.eq @p0 [sflag:s6], $0x1  }
0xae: {  	[sflag:s6] =	ssyncadd.s32 @p0 $0xFFFFFFFF  }
0xaf: {  	s7 =	sshll.u32 @!p0 s1, $0xE  }
0xb0: {  	s7 =	sor.u32 @!p0 $0x4000, s7;
	s6 =	simm.s32 @!p0 $0x1B8D  }
0xb1: {  	s5 =	sshll.u32 @!p0 s5, $0x11;
	s7 =	sadd.s32 @!p0 $0x11B8D, s7;
	_ =	swait.eq @!p0 [sflag:s6], $0x1  }
0xb2: {  	s5 =	sor.u32 @!p0 s5, s7;
	[sflag:s6] =	ssyncadd.s32 @!p0 $0xFFFFFFFF  }
0xb3: {  	s25 =	simm.s32 $0x1B8E;
	s24 =	sld [smem:$0x3FFE];
	[sflag:s5] =	ssyncadd.remote.s32 @!p0 $0x1  }
0xb4: {  	s26 =	simm.s32 $execute0_lowered;
	[smem:$0x3FD2] =	sst s25  }
0xb5: {  	s6 =	sshll.u32 s26, $0x1;
	_ =	strace $0x80000049;
	[dreg:$0x1] =	wrdreg $0xFFFFFFFF  }
0xb6: {  	s28 =	simm.s32 $_size_execute0_lowered;
	s4 =	sadd.s32 s4, s6;
	[dreg:$0x0] =	wrdreg $0x0  }
0xb7: {  	s6 =	sshll.u32 s28, $0x1;
	[dreg:$0x2] =	wrdreg s4  }
0xb8: {  	[dreg:$0x3] =	wrdreg s6  }
0xb9: {  	[dreg:$0x4] =	wrdreg $0xC0  }
0xba: {  	_ =	task [dreg:s22], $0x5FFFF  }
0xbb: {  	[dreg:$0x1] =	wrdreg $0xFFFFFFFF  }
0xbc: {  	[dreg:$0x0] =	wrdreg $0x60  }
0xbd: {  	[dreg:$0x2] =	wrdreg s24  }
0xbe: {  	[dreg:$0x3] =	wrdreg s18  }
0xbf: {  	[dreg:$0x4] =	wrdreg $0x48000  }
0xc0: {  	[dreg:$0x5] =	wrdreg $0x9  }
0xc1: {  	_ =	task.clear_ibuf [dreg:s22], $0x6FFFF;
	_ =	strace $0x90000049  }
0xc2: {  	s29 =	simm.s32 $0x9;
	_ =	strace $0x8000004B  }
0xc3: {  	_ =	swait.ge [sflag:s29], $0x1  }
0xc4: {  	[sflag:s29] =	ssyncadd.s32 $0xFFFFFFFF  }
0xc5: {  	_ =	strace $0x9000004B  }
0xc6: {  	_ =	sfence  }
0xc7: {  	s30 =	sld [smem:$0x0];
	_ =	sdelay $0x2  }
0xc8: {  	s31 =	sshll.u32 s1, $0xD;
	s1 =	sshrl.u32 s1, $0x2  }
0xc9: {  	s4 =	sand.u32 $0x4000, s31;
	s1 =	sadd.s32 s1, s30  }
0xca: {  	s0 =	sor.u32 s4, s0;
	s1 =	sshll.u32 s1, $0x11  }
0xcb: {  	s0 =	sor.u32 s1, s0  }
0xcc: {  	s0 =	sadd.s32 $0x8F2B, s0  }
0xcd: {  	[sflag:s0] =	ssyncadd.remote.s32 $0x1  }
0xce: {  	_ =	sfence.sel $0xFFFF  }
0xcf: {  	[dreg:$0x0] =	wrdreg $0xFFFFFFFF;
	(pc) =	sbr.abs _section_cstart, $3  }
0xd0: {  	[dreg:$0x1] =	wrdreg $0xFFFFFFFF  }
0xd1: {  	_ =	task.clear_ibuf [dreg:s22], $0x2FFFF;
	_ =	strace $0x9FFFFFFF  }
0xd2: {  	(tm) =	ssettm $0x7FFFFFFF  }
0xd3: {  	_ =	shalt  }
tec
execute0_lowered:
.L_overlay_start_1:
0x0: {  	(tag) =	ssettag $0x1  }
0x1: {  	s0 =	srdreg.scid;
	s21 =	stileid.u32  }
0x2: {  	s1 =	sand.u32 $0x1, s0;
	s0 =	smul.u32 $0x1B000, s21  }
0x3: {  	s21 =	smul.u32 $0x6C000, s21  }
0x4: {  	s2 =	ssub.s32 $0x2, s1;
	s15 =	smul.u32 $0x1B0000, s1  }
0x5: {  	s11 =	rddreg [dreg:$0x1];
	s12 =	smul.u32 $0x6C0000, s1;
	s3 =	sshrl.u32 s2, $0x1  }
0x6: {  	s1 =	sadd.s32 $0x1800, s0;
	s4 =	sadd.s32 $0x6000, s0;
	s5 =	sadd.s32 $0x7800, s0  }
0x7: {  	s6 =	sadd.s32 $0x9000, s0;
	s7 =	sadd.s32 $0xA800, s0;
	s8 =	sadd.s32 $0xC000, s0  }
0x8: {  	s9 =	sadd.s32 $0xD800, s0;
	s10 =	sadd.s32 $0xF000, s0;
	s29 =	sadd.s32 $0x16800, s0  }
0x9: {  	s14 =	ssub.s32 s2, s3;
	s2 =	sadd.s32 $0x3000, s0;
	s3 =	sadd.s32 $0x4800, s0  }
0xa: {  	s13 =	sadd.s32 s0, s15;
	s16 =	sadd.s32 s15, s1;
	s18 =	sadd.s32 s15, s5  }
0xb: {  	s23 =	sadd.s32 s15, s6;
	s24 =	sadd.s32 s15, s7;
	s13 =	sshrl.u32 s13, $0x3  }
0xc: {  	s17 =	sadd.s32 s15, s2;
	s25 =	sshrl.u32 s16, $0x3;
	s16 =	sadd.s32 s15, s3  }
0xd: {  	s20 =	sshrl.u32 s18, $0x3;
	s13 =	sadd.s32 s11, s13;
	s26 =	sshrl.u32 s17, $0x3  }
0xe: {  	s17 =	sadd.s32 s15, s4;
	s22 =	sadd.s32 s11, s20;
	[dreg:$0x4] =	wrdreg s13  }
0xf: {  	s13 =	sadd.s32 s11, s25;
	s30 =	sadd.s32 s11, s26;
	s19 =	sshrl.u32 s17, $0x3  }
0x10: {  	[dreg:$0x9] =	wrdreg s22;
	s25 =	sadd.s32 s15, s8;
	s26 =	sshrl.u32 s24, $0x3  }
0x11: {  	s17 =	sadd.s32 s15, s9;
	[dreg:$0x5] =	wrdreg s13;
	s13 =	sshrl.u32 s16, $0x3  }
0x12: {  	s24 =	sadd.s32 $0x15000, s0;
	[dreg:$0x6] =	wrdreg s30;
	s13 =	sadd.s32 s11, s13  }
0x13: {  	s30 =	sshrl.u32 s25, $0x3;
	[dreg:$0x7] =	wrdreg s13;
	s13 =	sadd.s32 s11, s19  }
0x14: {  	s16 =	sadd.s32 s11, s30;
	[dreg:$0x8] =	wrdreg s13;
	s13 =	sshrl.u32 s23, $0x3  }
0x15: {  	s18 =	sshrl.u32 s17, $0x3;
	[dreg:$0xc] =	wrdreg s16;
	s13 =	sadd.s32 s11, s13  }
0x16: {  	s25 =	sadd.s32 s15, s24;
	[dreg:$0xa] =	wrdreg s13;
	s13 =	sadd.s32 s11, s26  }
0x17: {  	s19 =	sadd.s32 s15, s10;
	[dreg:$0xb] =	wrdreg s13;
	s13 =	sadd.s32 $0x10800, s0  }
0x18: {  	s16 =	sadd.s32 s11, s18;
	s20 =	sshrl.u32 s19, $0x3;
	s22 =	sadd.s32 s15, s13  }
0x19: {  	[dreg:$0xd] =	wrdreg s16;
	s16 =	sadd.s32 s11, s20;
	s17 =	sshrl.u32 s22, $0x3  }
0x1a: {  	[dreg:$0xe] =	wrdreg s16;
	s16 =	sadd.s32 $0x12000, s0;
	s17 =	sadd.s32 s11, s17  }
0x1b: {  	s18 =	sadd.s32 s15, s16;
	[dreg:$0xf] =	wrdreg s17;
	s17 =	sadd.s32 $0x13800, s0  }
0x1c: {  	s30 =	sadd.s32 s15, s29;
	s18 =	sshrl.u32 s18, $0x3;
	s19 =	sadd.s32 s15, s17  }
0x1d: {  	s26 =	sshrl.u32 s25, $0x3;
	s18 =	sadd.s32 s11, s18;
	s23 =	sshrl.u32 s19, $0x3  }
0x1e: {  	[dreg:$0x10] =	wrdreg s18;
	s19 =	sshrl.u32 s30, $0x3;
	s18 =	sadd.s32 s11, s23  }
0x1f: {  	s30 =	sadd.s32 $0x19800, s0;
	[dreg:$0x11] =	wrdreg s18;
	s18 =	sadd.s32 s11, s26  }
0x20: {  	s19 =	sadd.s32 s11, s19;
	[dreg:$0x12] =	wrdreg s18;
	s18 =	sadd.s32 $0x18000, s0  }
0x21: {  	[dreg:$0x13] =	wrdreg s19;
	s20 =	sadd.s32 s15, s18;
	s15 =	sadd.s32 s15, s30  }
0x22: {  	s19 =	simm.s32 $0x0;
	s20 =	sshrl.u32 s20, $0x3;
	s15 =	sshrl.u32 s15, $0x3  }
0x23: {  	[smem:$0x7FF] =	sst s19;
	s20 =	sadd.s32 s11, s20;
	s11 =	sadd.s32 s11, s15  }
0x24: {  	[dreg:$0x15] =	wrdreg s11  }
0x25: {  	s11 =	sadd.s32 s21, s12;
	s21 =	rddreg [dreg:$0x0]  }
0x26: {  	[dreg:$0x14] =	wrdreg s20;
	s12 =	sadd.s32 $0x21CA00, s21  }
0x27: {  	s22 =	sshrl.u32 s11, $0x3;
	s23 =	sadd.s32 $0x7800, s11;
	s26 =	sor.u32 $0x3000, s11  }
0x28: {  	s20 =	sadd.s32 s22, s12;
	s15 =	sshrl.u32 s23, $0x3;
	s22 =	sadd.s32 $0x6000, s11  }
0x29: {  	s23 =	sadd.s32 $0x4800, s11;
	s11 =	sor.u32 $0x1800, s11;
	s21 =	sadd.s32 s15, s12  }
0x2a: {  	s25 =	sshrl.u32 s22, $0x3;
	s23 =	sshrl.u32 s23, $0x3;
	s15 =	sshrl.u32 s26, $0x3  }
0x2b: {  	s11 =	sshrl.u32 s11, $0x3;
	s22 =	sadd.s32 s25, s12;
	s23 =	sadd.s32 s23, s12  }
0x2c: {  	s25 =	rddreg [dreg:$0x2];
	s26 =	sadd.s32 s15, s12;
	s28 =	sadd.s32 s11, s12  }
0x2d: {  	_ =	strace $0x8000004A;
	s31 =	sadd.s32 s0, s25;
	s1 =	sadd.s32 s1, s25  }
0x2e: {  	s2 =	sadd.s32 s2, s25;
	s3 =	sadd.s32 s3, s25;
	s11 =	sadd.s32 s4, s25  }
0x2f: {  	s12 =	sadd.s32 s5, s25;
	s15 =	sadd.s32 s6, s25;
	[dreg:$0x16] =	wrdreg s1  }
0x30: {  	s4 =	sadd.s32 s8, s25;
	s5 =	sadd.s32 s9, s25;
	[dreg:$0x17] =	wrdreg s2  }
0x31: {  	s6 =	sadd.s32 s10, s25;
	s8 =	sadd.s32 s16, s25;
	[dreg:$0x18] =	wrdreg s3  }
0x32: {  	s9 =	sadd.s32 s17, s25;
	s10 =	sadd.s32 s24, s25;
	[dreg:$0x19] =	wrdreg s11  }
0x33: {  	s16 =	simm.s32 $0x3;
	s17 =	simm.s32 $0x1800;
	[dreg:$0x1a] =	wrdreg s12  }
0x34: {  	[dreg:$0x1b] =	wrdreg s15;
	s3 =	sadd.s32 s7, s25;
	s7 =	sadd.s32 s13, s25  }
0x35: {  	s11 =	sadd.s32 s29, s25;
	s12 =	sadd.s32 s18, s25;
	s13 =	sadd.s32 s30, s25  }
0x36: {  	s30 =	smax.u32 s14, $0x1;
	s15 =	simm.s32 $0x3000;
	s18 =	simm.s32 $0x2  }
0x37: {  	v0 =	vimm.f32 $0.0e+00;
	v1 =	vimm.f32 $1.000000000e+00;
	s14 =	simm.s32 $0x1;
	s29 =	simm.s32 $0x0;
	[dreg:$0x1c] =	wrdreg s30  }
.LBB2_1:
0x38: {  	s24 =	simm.s32 $0x40;
	s0 =	simm.s32 $0x0  }
.LBB2_2:
0x39: {  	p0 =	sne.s32 s24, $0x5FC0;
	[tilespmem:s0+$0x3000] =	vst v0;
	s0 =	smov.u32 s24;
	s24 =	sadd.s32 $0x40, s24  }
.Ltmp0:
0x3a: {  	(pc) =	sbr.rel @p0 .LBB2_2-.Ltmp0, $2  }
0x3b: {  	_ =	sdelay $0x2  }
0x3c: {  	s0 =	sshra.s32 s0, $0x2  }
0x3d: {  	[tilespmem:s0+$0x3000] =	vst v0  }
0x3e: {  	[spmem:s31] =	stream.linear.scatter [tilespmem:s15], [sflag:$0x3], $0x1800, $0x38;
	[tilespmem:$0x1F808] =	vst v63  }
0x3f: {  	_ =	swait.ge [sflag:s16], $0x1800  }
0x40: {  	[sflag:s16] =	ssyncset.done $0x0  }
0x41: {  	s30 =	rddreg [dreg:$0x16];
	[sflag:s16] =	ssyncadd.s32 $0xFFFFE800  }
0x42: {  	[spmem:s30] =	stream.linear.scatter [tilespmem:s15], [sflag:$0x3], $0x1800, $0x38;
	[tilespmem:$0x1F808] =	vst v63  }
0x43: {  	_ =	swait.ge [sflag:s16], $0x1800  }
0x44: {  	[sflag:s16] =	ssyncset.done $0x0  }
0x45: {  	s2 =	smov.u32 s31;
	s31 =	rddreg [dreg:$0x17];
	[sflag:s16] =	ssyncadd.s32 $0xFFFFE800  }
0x46: {  	[spmem:s31] =	stream.linear.scatter [tilespmem:s15], [sflag:$0x3], $0x1800, $0x38;
	[tilespmem:$0x1F808] =	vst v63  }
0x47: {  	_ =	swait.ge [sflag:s16], $0x1800  }
0x48: {  	[sflag:s16] =	ssyncset.done $0x0  }
0x49: {  	s1 =	rddreg [dreg:$0x18];
	[sflag:s16] =	ssyncadd.s32 $0xFFFFE800  }
0x4a: {  	[spmem:s1] =	stream.linear.scatter [tilespmem:s15], [sflag:$0x3], $0x1800, $0x38;
	[tilespmem:$0x1F808] =	vst v63  }
0x4b: {  	_ =	swait.ge [sflag:s16], $0x1800  }
0x4c: {  	[sflag:s16] =	ssyncset.done $0x0  }
0x4d: {  	s24 =	rddreg [dreg:$0x19];
	[sflag:s16] =	ssyncadd.s32 $0xFFFFE800  }
0x4e: {  	[spmem:s24] =	stream.linear.scatter [tilespmem:s15], [sflag:$0x3], $0x1800, $0x38;
	[tilespmem:$0x1F808] =	vst v63  }
0x4f: {  	_ =	swait.ge [sflag:s16], $0x1800  }
0x50: {  	[sflag:s16] =	ssyncset.done $0x0  }
0x51: {  	s30 =	rddreg [dreg:$0x1a];
	[sflag:s16] =	ssyncadd.s32 $0xFFFFE800  }
0x52: {  	[spmem:s30] =	stream.linear.scatter [tilespmem:s15], [sflag:$0x3], $0x1800, $0x38;
	[tilespmem:$0x1F808] =	vst v63  }
0x53: {  	_ =	swait.ge [sflag:s16], $0x1800  }
0x54: {  	[sflag:s16] =	ssyncset.done $0x0  }
0x55: {  	s31 =	rddreg [dreg:$0x1b];
	[sflag:s16] =	ssyncadd.s32 $0xFFFFE800  }
0x56: {  	[spmem:s31] =	stream.linear.scatter [tilespmem:s15], [sflag:$0x3], $0x1800, $0x38;
	[tilespmem:$0x1F808] =	vst v63  }
0x57: {  	_ =	swait.ge [sflag:s16], $0x1800  }
0x58: {  	[sflag:s16] =	ssyncset.done $0x0  }
0x59: {  	[sflag:s16] =	ssyncadd.s32 $0xFFFFE800  }
0x5a: {  	[spmem:s3] =	stream.linear.scatter [tilespmem:s15], [sflag:$0x3], $0x1800, $0x38;
	[tilespmem:$0x1F808] =	vst v63  }
0x5b: {  	_ =	swait.ge [sflag:s16], $0x1800  }
0x5c: {  	[sflag:s16] =	ssyncset.done $0x0  }
0x5d: {  	[sflag:s16] =	ssyncadd.s32 $0xFFFFE800  }
0x5e: {  	[spmem:s4] =	stream.linear.scatter [tilespmem:s15], [sflag:$0x3], $0x1800, $0x38;
	[tilespmem:$0x1F808] =	vst v63  }
0x5f: {  	_ =	swait.ge [sflag:s16], $0x1800  }
0x60: {  	[sflag:s16] =	ssyncset.done $0x0  }
0x61: {  	[sflag:s16] =	ssyncadd.s32 $0xFFFFE800  }
0x62: {  	[spmem:s5] =	stream.linear.scatter [tilespmem:s15], [sflag:$0x3], $0x1800, $0x38;
	[tilespmem:$0x1F808] =	vst v63  }
0x63: {  	_ =	swait.ge [sflag:s16], $0x1800  }
0x64: {  	[sflag:s16] =	ssyncset.done $0x0  }
0x65: {  	[sflag:s16] =	ssyncadd.s32 $0xFFFFE800  }
0x66: {  	[spmem:s6] =	stream.linear.scatter [tilespmem:s15], [sflag:$0x3], $0x1800, $0x38;
	[tilespmem:$0x1F808] =	vst v63  }
0x67: {  	_ =	swait.ge [sflag:s16], $0x1800  }
0x68: {  	[sflag:s16] =	ssyncset.done $0x0  }
0x69: {  	[sflag:s16] =	ssyncadd.s32 $0xFFFFE800  }
0x6a: {  	[spmem:s7] =	stream.linear.scatter [tilespmem:s15], [sflag:$0x3], $0x1800, $0x38;
	[tilespmem:$0x1F808] =	vst v63  }
0x6b: {  	_ =	swait.ge [sflag:s16], $0x1800  }
0x6c: {  	[sflag:s16] =	ssyncset.done $0x0  }
0x6d: {  	[sflag:s16] =	ssyncadd.s32 $0xFFFFE800  }
0x6e: {  	[spmem:s8] =	stream.linear.scatter [tilespmem:s15], [sflag:$0x3], $0x1800, $0x38;
	[tilespmem:$0x1F808] =	vst v63  }
0x6f: {  	_ =	swait.ge [sflag:s16], $0x1800  }
0x70: {  	[sflag:s16] =	ssyncset.done $0x0  }
0x71: {  	[sflag:s16] =	ssyncadd.s32 $0xFFFFE800  }
0x72: {  	[spmem:s9] =	stream.linear.scatter [tilespmem:s15], [sflag:$0x3], $0x1800, $0x38;
	[tilespmem:$0x1F808] =	vst v63  }
0x73: {  	_ =	swait.ge [sflag:s16], $0x1800  }
0x74: {  	[sflag:s16] =	ssyncset.done $0x0  }
0x75: {  	[sflag:s16] =	ssyncadd.s32 $0xFFFFE800  }
0x76: {  	[spmem:s10] =	stream.linear.scatter [tilespmem:s15], [sflag:$0x3], $0x1800, $0x38;
	[tilespmem:$0x1F808] =	vst v63  }
0x77: {  	_ =	swait.ge [sflag:s16], $0x1800  }
0x78: {  	[sflag:s16] =	ssyncset.done $0x0  }
0x79: {  	[sflag:s16] =	ssyncadd.s32 $0xFFFFE800  }
0x7a: {  	[spmem:s11] =	stream.linear.scatter [tilespmem:s15], [sflag:$0x3], $0x1800, $0x38;
	[tilespmem:$0x1F808] =	vst v63  }
0x7b: {  	_ =	swait.ge [sflag:s16], $0x1800  }
0x7c: {  	[sflag:s16] =	ssyncset.done $0x0  }
0x7d: {  	[sflag:s16] =	ssyncadd.s32 $0xFFFFE800  }
0x7e: {  	[spmem:s12] =	stream.linear.scatter [tilespmem:s15], [sflag:$0x3], $0x1800, $0x38;
	[tilespmem:$0x1F808] =	vst v63  }
0x7f: {  	_ =	swait.ge [sflag:s16], $0x1800  }
0x80: {  	[sflag:s16] =	ssyncset.done $0x0  }
0x81: {  	[sflag:s16] =	ssyncadd.s32 $0xFFFFE800  }
0x82: {  	[spmem:s13] =	stream.linear.scatter [tilespmem:s15], [sflag:$0x3], $0x1800, $0x38;
	[tilespmem:$0x1F808] =	vst v63  }
0x83: {  	_ =	swait.ge [sflag:s16], $0x1800  }
0x84: {  	[sflag:s16] =	ssyncset.done $0x0  }
0x85: {  	[sflag:s16] =	ssyncadd.s32 $0xFFFFE800  }
0x86: {  	s0 =	simm.s32 $0x0;
	s24 =	simm.s32 $0x40;
	[bflag:$0x0] =	sbarrier.arrive $0xFFFF  }
.LBB2_4:
0x87: {  	p0 =	sne.s32 s24, $0x5FC0;
	[tilespmem:s0+$0x3000] =	vst v1;
	s0 =	smov.u32 s24;
	s24 =	sadd.s32 $0x40, s24  }
.Ltmp1:
0x88: {  	(pc) =	sbr.rel @p0 .LBB2_4-.Ltmp1, $2  }
0x89: {  	_ =	sdelay $0x2  }
0x8a: {  	s0 =	sshra.s32 s0, $0x2  }
0x8b: {  	[tilespmem:s0+$0x3000] =	vst v1;
	s1 =	sadd.s32 $0x0, s20  }
0x8c: {  	[tilespmem:s19], [sflag:$0x3] =	stream.linear.gather [hbm4b:s1+s19], $0x1800, $0x38;
	[tilespmem:$0x1F808] =	vst v63  }
0x8d: {  	_ =	swait.ge [sflag:s16], $0x1800  }
0x8e: {  	[sflag:s16] =	ssyncset.done $0x0  }
0x8f: {  	s24 =	sadd.s32 $0x0, s28;
	[sflag:s16] =	ssyncadd.s32 $0xFFFFE800  }
0x90: {  	[tilespmem:s17], [sflag:$0x2] =	stream.linear.gather [hbm4b:s24+s19], $0x1800, $0x38;
	[tilespmem:$0x1F808] =	vst v63  }
0x91: {  	_ = 	snop  }
0x92: {  	[spmem:s25] =	stream.indirect.scatter [tilespmem:s15], [sflag:$0x3], $0x1, s19, s17, $0xb8;
	[tilespmem:$0x1F808] =	vst v63  }
0x93: {  	_ =	swait.ge [sflag:s16], $0x1800  }
0x94: {  	[sflag:s16] =	ssyncset.done $0x0  }
0x95: {  	s1 =	sadd.s32 $0x0, s26;
	[sflag:s16] =	ssyncadd.s32 $0xFFFFE800  }
0x96: {  	[tilespmem:s19], [sflag:$0x1] =	stream.linear.gather [hbm4b:s1+s19], $0x1800, $0x38;
	[tilespmem:$0x1F808] =	vst v63  }
0x97: {  	_ =	swait.ge [sflag:s18], $0x1800  }
0x98: {  	[sflag:s18] =	ssyncset.done $0x0  }
0x99: {  	[sflag:s18] =	ssyncadd.s32 $0xFFFFE800  }
0x9a: {  	[spmem:s25] =	stream.indirect.scatter [tilespmem:s15], [sflag:$0x3], $0x1, s17, s17, $0xb8;
	[tilespmem:$0x1F808] =	vst v63  }
0x9b: {  	_ =	swait.ge [sflag:s16], $0x1800  }
0x9c: {  	[sflag:s16] =	ssyncset.done $0x0  }
0x9d: {  	s24 =	sadd.s32 $0x0, s23;
	[sflag:s16] =	ssyncadd.s32 $0xFFFFE800  }
0x9e: {  	[tilespmem:s17], [sflag:$0x2] =	stream.linear.gather [hbm4b:s24+s19], $0x1800, $0x38;
	[tilespmem:$0x1F808] =	vst v63  }
0x9f: {  	_ =	swait.ge [sflag:s14], $0x1800  }
0xa0: {  	[sflag:s14] =	ssyncset.done $0x0  }
0xa1: {  	[sflag:s14] =	ssyncadd.s32 $0xFFFFE800  }
0xa2: {  	[spmem:s25] =	stream.indirect.scatter [tilespmem:s15], [sflag:$0x3], $0x1, s19, s17, $0xb8;
	[tilespmem:$0x1F808] =	vst v63  }
0xa3: {  	_ =	swait.ge [sflag:s16], $0x1800  }
0xa4: {  	[sflag:s16] =	ssyncset.done $0x0  }
0xa5: {  	s1 =	sadd.s32 $0x0, s22;
	[sflag:s16] =	ssyncadd.s32 $0xFFFFE800  }
0xa6: {  	[tilespmem:s19], [sflag:$0x1] =	stream.linear.gather [hbm4b:s1+s19], $0x1800, $0x38;
	[tilespmem:$0x1F808] =	vst v63  }
0xa7: {  	_ =	swait.ge [sflag:s18], $0x1800  }
0xa8: {  	[sflag:s18] =	ssyncset.done $0x0  }
0xa9: {  	[sflag:s18] =	ssyncadd.s32 $0xFFFFE800  }
0xaa: {  	[spmem:s25] =	stream.indirect.scatter [tilespmem:s15], [sflag:$0x3], $0x1, s17, s17, $0xb8;
	[tilespmem:$0x1F808] =	vst v63  }
0xab: {  	_ =	swait.ge [sflag:s16], $0x1800  }
0xac: {  	[sflag:s16] =	ssyncset.done $0x0  }
0xad: {  	s24 =	sadd.s32 $0x0, s21;
	[sflag:s16] =	ssyncadd.s32 $0xFFFFE800  }
0xae: {  	[tilespmem:s17], [sflag:$0x2] =	stream.linear.gather [hbm4b:s24+s19], $0x1800, $0x38;
	[tilespmem:$0x1F808] =	vst v63  }
0xaf: {  	_ =	swait.ge [sflag:s14], $0x1800  }
0xb0: {  	[sflag:s14] =	ssyncset.done $0x0  }
0xb1: {  	[sflag:s14] =	ssyncadd.s32 $0xFFFFE800  }
0xb2: {  	[spmem:s25] =	stream.indirect.scatter [tilespmem:s15], [sflag:$0x3], $0x1, s19, s17, $0xb8;
	[tilespmem:$0x1F808] =	vst v63  }
0xb3: {  	_ =	swait.ge [sflag:s16], $0x1800  }
0xb4: {  	[sflag:s16] =	ssyncset.done $0x0  }
0xb5: {  	[sflag:s16] =	ssyncadd.s32 $0xFFFFE800  }
0xb6: {  	_ =	swait.ge [sflag:s18], $0x1800  }
0xb7: {  	[sflag:s18] =	ssyncset.done $0x0  }
0xb8: {  	[sflag:s18] =	ssyncadd.s32 $0xFFFFE800  }
0xb9: {  	[spmem:s25] =	stream.indirect.scatter [tilespmem:s15], [sflag:$0x3], $0x1, s17, s17, $0xb8;
	[tilespmem:$0x1F808] =	vst v63  }
0xba: {  	_ =	swait.ge [sflag:s16], $0x1800  }
0xbb: {  	s30 =	simm.s32 $0x1200;
	s31 =	simm.s32 $0x2400;
	[sflag:s16] =	ssyncset.done $0x0  }
.LBB2_6:
0xbc: {  	s1 =	sadd.s32 s30, s20  }
0xbd: {  	[sflag:s16] =	ssyncadd.s32 $0xFFFFE800;
	s24 =	smov.u32 s31;
	s0 =	sadd.s32 $0x1200, s31  }
0xbe: {  	[tilespmem:s19], [sflag:$0x3] =	stream.linear.gather [hbm4b:s1+s19], $0x1800, $0x38;
	[tilespmem:$0x1F808] =	vst v63  }
0xbf: {  	p0 =	sne.s32 s31, $0xC600;
	_ =	swait.ge [sflag:s16], $0x1800  }
0xc0: {  	[sflag:s16] =	ssyncset.done $0x0  }
0xc1: {  	s1 =	sadd.s32 s30, s28;
	[sflag:s16] =	ssyncadd.s32 $0xFFFFE800  }
0xc2: {  	[tilespmem:s17], [sflag:$0x2] =	stream.linear.gather [hbm4b:s1+s19], $0x1800, $0x38;
	[tilespmem:$0x1F808] =	vst v63  }
0xc3: {  	_ = 	snop  }
0xc4: {  	[spmem:s25] =	stream.indirect.scatter [tilespmem:s15], [sflag:$0x3], $0x1, s19, s17, $0xb8;
	[tilespmem:$0x1F808] =	vst v63  }
0xc5: {  	_ =	swait.ge [sflag:s16], $0x1800  }
0xc6: {  	[sflag:s16] =	ssyncset.done $0x0  }
0xc7: {  	s1 =	sadd.s32 s30, s26;
	[sflag:s16] =	ssyncadd.s32 $0xFFFFE800  }
0xc8: {  	[tilespmem:s19], [sflag:$0x1] =	stream.linear.gather [hbm4b:s1+s19], $0x1800, $0x38;
	[tilespmem:$0x1F808] =	vst v63  }
0xc9: {  	_ =	swait.ge [sflag:s18], $0x1800  }
0xca: {  	[sflag:s18] =	ssyncset.done $0x0  }
0xcb: {  	[sflag:s18] =	ssyncadd.s32 $0xFFFFE800  }
0xcc: {  	[spmem:s25] =	stream.indirect.scatter [tilespmem:s15], [sflag:$0x3], $0x1, s17, s17, $0xb8;
	[tilespmem:$0x1F808] =	vst v63  }
0xcd: {  	_ =	swait.ge [sflag:s16], $0x1800  }
0xce: {  	[sflag:s16] =	ssyncset.done $0x0  }
0xcf: {  	s1 =	sadd.s32 s30, s23;
	[sflag:s16] =	ssyncadd.s32 $0xFFFFE800  }
0xd0: {  	[tilespmem:s17], [sflag:$0x2] =	stream.linear.gather [hbm4b:s1+s19], $0x1800, $0x38;
	[tilespmem:$0x1F808] =	vst v63  }
0xd1: {  	_ =	swait.ge [sflag:s14], $0x1800  }
0xd2: {  	[sflag:s14] =	ssyncset.done $0x0  }
0xd3: {  	[sflag:s14] =	ssyncadd.s32 $0xFFFFE800  }
0xd4: {  	[spmem:s25] =	stream.indirect.scatter [tilespmem:s15], [sflag:$0x3], $0x1, s19, s17, $0xb8;
	[tilespmem:$0x1F808] =	vst v63  }
0xd5: {  	_ =	swait.ge [sflag:s16], $0x1800  }
0xd6: {  	[sflag:s16] =	ssyncset.done $0x0  }
0xd7: {  	s1 =	sadd.s32 s30, s22;
	[sflag:s16] =	ssyncadd.s32 $0xFFFFE800  }
0xd8: {  	[tilespmem:s19], [sflag:$0x1] =	stream.linear.gather [hbm4b:s1+s19], $0x1800, $0x38;
	[tilespmem:$0x1F808] =	vst v63  }
0xd9: {  	_ =	swait.ge [sflag:s18], $0x1800  }
0xda: {  	[sflag:s18] =	ssyncset.done $0x0  }
0xdb: {  	[sflag:s18] =	ssyncadd.s32 $0xFFFFE800  }
0xdc: {  	[spmem:s25] =	stream.indirect.scatter [tilespmem:s15], [sflag:$0x3], $0x1, s17, s17, $0xb8;
	[tilespmem:$0x1F808] =	vst v63  }
0xdd: {  	_ =	swait.ge [sflag:s16], $0x1800  }
0xde: {  	[sflag:s16] =	ssyncset.done $0x0  }
0xdf: {  	s1 =	sadd.s32 s30, s21;
	s30 =	smov.u32 s24;
	[sflag:s16] =	ssyncadd.s32 $0xFFFFE800  }
0xe0: {  	[tilespmem:s17], [sflag:$0x2] =	stream.linear.gather [hbm4b:s1+s19], $0x1800, $0x38;
	[tilespmem:$0x1F808] =	vst v63  }
0xe1: {  	_ =	swait.ge [sflag:s14], $0x1800  }
0xe2: {  	[sflag:s14] =	ssyncset.done $0x0  }
0xe3: {  	[sflag:s14] =	ssyncadd.s32 $0xFFFFE800  }
0xe4: {  	[spmem:s25] =	stream.indirect.scatter [tilespmem:s15], [sflag:$0x3], $0x1, s19, s17, $0xb8;
	[tilespmem:$0x1F808] =	vst v63  }
0xe5: {  	_ =	swait.ge [sflag:s16], $0x1800  }
0xe6: {  	[sflag:s16] =	ssyncset.done $0x0  }
0xe7: {  	[sflag:s16] =	ssyncadd.s32 $0xFFFFE800  }
0xe8: {  	_ =	swait.ge [sflag:s18], $0x1800  }
.Ltmp2:
0xe9: {  	[sflag:s18] =	ssyncset.done $0x0;
	(pc) =	sbr.rel @p0 .LBB2_6-.Ltmp2, $4  }
0xea: {  	[sflag:s18] =	ssyncadd.s32 $0xFFFFE800  }
0xeb: {  	[spmem:s25] =	stream.indirect.scatter [tilespmem:s15], [sflag:$0x3], $0x1, s17, s17, $0xb8;
	[tilespmem:$0x1F808] =	vst v63  }
0xec: {  	_ =	swait.ge [sflag:s16], $0x1800  }
0xed: {  	s31 =	smov.u32 s0;
	[sflag:s16] =	ssyncset.done $0x0  }
0xee: {  	s0 =	sadd.s32 s30, s20;
	[sflag:s16] =	ssyncadd.s32 $0xFFFFE800  }
0xef: {  	[tilespmem:s19], [sflag:$0x3] =	stream.linear.gather [hbm4b:s0+s19], $0x1800, $0x38;
	[tilespmem:$0x1F808] =	vst v63  }
0xf0: {  	_ =	swait.ge [sflag:s16], $0x1800  }
0xf1: {  	[sflag:s16] =	ssyncset.done $0x0  }
0xf2: {  	s1 =	sadd.s32 s30, s28;
	[sflag:s16] =	ssyncadd.s32 $0xFFFFE800  }
0xf3: {  	[tilespmem:s17], [sflag:$0x2] =	stream.linear.gather [hbm4b:s1+s19], $0x1800, $0x38;
	[tilespmem:$0x1F808] =	vst v63  }
0xf4: {  	_ = 	snop  }
0xf5: {  	[spmem:s25] =	stream.indirect.scatter [tilespmem:s15], [sflag:$0x3], $0x1, s19, s17, $0xb8;
	[tilespmem:$0x1F808] =	vst v63  }
0xf6: {  	_ =	swait.ge [sflag:s16], $0x1800  }
0xf7: {  	[sflag:s16] =	ssyncset.done $0x0  }
0xf8: {  	s24 =	sadd.s32 s30, s26;
	[sflag:s16] =	ssyncadd.s32 $0xFFFFE800  }
0xf9: {  	[tilespmem:s19], [sflag:$0x1] =	stream.linear.gather [hbm4b:s24+s19], $0x1800, $0x38;
	[tilespmem:$0x1F808] =	vst v63  }
0xfa: {  	_ =	swait.ge [sflag:s18], $0x1800  }
0xfb: {  	[sflag:s18] =	ssyncset.done $0x0  }
0xfc: {  	[sflag:s18] =	ssyncadd.s32 $0xFFFFE800  }
0xfd: {  	[spmem:s25] =	stream.indirect.scatter [tilespmem:s15], [sflag:$0x3], $0x1, s17, s17, $0xb8;
	[tilespmem:$0x1F808] =	vst v63  }
0xfe: {  	_ =	swait.ge [sflag:s16], $0x1800  }
0xff: {  	[sflag:s16] =	ssyncset.done $0x0  }
0x100: {  	s1 =	sadd.s32 s30, s23;
	[sflag:s16] =	ssyncadd.s32 $0xFFFFE800  }
0x101: {  	[tilespmem:s17], [sflag:$0x2] =	stream.linear.gather [hbm4b:s1+s19], $0x1800, $0x38;
	[tilespmem:$0x1F808] =	vst v63  }
0x102: {  	_ =	swait.ge [sflag:s14], $0x1800  }
0x103: {  	[sflag:s14] =	ssyncset.done $0x0  }
0x104: {  	[sflag:s14] =	ssyncadd.s32 $0xFFFFE800  }
0x105: {  	[spmem:s25] =	stream.indirect.scatter [tilespmem:s15], [sflag:$0x3], $0x1, s19, s17, $0xb8;
	[tilespmem:$0x1F808] =	vst v63  }
0x106: {  	_ =	swait.ge [sflag:s16], $0x1800  }
0x107: {  	[sflag:s16] =	ssyncset.done $0x0  }
0x108: {  	s24 =	sadd.s32 s30, s22;
	[sflag:s16] =	ssyncadd.s32 $0xFFFFE800  }
0x109: {  	[tilespmem:s19], [sflag:$0x1] =	stream.linear.gather [hbm4b:s24+s19], $0x1800, $0x38;
	[tilespmem:$0x1F808] =	vst v63  }
0x10a: {  	_ =	swait.ge [sflag:s18], $0x1800  }
0x10b: {  	[sflag:s18] =	ssyncset.done $0x0  }
0x10c: {  	[sflag:s18] =	ssyncadd.s32 $0xFFFFE800  }
0x10d: {  	[spmem:s25] =	stream.indirect.scatter [tilespmem:s15], [sflag:$0x3], $0x1, s17, s17, $0xb8;
	[tilespmem:$0x1F808] =	vst v63  }
0x10e: {  	_ =	swait.ge [sflag:s16], $0x1800  }
0x10f: {  	[sflag:s16] =	ssyncset.done $0x0  }
0x110: {  	s30 =	sadd.s32 s30, s21;
	[sflag:s16] =	ssyncadd.s32 $0xFFFFE800  }
0x111: {  	[tilespmem:s17], [sflag:$0x2] =	stream.linear.gather [hbm4b:s30+s19], $0x1800, $0x38;
	[tilespmem:$0x1F808] =	vst v63  }
0x112: {  	_ =	swait.ge [sflag:s14], $0x1800  }
0x113: {  	[sflag:s14] =	ssyncset.done $0x0  }
0x114: {  	[sflag:s14] =	ssyncadd.s32 $0xFFFFE800  }
0x115: {  	[spmem:s25] =	stream.indirect.scatter [tilespmem:s15], [sflag:$0x3], $0x1, s19, s17, $0xb8;
	[tilespmem:$0x1F808] =	vst v63  }
0x116: {  	_ =	swait.ge [sflag:s16], $0x1800  }
0x117: {  	[sflag:s16] =	ssyncset.done $0x0  }
0x118: {  	[sflag:s16] =	ssyncadd.s32 $0xFFFFE800  }
0x119: {  	_ =	swait.ge [sflag:s18], $0x1800  }
0x11a: {  	[sflag:s18] =	ssyncset.done $0x0  }
0x11b: {  	[sflag:s18] =	ssyncadd.s32 $0xFFFFE800  }
0x11c: {  	[spmem:s25] =	stream.indirect.scatter [tilespmem:s15], [sflag:$0x3], $0x1, s17, s17, $0xb8;
	[tilespmem:$0x1F808] =	vst v63  }
0x11d: {  	_ =	swait.ge [sflag:s16], $0x1800  }
0x11e: {  	[sflag:s16] =	ssyncset.done $0x0  }
0x11f: {  	s1 =	stileid.u32;
	[sflag:s16] =	ssyncadd.s32 $0xFFFFE800  }
0x120: {  	s0 =	sshll.u32 s1, $0x6;
	[bflag:$0x0] =	sbarrier.arrive $0xFFFF  }
0x121: {  	s24 =	sshrl.u32 s2, $0x3;
	s30 =	sor.u32 $0x1C03, s0;
	s1 =	rddreg [dreg:$0x4]  }
0x122: {  	[hbm:s1], [sflag:s30] =	dma.local [spmem:s24], $0x300  }
0x123: {  	_ =	swait.ge [sflag:s16], $0x300  }
0x124: {  	s31 =	smov.u32 s2;
	[sflag:s16] =	ssyncset.done $0x0;
	s2 =	rddreg [dreg:$0x16]  }
0x125: {  	s24 =	rddreg [dreg:$0x5];
	[sflag:s16] =	ssyncadd.s32 $0xFFFFFD00;
	s0 =	sshrl.u32 s2, $0x3  }
0x126: {  	[hbm:s24], [sflag:s30] =	dma.local [spmem:s0], $0x300  }
0x127: {  	_ =	swait.ge [sflag:s16], $0x300  }
0x128: {  	[sflag:s16] =	ssyncset.done $0x0;
	s2 =	rddreg [dreg:$0x17]  }
0x129: {  	s24 =	rddreg [dreg:$0x6];
	[sflag:s16] =	ssyncadd.s32 $0xFFFFFD00;
	s0 =	sshrl.u32 s2, $0x3  }
0x12a: {  	[hbm:s24], [sflag:s30] =	dma.local [spmem:s0], $0x300  }
0x12b: {  	_ =	swait.ge [sflag:s16], $0x300  }
0x12c: {  	[sflag:s16] =	ssyncset.done $0x0;
	s2 =	rddreg [dreg:$0x18]  }
0x12d: {  	s24 =	rddreg [dreg:$0x7];
	[sflag:s16] =	ssyncadd.s32 $0xFFFFFD00;
	s0 =	sshrl.u32 s2, $0x3  }
0x12e: {  	[hbm:s24], [sflag:s30] =	dma.local [spmem:s0], $0x300  }
0x12f: {  	_ =	swait.ge [sflag:s16], $0x300  }
0x130: {  	[sflag:s16] =	ssyncset.done $0x0;
	s2 =	rddreg [dreg:$0x19]  }
0x131: {  	s24 =	rddreg [dreg:$0x8];
	[sflag:s16] =	ssyncadd.s32 $0xFFFFFD00;
	s0 =	sshrl.u32 s2, $0x3  }
0x132: {  	[hbm:s24], [sflag:s30] =	dma.local [spmem:s0], $0x300  }
0x133: {  	_ =	swait.ge [sflag:s16], $0x300  }
0x134: {  	[sflag:s16] =	ssyncset.done $0x0;
	s2 =	rddreg [dreg:$0x1a]  }
0x135: {  	s24 =	rddreg [dreg:$0x9];
	[sflag:s16] =	ssyncadd.s32 $0xFFFFFD00;
	s0 =	sshrl.u32 s2, $0x3  }
0x136: {  	[hbm:s24], [sflag:s30] =	dma.local [spmem:s0], $0x300  }
0x137: {  	_ =	swait.ge [sflag:s16], $0x300  }
0x138: {  	[sflag:s16] =	ssyncset.done $0x0;
	s2 =	rddreg [dreg:$0x1b]  }
0x139: {  	s24 =	rddreg [dreg:$0xa];
	[sflag:s16] =	ssyncadd.s32 $0xFFFFFD00;
	s0 =	sshrl.u32 s2, $0x3  }
0x13a: {  	[hbm:s24], [sflag:s30] =	dma.local [spmem:s0], $0x300  }
0x13b: {  	_ =	swait.ge [sflag:s16], $0x300  }
0x13c: {  	[sflag:s16] =	ssyncset.done $0x0  }
0x13d: {  	s2 =	sshrl.u32 s3, $0x3;
	s24 =	rddreg [dreg:$0xb];
	[sflag:s16] =	ssyncadd.s32 $0xFFFFFD00  }
0x13e: {  	[hbm:s24], [sflag:s30] =	dma.local [spmem:s2], $0x300  }
0x13f: {  	_ =	swait.ge [sflag:s16], $0x300  }
0x140: {  	[sflag:s16] =	ssyncset.done $0x0  }
0x141: {  	s2 =	sshrl.u32 s4, $0x3;
	s24 =	rddreg [dreg:$0xc];
	[sflag:s16] =	ssyncadd.s32 $0xFFFFFD00  }
0x142: {  	[hbm:s24], [sflag:s30] =	dma.local [spmem:s2], $0x300  }
0x143: {  	_ =	swait.ge [sflag:s16], $0x300  }
0x144: {  	[sflag:s16] =	ssyncset.done $0x0  }
0x145: {  	s2 =	sshrl.u32 s5, $0x3;
	s24 =	rddreg [dreg:$0xd];
	[sflag:s16] =	ssyncadd.s32 $0xFFFFFD00  }
0x146: {  	[hbm:s24], [sflag:s30] =	dma.local [spmem:s2], $0x300  }
0x147: {  	_ =	swait.ge [sflag:s16], $0x300  }
0x148: {  	[sflag:s16] =	ssyncset.done $0x0  }
0x149: {  	s2 =	sshrl.u32 s6, $0x3;
	s24 =	rddreg [dreg:$0xe];
	[sflag:s16] =	ssyncadd.s32 $0xFFFFFD00  }
0x14a: {  	[hbm:s24], [sflag:s30] =	dma.local [spmem:s2], $0x300  }
0x14b: {  	_ =	swait.ge [sflag:s16], $0x300  }
0x14c: {  	[sflag:s16] =	ssyncset.done $0x0  }
0x14d: {  	s2 =	sshrl.u32 s7, $0x3;
	s24 =	rddreg [dreg:$0xf];
	[sflag:s16] =	ssyncadd.s32 $0xFFFFFD00  }
0x14e: {  	[hbm:s24], [sflag:s30] =	dma.local [spmem:s2], $0x300  }
0x14f: {  	_ =	swait.ge [sflag:s16], $0x300  }
0x150: {  	[sflag:s16] =	ssyncset.done $0x0  }
0x151: {  	s2 =	sshrl.u32 s8, $0x3;
	s24 =	rddreg [dreg:$0x10];
	[sflag:s16] =	ssyncadd.s32 $0xFFFFFD00  }
0x152: {  	[hbm:s24], [sflag:s30] =	dma.local [spmem:s2], $0x300  }
0x153: {  	_ =	swait.ge [sflag:s16], $0x300  }
0x154: {  	[sflag:s16] =	ssyncset.done $0x0  }
0x155: {  	s2 =	sshrl.u32 s9, $0x3;
	s24 =	rddreg [dreg:$0x11];
	[sflag:s16] =	ssyncadd.s32 $0xFFFFFD00  }
0x156: {  	[hbm:s24], [sflag:s30] =	dma.local [spmem:s2], $0x300  }
0x157: {  	_ =	swait.ge [sflag:s16], $0x300  }
0x158: {  	[sflag:s16] =	ssyncset.done $0x0  }
0x159: {  	s2 =	sshrl.u32 s10, $0x3;
	s24 =	rddreg [dreg:$0x12];
	[sflag:s16] =	ssyncadd.s32 $0xFFFFFD00  }
0x15a: {  	[hbm:s24], [sflag:s30] =	dma.local [spmem:s2], $0x300  }
0x15b: {  	_ =	swait.ge [sflag:s16], $0x300  }
0x15c: {  	[sflag:s16] =	ssyncset.done $0x0  }
0x15d: {  	s2 =	sshrl.u32 s11, $0x3;
	s24 =	rddreg [dreg:$0x13];
	[sflag:s16] =	ssyncadd.s32 $0xFFFFFD00  }
0x15e: {  	[hbm:s24], [sflag:s30] =	dma.local [spmem:s2], $0x300  }
0x15f: {  	_ =	swait.ge [sflag:s16], $0x300  }
0x160: {  	[sflag:s16] =	ssyncset.done $0x0  }
0x161: {  	s2 =	sshrl.u32 s12, $0x3;
	s24 =	rddreg [dreg:$0x14];
	[sflag:s16] =	ssyncadd.s32 $0xFFFFFD00  }
0x162: {  	[hbm:s24], [sflag:s30] =	dma.local [spmem:s2], $0x300  }
0x163: {  	_ =	swait.ge [sflag:s16], $0x300  }
0x164: {  	[sflag:s16] =	ssyncset.done $0x0  }
0x165: {  	s2 =	sshrl.u32 s13, $0x3;
	s24 =	rddreg [dreg:$0x15];
	[sflag:s16] =	ssyncadd.s32 $0xFFFFFD00  }
0x166: {  	[hbm:s24], [sflag:s30] =	dma.local [spmem:s2], $0x300  }
0x167: {  	_ =	swait.ge [sflag:s16], $0x300  }
0x168: {  	s29 =	sadd.s32 $0x1, s29;
	s30 =	rddreg [dreg:$0x1c]  }
0x169: {  	p0 =	sne.s32 s29, s30  }
.Ltmp3:
0x16a: {  	_ = 	snop;
	(pc) =	sbr.rel @p0 .LBB2_1-.Ltmp3, $3  }
0x16b: {  	[sflag:s16] =	ssyncset.done $0x0  }
0x16c: {  	[sflag:s16] =	ssyncadd.s32 $0xFFFFFD00  }
0x16d: {  	[bflag:$0x0] =	sbarrier.arrive $0xFFFF;
	_ =	sdelay $0x1  }
0x16e: {  	_ =	sfence.sel $0x180000  }
0x16f: {  	[bflag:$0x0] =	sbarrier.arrive $0xFFFF  }
0x170: {  	_ =	strace $0x9000004A  }
0x171: {  	s0 =	stileid.u32;
	[bflag:$0x2] =	sbarrier.arrive $0xFFFF  }
0x172: {  	p0 =	sne.s32 s0, $0x0;
	s0 =	rddreg [dreg:$0x3]  }
0x173: {  	s0 =	sadd.s32 @!p0 $0x100000, s0  }
0x174: {  	[sflag:s0] =	ssyncadd.tile.s32 @!p0 $0x1;
	_ =	shalt  }
.Lfunc_end2:
_tile_overlayer_lowered:
.L_overlay_start_2:
0x175: {  	(tag) =	ssettag $0x2  }
0x176: {  	s0 =	rddreg [dreg:$0x0];
	s2 =	stileid.u32  }
0x177: {  	s1 =	rddreg [dreg:$0x1];
	p0 =	sne.s32 s2, $0x0  }
0x178: {  	s3 =	rddreg [dreg:$0x2];
	[bflag:$0x3] =	sbarrier.arrive $0xFFFF;
	s2 =	simm.s32 @!p0 $0x1C03  }
0x179: {  	[timem:s3], [sflag:s2] =	dma.local @!p0 [hbm:s0], s1  }
0x17a: {  	s0 =	simm.s32 @!p0 $0x3  }
0x17b: {  	_ =	swait.ge @!p0 [sflag:s0], s1  }
0x17c: {  	s1 =	ssub.s32 @!p0 $0x0, s1;
	[sflag:s0] =	ssyncset.done @!p0 $0x0  }
0x17d: {  	[sflag:s0] =	ssyncadd.s32 @!p0 s1  }
0x17e: {  	[bflag:$0x3] =	sbarrier.arrive $0xFFFF  }
0x17f: {  	_ =	shalt  }

// kernel: kernel.9.cloned.1.call-start
scs
__scs_entry_jumppad:
0x0: {  	(pc) =	sbr.rel $0x88, $3  }
0x1: {  	(tag) =	ssettag $0x0;
	lr =	simm.s32 $0x1  }
0x2: {  	[smem:$0x3F9E] =	sst lr;
	_ =	strace $0xD0000000  }
0x3: {  	_ = 	snop  }
0x4: {  	_ = 	snop  }
0x5: {  	_ = 	snop  }
0x6: {  	_ = 	snop  }
0x7: {  	_ = 	snop  }
__scs_overlays_trampoline_lowered:
0x8: {  	[smem:$0x3FAD] =	sst s0  }
0x9: {  	[smem:$0x3FAE] =	sst s1  }
0xa: {  	[smem:$0x3FAF] =	sst s2  }
0xb: {  	[smem:$0x3FB0] =	sst s3  }
0xc: {  	[smem:$0x3FB1] =	sst s4  }
0xd: {  	[smem:$0x3FB2] =	sst s5  }
0xe: {  	[smem:$0x3FB3] =	sst s6  }
0xf: {  	[smem:$0x3FB4] =	sst s7  }
0x10: {  	[smem:$0x3FB5] =	sst s8  }
0x11: {  	[smem:$0x3FB6] =	sst s9;
	s0 =	simm.s32 @!p0 $0x0  }
0x12: {  	s1 =	sld [smem:$0x3F9C];
	s0 =	simm.s32 @p0 $0x1  }
0x13: {  	[smem:$0x3FB7] =	sst s0;
	s0 =	simm.s32 @!p1 $0x0  }
0x14: {  	s2 =	sld [smem:$0x3F9B];
	s0 =	simm.s32 @p1 $0x1  }
0x15: {  	[smem:$0x3FB8] =	sst s0;
	s0 =	simm.s32 @!p2 $0x0  }
0x16: {  	s3 =	sld [smem:$0x3FDB];
	s0 =	simm.s32 @p2 $0x1  }
0x17: {  	s4 =	simm.s32 $0x1BF5;
	[smem:$0x3FBA] =	sst s0  }
0x18: {  	s0 =	sld [smem:$0x3F9D];
	_ =	swait.ge [sflag:s4], $0x0  }
0x19: {  	s7 =	sld [smem:$0x3F9E]  }
0x1a: {  	s8 =	sadd.s32 $0xFFFFE003, lr  }
0x1b: {  	s9 =	sadd.s32 $0xFFFFFEF7, lr;
	s5 =	simm.s32 $0xFFFFFFFF;
	p2 =	slt.u32 s8, $0xFFFFF086  }
0x1c: {  	p1 =	slt.u32 s9, $0xF7A;
	s5 =	simm.s32 @!p2 $0x0  }
0x1d: {  	s5 =	simm.s32 @p1 $0x1;
	p0 =	seq.s32 s7, s2  }
0x1e: {  	s7 =	smul.u32 @!p0 $0xF7A, s2;
	p2 =	seq.s32 @!p0 s5, $0x0  }
0x1f: {  	s9 =	smul.u32 $0xF7A, s1;
	s8 =	simm.s32 @!p0 $0x1BF5;
	p2 =	por !p2, p0  }
0x20: {  	[sflag:s8] =	ssyncset.s32 @!p0 $0xFFFFF086;
	s6 =	sadd.s32 @!p0 s3, s7;
	s7 =	simm.s32 @!p0 $0x108  }
0x21: {  	s3 =	sadd.s32 s3, s9;
	s6 =	sadd.s32 @!p0 $0x88, s6;
	s7 =	simm.s32 @p2 $0x1082  }
0x22: {  	[simem:s7], [sflag:s8] =	dma.local @!p0 [hbm:s6], $0xF7A  }
0x23: {  	s9 =	sor.u32 $0xD0000000, s2;
	s6 =	simm.s32 $0x108;
	_ =	swait.ge @!p0 [sflag:s8], $0x0  }
0x24: {  	s3 =	sadd.s32 $0x88, s3;
	s6 =	simm.s32 @!p1 $0x1082;
	[sflag:s4] =	ssyncset.s32 $0xFFFFF086  }
0x25: {  	[simem:s6], [sflag:s4] =	dma.local [hbm:s3], $0xF7A  }
0x26: {  	[smem:$0x3F9E] =	sst s1;
	(tag) =	ssettag s2;
	_ =	strace s9  }
0x27: {  	s1 =	sld [smem:$0x3FAE]  }
0x28: {  	s2 =	sld [smem:$0x3FAF]  }
0x29: {  	s4 =	sld [smem:$0x3FB1]  }
0x2a: {  	p0 =	seq.s32 s5, $0x0;
	s5 =	sld [smem:$0x3FB2]  }
0x2b: {  	s6 =	sld [smem:$0x3FB3]  }
0x2c: {  	s7 =	sld [smem:$0x3FB4]  }
0x2d: {  	s3 =	simm.s32 $0x108;
	s8 =	sld [smem:$0x3FB5]  }
0x2e: {  	s3 =	simm.s32 @!p0 $0x1082;
	s9 =	sld [smem:$0x3FB6]  }
0x2f: {  	lr =	sadd.s32 s0, s3;
	s0 =	sld [smem:$0x3FAD]  }
0x30: {  	s3 =	sld [smem:$0x3FB0]  }
0x31: {  	[smem:$0x3FB9] =	sst s10  }
0x32: {  	s10 =	sld [smem:$0x3FB7];
	_ =	sdelay $0x3  }
0x33: {  	p0 =	seq.s32 s10, $0x1;
	s10 =	sld [smem:$0x3FB9];
	_ =	sdelay $0x3  }
0x34: {  	[smem:$0x3FB9] =	sst s10  }
0x35: {  	s10 =	sld [smem:$0x3FB8];
	_ =	sdelay $0x3  }
0x36: {  	p1 =	seq.s32 s10, $0x1;
	s10 =	sld [smem:$0x3FB9];
	_ =	sdelay $0x3  }
0x37: {  	[smem:$0x3FB9] =	sst s10  }
0x38: {  	s10 =	sld [smem:$0x3FBA]  }
0x39: {  	_ = 	snop;
	(pc) =	sbr.ind lr, $3  }
0x3a: {  	_ = 	snop  }
0x3b: {  	_ = 	snop  }
0x3c: {  	p2 =	seq.s32 s10, $0x1;
	s10 =	sld [smem:$0x3FB9]  }
0x3d: {  	_ =	shalt  }
0x3e: {  	_ =	shalt  }
0x3f: {  	_ =	shalt  }
0x40: {  	_ =	shalt  }
0x41: {  	_ =	shalt  }
0x42: {  	_ =	shalt  }
0x43: {  	_ =	shalt  }
0x44: {  	_ =	shalt  }
0x45: {  	_ =	shalt  }
0x46: {  	_ =	shalt  }
0x47: {  	_ =	shalt  }
0x48: {  	_ =	shalt  }
0x49: {  	_ =	shalt  }
0x4a: {  	_ =	shalt  }
0x4b: {  	_ =	shalt  }
0x4c: {  	_ =	shalt  }
0x4d: {  	_ =	shalt  }
0x4e: {  	_ =	shalt  }
0x4f: {  	_ =	shalt  }
0x50: {  	_ =	shalt  }
0x51: {  	_ =	shalt  }
0x52: {  	_ =	shalt  }
0x53: {  	_ =	shalt  }
0x54: {  	_ =	shalt  }
0x55: {  	_ =	shalt  }
0x56: {  	_ =	shalt  }
0x57: {  	_ =	shalt  }
0x58: {  	_ =	shalt  }
0x59: {  	_ =	shalt  }
0x5a: {  	_ =	shalt  }
0x5b: {  	_ =	shalt  }
0x5c: {  	_ =	shalt  }
0x5d: {  	_ =	shalt  }
0x5e: {  	_ =	shalt  }
0x5f: {  	_ =	shalt  }
0x60: {  	_ =	shalt  }
0x61: {  	_ =	shalt  }
0x62: {  	_ =	shalt  }
0x63: {  	_ =	shalt  }
0x64: {  	_ =	shalt  }
0x65: {  	_ =	shalt  }
0x66: {  	_ =	shalt  }
0x67: {  	_ =	shalt  }
0x68: {  	_ =	shalt  }
0x69: {  	_ =	shalt  }
0x6a: {  	_ =	shalt  }
0x6b: {  	_ =	shalt  }
0x6c: {  	_ =	shalt  }
0x6d: {  	_ =	shalt  }
0x6e: {  	_ =	shalt  }
0x6f: {  	_ =	shalt  }
0x70: {  	_ =	shalt  }
0x71: {  	_ =	shalt  }
0x72: {  	_ =	shalt  }
0x73: {  	_ =	shalt  }
0x74: {  	_ =	shalt  }
0x75: {  	_ =	shalt  }
0x76: {  	_ =	shalt  }
0x77: {  	_ =	shalt  }
0x78: {  	_ =	shalt  }
0x79: {  	_ =	shalt  }
0x7a: {  	_ =	shalt  }
0x7b: {  	_ =	shalt  }
0x7c: {  	_ =	shalt  }
0x7d: {  	_ =	shalt  }
0x7e: {  	_ =	shalt  }
0x7f: {  	_ =	shalt  }
0x80: {  	_ =	shalt  }
0x81: {  	_ =	shalt  }
0x82: {  	_ =	shalt  }
0x83: {  	_ =	shalt  }
0x84: {  	_ =	shalt  }
0x85: {  	_ =	shalt  }
0x86: {  	_ =	shalt  }
0x87: {  	_ =	shalt  }
.Lfunc_end0:
.L_simem_size_0:
called_computation.1_lowered:
.L_overlay_start_0:
0x88: {  	s2 =	sld [smem:$0x3FD9]  }
0x89: {  	s3 =	sld [smem:$0x3FFE];
	_ =	sdelay $0x1  }
0x8a: {  	s1 =	srdreg.scid  }
0x8b: {  	s0 =	sand.u32 $0x1, s1  }
0x8c: {  	s16 =	sshll.u32 s0, $0xA;
	s2 =	sadd.s32 s3, s2  }
0x8d: {  	s2 =	sadd.s32 s2, s16  }
0x8e: {  	[smem:$0x3FC5] =	sst s2  }
0x8f: {  	_ = 	snop  }
0x90: {  	(tm) =	ssettm $0x1  }
0x91: {  	s17 =	sld [smem:$0x3FFB];
	_ =	sdelay $0x3  }
0x92: {  	_ =	strace s17  }
0x93: {  	s2 =	sld [smem:$0x3FFC];
	_ =	sdelay $0x3  }
0x94: {  	_ =	strace s2  }
0x95: {  	s2 =	sld [smem:$0x3FFD];
	_ =	sdelay $0x3  }
0x96: {  	_ =	strace s2  }
0x97: {  	_ =	strace $0x8FFFFFFF  }
0x98: {  	s18 =	sld [smem:$0x3FDB];
	_ =	sdelay $0x1  }
0x99: {  	s19 =	simm.s32 $_scs_section_size  }
0x9a: {  	s4 =	simm.s32 $_size__tile_overlayer_lowered;
	s5 =	simm.s32 $_tile_overlayer_lowered  }
0x9b: {  	s22 =	simm.s32 $0x1BFF;
	s21 =	sshll.u32 s5, $0x1;
	s2 =	sadd.s32 s19, s18  }
0x9c: {  	s6 =	simm.s32 $0x0;
	s20 =	sshll.u32 s4, $0x1;
	s4 =	sadd.s32 s21, s2  }
0x9d: {  	[timem:s6], [sflag:s22] =	dma.local [hbm:s4], s20  }
0x9e: {  	_ =	swait.ge [sflag:s22], s20  }
0x9f: {  	s3 =	ssub.s32 $0x0, s20;
	[sflag:s22] =	ssyncset.done $0x0  }
0xa0: {  	[sflag:s22] =	ssyncadd.s32 s3;
	_ =	sdelay $0x1  }
0xa1: {  	s23 =	simm.s32 $0x1B8B  }
0xa2: {  	_ =	swait.ge [sflag:s23], $0x1  }
0xa3: {  	[sflag:s23] =	ssyncset.done $0x0  }
0xa4: {  	s25 =	simm.s32 $0x1B8E;
	s24 =	sld [smem:$0x3FFE];
	[sflag:s23] =	ssyncadd.s32 $0xFFFFFFFF  }
0xa5: {  	s26 =	simm.s32 $execute0_lowered;
	[smem:$0x3FD2] =	sst s25  }
0xa6: {  	s4 =	sshll.u32 s26, $0x1;
	_ =	strace $0x80000046;
	[dreg:$0x1] =	wrdreg $0xFFFFFFFF  }
0xa7: {  	s28 =	simm.s32 $_size_execute0_lowered;
	s2 =	sadd.s32 s2, s4;
	[dreg:$0x0] =	wrdreg $0x0  }
0xa8: {  	s4 =	sshll.u32 s28, $0x1;
	[dreg:$0x2] =	wrdreg s2  }
0xa9: {  	[dreg:$0x3] =	wrdreg s4  }
0xaa: {  	[dreg:$0x4] =	wrdreg $0xC0  }
0xab: {  	_ =	task [dreg:s6], $0x5FFFF  }
0xac: {  	[dreg:$0x1] =	wrdreg $0xFFFFFFFF  }
0xad: {  	[dreg:$0x0] =	wrdreg $0x60  }
0xae: {  	[dreg:$0x2] =	wrdreg s24  }
0xaf: {  	[dreg:$0x3] =	wrdreg $0x48000  }
0xb0: {  	[dreg:$0x4] =	wrdreg $0xA  }
0xb1: {  	_ =	task.clear_ibuf [dreg:s6], $0x5FFFF;
	_ =	strace $0x90000046  }
0xb2: {  	s29 =	simm.s32 $0xA;
	_ =	strace $0x80000048  }
0xb3: {  	_ =	swait.ge [sflag:s29], $0x1  }
0xb4: {  	[sflag:s29] =	ssyncadd.s32 $0xFFFFFFFF  }
0xb5: {  	_ =	strace $0x90000048  }
0xb6: {  	_ =	sfence  }
0xb7: {  	s30 =	sld [smem:$0x0];
	_ =	sdelay $0x2  }
0xb8: {  	s31 =	sshll.u32 s1, $0xD;
	s1 =	sshrl.u32 s1, $0x2  }
0xb9: {  	s3 =	sand.u32 $0x4000, s31;
	s1 =	sadd.s32 s1, s30  }
0xba: {  	s0 =	sor.u32 s3, s0;
	s1 =	sshll.u32 s1, $0x11  }
0xbb: {  	s0 =	sor.u32 s1, s0  }
0xbc: {  	s0 =	sadd.s32 $0x8F2B, s0  }
0xbd: {  	[sflag:s0] =	ssyncadd.remote.s32 $0x1  }
0xbe: {  	_ =	sfence.sel $0xFFFF  }
0xbf: {  	[dreg:$0x0] =	wrdreg $0xFFFFFFFF;
	(pc) =	sbr.abs _section_cstart, $3  }
0xc0: {  	[dreg:$0x1] =	wrdreg $0xFFFFFFFF  }
0xc1: {  	_ =	task.clear_ibuf [dreg:s6], $0x2FFFF;
	_ =	strace $0x9FFFFFFF  }
0xc2: {  	(tm) =	ssettm $0x7FFFFFFF  }
0xc3: {  	_ =	shalt  }
tec
execute0_lowered:
.L_overlay_start_1:
0x0: {  	(tag) =	ssettag $0x1  }
0x1: {  	s0 =	srdreg.scid;
	s20 =	stileid.u32  }
0x2: {  	s1 =	sand.u32 $0x1, s0;
	s0 =	smul.u32 $0x1B000, s20  }
0x3: {  	s10 =	rddreg [dreg:$0x0];
	s20 =	smul.u32 $0x6C000, s20  }
0x4: {  	s11 =	sadd.s32 $0x1B0A00, s10;
	s2 =	ssub.s32 $0x2, s1;
	s13 =	smul.u32 $0x1B0000, s1  }
0x5: {  	s12 =	smul.u32 $0x6C0000, s1;
	s3 =	sshrl.u32 s2, $0x1;
	s1 =	sadd.s32 $0x1800, s0  }
0x6: {  	s4 =	sadd.s32 $0x6000, s0;
	s5 =	sadd.s32 $0x7800, s0;
	s6 =	sadd.s32 $0x9000, s0  }
0x7: {  	s7 =	sadd.s32 $0xA800, s0;
	s8 =	sadd.s32 $0xC000, s0;
	s9 =	sadd.s32 $0xD800, s0  }
0x8: {  	s29 =	sadd.s32 $0x15000, s0;
	s2 =	ssub.s32 s2, s3;
	s3 =	sadd.s32 $0x4800, s0  }
0x9: {  	s15 =	sadd.s32 s0, s13;
	s16 =	sadd.s32 s13, s1;
	s30 =	sadd.s32 s13, s4  }
0xa: {  	s31 =	sadd.s32 s13, s5;
	[dreg:$0x1c] =	wrdreg s2;
	s2 =	sadd.s32 $0x3000, s0  }
0xb: {  	s15 =	sshrl.u32 s15, $0x3;
	s22 =	sshrl.u32 s16, $0x3;
	s26 =	sadd.s32 s13, s3  }
0xc: {  	s18 =	sshrl.u32 s30, $0x3;
	s19 =	sshrl.u32 s31, $0x3;
	s16 =	sadd.s32 $0x10800, s0  }
0xd: {  	s17 =	sadd.s32 s13, s2;
	s14 =	sadd.s32 s11, s15;
	s24 =	sadd.s32 s11, s22  }
0xe: {  	s15 =	sshrl.u32 s26, $0x3;
	s21 =	sadd.s32 s11, s18;
	[dreg:$0x3] =	wrdreg s14  }
0xf: {  	s22 =	sadd.s32 s11, s19;
	s19 =	sadd.s32 s13, s9;
	[dreg:$0x4] =	wrdreg s24  }
0x10: {  	s23 =	sshrl.u32 s17, $0x3;
	s15 =	sadd.s32 s11, s15;
	[dreg:$0x7] =	wrdreg s21  }
0x11: {  	[dreg:$0x8] =	wrdreg s22;
	s24 =	sadd.s32 s13, s7;
	s21 =	sshrl.u32 s19, $0x3  }
0x12: {  	s14 =	sadd.s32 s13, s29;
	s25 =	sadd.s32 s11, s23;
	[dreg:$0x6] =	wrdreg s15  }
0x13: {  	s23 =	sadd.s32 s13, s6;
	s30 =	sshrl.u32 s24, $0x3;
	s22 =	sadd.s32 s11, s21  }
0x14: {  	[dreg:$0x5] =	wrdreg s25;
	s15 =	sshrl.u32 s23, $0x3;
	s25 =	sadd.s32 s13, s8  }
0x15: {  	s17 =	sadd.s32 s11, s30;
	[dreg:$0xc] =	wrdreg s22;
	s26 =	sadd.s32 s11, s15  }
0x16: {  	s31 =	sshrl.u32 s25, $0x3;
	[dreg:$0xa] =	wrdreg s17;
	s15 =	sadd.s32 $0xF000, s0  }
0x17: {  	s17 =	sadd.s32 $0x12000, s0;
	s18 =	sadd.s32 s11, s31;
	s23 =	sadd.s32 s13, s15  }
0x18: {  	[dreg:$0xb] =	wrdreg s18;
	s18 =	sadd.s32 s13, s16;
	s19 =	sshrl.u32 s23, $0x3  }
0x19: {  	[dreg:$0x9] =	wrdreg s26;
	s18 =	sshrl.u32 s18, $0x3;
	s24 =	sadd.s32 s11, s19  }
0x1a: {  	s19 =	sshrl.u32 s14, $0x3;
	[dreg:$0xd] =	wrdreg s24;
	s25 =	sadd.s32 s11, s18  }
0x1b: {  	s26 =	sadd.s32 s13, s17;
	s22 =	sadd.s32 s11, s19;
	[dreg:$0xe] =	wrdreg s25  }
0x1c: {  	s18 =	sshrl.u32 s26, $0x3;
	s19 =	simm.s32 $0x0;
	[dreg:$0x11] =	wrdreg s22  }
0x1d: {  	s24 =	sadd.s32 $0x13800, s0;
	s30 =	sadd.s32 s11, s18;
	[smem:$0x7FF] =	sst s19  }
0x1e: {  	s14 =	sadd.s32 $0x19800, s0;
	s31 =	sadd.s32 s13, s24;
	[dreg:$0xf] =	wrdreg s30  }
0x1f: {  	s18 =	sshrl.u32 s31, $0x3;
	s30 =	sadd.s32 $0x16800, s0;
	s31 =	sadd.s32 $0x18000, s0  }
0x20: {  	s21 =	sadd.s32 s11, s18;
	s23 =	sadd.s32 s13, s30;
	s25 =	sadd.s32 s13, s31  }
0x21: {  	s13 =	sadd.s32 s13, s14;
	[dreg:$0x10] =	wrdreg s21;
	s18 =	sshrl.u32 s23, $0x3  }
0x22: {  	s26 =	sshrl.u32 s25, $0x3;
	s13 =	sshrl.u32 s13, $0x3;
	s18 =	sadd.s32 s11, s18  }
0x23: {  	[dreg:$0x12] =	wrdreg s18;
	s18 =	sadd.s32 s11, s26;
	s11 =	sadd.s32 s11, s13  }
0x24: {  	[dreg:$0x14] =	wrdreg s11;
	s11 =	sadd.s32 s20, s12  }
0x25: {  	s10 =	sadd.s32 $0xA00, s10;
	[dreg:$0x13] =	wrdreg s18;
	s12 =	sshrl.u32 s11, $0x3  }
0x26: {  	s13 =	sadd.s32 $0x7800, s11;
	s18 =	sadd.s32 $0x6000, s11;
	s22 =	sadd.s32 $0x4800, s11  }
0x27: {  	s26 =	sor.u32 $0x3000, s11;
	s11 =	sor.u32 $0x1800, s11;
	s20 =	sadd.s32 s12, s10  }
0x28: {  	s12 =	sshrl.u32 s13, $0x3;
	s23 =	sshrl.u32 s18, $0x3;
	s25 =	sshrl.u32 s22, $0x3  }
0x29: {  	s11 =	sshrl.u32 s11, $0x3;
	s21 =	sadd.s32 s12, s10;
	s22 =	sadd.s32 s23, s10  }
0x2a: {  	s23 =	sadd.s32 s25, s10;
	s12 =	sshrl.u32 s26, $0x3;
	s25 =	rddreg [dreg:$0x1]  }
0x2b: {  	s28 =	sadd.s32 s11, s10;
	_ =	strace $0x80000047;
	s26 =	sadd.s32 s12, s10  }
0x2c: {  	s0 =	sadd.s32 s0, s25;
	s10 =	sadd.s32 s1, s25;
	s11 =	sadd.s32 s2, s25  }
0x2d: {  	s12 =	sadd.s32 s3, s25;
	s13 =	sadd.s32 s4, s25;
	s18 =	sadd.s32 s5, s25  }
0x2e: {  	s2 =	sadd.s32 s6, s25;
	s3 =	sadd.s32 s7, s25;
	[dreg:$0x15] =	wrdreg s0  }
0x2f: {  	s4 =	sadd.s32 s8, s25;
	s5 =	sadd.s32 s9, s25;
	[dreg:$0x16] =	wrdreg s10  }
0x30: {  	s6 =	sadd.s32 s15, s25;
	s7 =	sadd.s32 s16, s25;
	[dreg:$0x17] =	wrdreg s11  }
0x31: {  	s8 =	sadd.s32 s17, s25;
	s9 =	sadd.s32 s24, s25;
	[dreg:$0x18] =	wrdreg s12  }
0x32: {  	s15 =	simm.s32 $0x3000;
	s16 =	simm.s32 $0x3;
	[dreg:$0x19] =	wrdreg s13  }
0x33: {  	s17 =	simm.s32 $0x1800;
	[dreg:$0x1a] =	wrdreg s18;
	s10 =	sadd.s32 s29, s25  }
0x34: {  	s11 =	sadd.s32 s30, s25;
	s12 =	sadd.s32 s31, s25;
	s31 =	rddreg [dreg:$0x1c]  }
0x35: {  	s13 =	sadd.s32 s14, s25;
	s18 =	simm.s32 $0x2;
	s0 =	smax.u32 s31, $0x1  }
0x36: {  	v0 =	vimm.f32 $0.0e+00;
	v1 =	vimm.f32 $1.000000000e+00;
	s14 =	simm.s32 $0x1;
	s29 =	simm.s32 $0x0;
	[dreg:$0x1b] =	wrdreg s0  }
.LBB2_1:
0x37: {  	s24 =	simm.s32 $0x40;
	s0 =	simm.s32 $0x0  }
.LBB2_2:
0x38: {  	p0 =	sne.s32 s24, $0x5FC0;
	[tilespmem:s0+$0x3000] =	vst v0;
	s0 =	smov.u32 s24;
	s24 =	sadd.s32 $0x40, s24  }
.Ltmp0:
0x39: {  	(pc) =	sbr.rel @p0 .LBB2_2-.Ltmp0, $2  }
0x3a: {  	_ =	sdelay $0x2  }
0x3b: {  	s0 =	sshra.s32 s0, $0x2  }
0x3c: {  	[tilespmem:s0+$0x3000] =	vst v0;
	s30 =	rddreg [dreg:$0x15]  }
0x3d: {  	[spmem:s30] =	stream.linear.scatter [tilespmem:s15], [sflag:$0x3], $0x1800, $0x38;
	[tilespmem:$0x1F808] =	vst v63  }
0x3e: {  	_ =	swait.ge [sflag:s16], $0x1800  }
0x3f: {  	[sflag:s16] =	ssyncset.done $0x0  }
0x40: {  	s31 =	rddreg [dreg:$0x16];
	[sflag:s16] =	ssyncadd.s32 $0xFFFFE800  }
0x41: {  	[spmem:s31] =	stream.linear.scatter [tilespmem:s15], [sflag:$0x3], $0x1800, $0x38;
	[tilespmem:$0x1F808] =	vst v63  }
0x42: {  	_ =	swait.ge [sflag:s16], $0x1800  }
0x43: {  	[sflag:s16] =	ssyncset.done $0x0  }
0x44: {  	s1 =	rddreg [dreg:$0x17];
	[sflag:s16] =	ssyncadd.s32 $0xFFFFE800  }
0x45: {  	[spmem:s1] =	stream.linear.scatter [tilespmem:s15], [sflag:$0x3], $0x1800, $0x38;
	[tilespmem:$0x1F808] =	vst v63  }
0x46: {  	_ =	swait.ge [sflag:s16], $0x1800  }
0x47: {  	[sflag:s16] =	ssyncset.done $0x0  }
0x48: {  	s24 =	rddreg [dreg:$0x18];
	[sflag:s16] =	ssyncadd.s32 $0xFFFFE800  }
0x49: {  	[spmem:s24] =	stream.linear.scatter [tilespmem:s15], [sflag:$0x3], $0x1800, $0x38;
	[tilespmem:$0x1F808] =	vst v63  }
0x4a: {  	_ =	swait.ge [sflag:s16], $0x1800  }
0x4b: {  	[sflag:s16] =	ssyncset.done $0x0  }
0x4c: {  	s30 =	rddreg [dreg:$0x19];
	[sflag:s16] =	ssyncadd.s32 $0xFFFFE800  }
0x4d: {  	[spmem:s30] =	stream.linear.scatter [tilespmem:s15], [sflag:$0x3], $0x1800, $0x38;
	[tilespmem:$0x1F808] =	vst v63  }
0x4e: {  	_ =	swait.ge [sflag:s16], $0x1800  }
0x4f: {  	[sflag:s16] =	ssyncset.done $0x0  }
0x50: {  	s31 =	rddreg [dreg:$0x1a];
	[sflag:s16] =	ssyncadd.s32 $0xFFFFE800  }
0x51: {  	[spmem:s31] =	stream.linear.scatter [tilespmem:s15], [sflag:$0x3], $0x1800, $0x38;
	[tilespmem:$0x1F808] =	vst v63  }
0x52: {  	_ =	swait.ge [sflag:s16], $0x1800  }
0x53: {  	[sflag:s16] =	ssyncset.done $0x0  }
0x54: {  	[sflag:s16] =	ssyncadd.s32 $0xFFFFE800  }
0x55: {  	[spmem:s2] =	stream.linear.scatter [tilespmem:s15], [sflag:$0x3], $0x1800, $0x38;
	[tilespmem:$0x1F808] =	vst v63  }
0x56: {  	_ =	swait.ge [sflag:s16], $0x1800  }
0x57: {  	[sflag:s16] =	ssyncset.done $0x0  }
0x58: {  	[sflag:s16] =	ssyncadd.s32 $0xFFFFE800  }
0x59: {  	[spmem:s3] =	stream.linear.scatter [tilespmem:s15], [sflag:$0x3], $0x1800, $0x38;
	[tilespmem:$0x1F808] =	vst v63  }
0x5a: {  	_ =	swait.ge [sflag:s16], $0x1800  }
0x5b: {  	[sflag:s16] =	ssyncset.done $0x0  }
0x5c: {  	[sflag:s16] =	ssyncadd.s32 $0xFFFFE800  }
0x5d: {  	[spmem:s4] =	stream.linear.scatter [tilespmem:s15], [sflag:$0x3], $0x1800, $0x38;
	[tilespmem:$0x1F808] =	vst v63  }
0x5e: {  	_ =	swait.ge [sflag:s16], $0x1800  }
0x5f: {  	[sflag:s16] =	ssyncset.done $0x0  }
0x60: {  	[sflag:s16] =	ssyncadd.s32 $0xFFFFE800  }
0x61: {  	[spmem:s5] =	stream.linear.scatter [tilespmem:s15], [sflag:$0x3], $0x1800, $0x38;
	[tilespmem:$0x1F808] =	vst v63  }
0x62: {  	_ =	swait.ge [sflag:s16], $0x1800  }
0x63: {  	[sflag:s16] =	ssyncset.done $0x0  }
0x64: {  	[sflag:s16] =	ssyncadd.s32 $0xFFFFE800  }
0x65: {  	[spmem:s6] =	stream.linear.scatter [tilespmem:s15], [sflag:$0x3], $0x1800, $0x38;
	[tilespmem:$0x1F808] =	vst v63  }
0x66: {  	_ =	swait.ge [sflag:s16], $0x1800  }
0x67: {  	[sflag:s16] =	ssyncset.done $0x0  }
0x68: {  	[sflag:s16] =	ssyncadd.s32 $0xFFFFE800  }
0x69: {  	[spmem:s7] =	stream.linear.scatter [tilespmem:s15], [sflag:$0x3], $0x1800, $0x38;
	[tilespmem:$0x1F808] =	vst v63  }
0x6a: {  	_ =	swait.ge [sflag:s16], $0x1800  }
0x6b: {  	[sflag:s16] =	ssyncset.done $0x0  }
0x6c: {  	[sflag:s16] =	ssyncadd.s32 $0xFFFFE800  }
0x6d: {  	[spmem:s8] =	stream.linear.scatter [tilespmem:s15], [sflag:$0x3], $0x1800, $0x38;
	[tilespmem:$0x1F808] =	vst v63  }
0x6e: {  	_ =	swait.ge [sflag:s16], $0x1800  }
0x6f: {  	[sflag:s16] =	ssyncset.done $0x0  }
0x70: {  	[sflag:s16] =	ssyncadd.s32 $0xFFFFE800  }
0x71: {  	[spmem:s9] =	stream.linear.scatter [tilespmem:s15], [sflag:$0x3], $0x1800, $0x38;
	[tilespmem:$0x1F808] =	vst v63  }
0x72: {  	_ =	swait.ge [sflag:s16], $0x1800  }
0x73: {  	[sflag:s16] =	ssyncset.done $0x0  }
0x74: {  	[sflag:s16] =	ssyncadd.s32 $0xFFFFE800  }
0x75: {  	[spmem:s10] =	stream.linear.scatter [tilespmem:s15], [sflag:$0x3], $0x1800, $0x38;
	[tilespmem:$0x1F808] =	vst v63  }
0x76: {  	_ =	swait.ge [sflag:s16], $0x1800  }
0x77: {  	[sflag:s16] =	ssyncset.done $0x0  }
0x78: {  	[sflag:s16] =	ssyncadd.s32 $0xFFFFE800  }
0x79: {  	[spmem:s11] =	stream.linear.scatter [tilespmem:s15], [sflag:$0x3], $0x1800, $0x38;
	[tilespmem:$0x1F808] =	vst v63  }
0x7a: {  	_ =	swait.ge [sflag:s16], $0x1800  }
0x7b: {  	[sflag:s16] =	ssyncset.done $0x0  }
0x7c: {  	[sflag:s16] =	ssyncadd.s32 $0xFFFFE800  }
0x7d: {  	[spmem:s12] =	stream.linear.scatter [tilespmem:s15], [sflag:$0x3], $0x1800, $0x38;
	[tilespmem:$0x1F808] =	vst v63  }
0x7e: {  	_ =	swait.ge [sflag:s16], $0x1800  }
0x7f: {  	[sflag:s16] =	ssyncset.done $0x0  }
0x80: {  	[sflag:s16] =	ssyncadd.s32 $0xFFFFE800  }
0x81: {  	[spmem:s13] =	stream.linear.scatter [tilespmem:s15], [sflag:$0x3], $0x1800, $0x38;
	[tilespmem:$0x1F808] =	vst v63  }
0x82: {  	_ =	swait.ge [sflag:s16], $0x1800  }
0x83: {  	[sflag:s16] =	ssyncset.done $0x0  }
0x84: {  	[sflag:s16] =	ssyncadd.s32 $0xFFFFE800  }
0x85: {  	s0 =	simm.s32 $0x0;
	s24 =	simm.s32 $0x40;
	[bflag:$0x0] =	sbarrier.arrive $0xFFFF  }
.LBB2_4:
0x86: {  	p0 =	sne.s32 s24, $0x5FC0;
	[tilespmem:s0+$0x3000] =	vst v1;
	s0 =	smov.u32 s24;
	s24 =	sadd.s32 $0x40, s24  }
.Ltmp1:
0x87: {  	(pc) =	sbr.rel @p0 .LBB2_4-.Ltmp1, $2  }
0x88: {  	_ =	sdelay $0x2  }
0x89: {  	s0 =	sshra.s32 s0, $0x2  }
0x8a: {  	[tilespmem:s0+$0x3000] =	vst v1;
	s1 =	sadd.s32 $0x0, s20  }
0x8b: {  	[tilespmem:s19], [sflag:$0x3] =	stream.linear.gather [hbm4b:s1+s19], $0x1800, $0x38;
	[tilespmem:$0x1F808] =	vst v63  }
0x8c: {  	_ =	swait.ge [sflag:s16], $0x1800  }
0x8d: {  	[sflag:s16] =	ssyncset.done $0x0  }
0x8e: {  	s24 =	sadd.s32 $0x0, s28;
	[sflag:s16] =	ssyncadd.s32 $0xFFFFE800  }
0x8f: {  	[tilespmem:s17], [sflag:$0x2] =	stream.linear.gather [hbm4b:s24+s19], $0x1800, $0x38;
	[tilespmem:$0x1F808] =	vst v63  }
0x90: {  	_ = 	snop  }
0x91: {  	[spmem:s25] =	stream.indirect.scatter [tilespmem:s15], [sflag:$0x3], $0x1, s19, s17, $0xb8;
	[tilespmem:$0x1F808] =	vst v63  }
0x92: {  	_ =	swait.ge [sflag:s16], $0x1800  }
0x93: {  	[sflag:s16] =	ssyncset.done $0x0  }
0x94: {  	s1 =	sadd.s32 $0x0, s26;
	[sflag:s16] =	ssyncadd.s32 $0xFFFFE800  }
0x95: {  	[tilespmem:s19], [sflag:$0x1] =	stream.linear.gather [hbm4b:s1+s19], $0x1800, $0x38;
	[tilespmem:$0x1F808] =	vst v63  }
0x96: {  	_ =	swait.ge [sflag:s18], $0x1800  }
0x97: {  	[sflag:s18] =	ssyncset.done $0x0  }
0x98: {  	[sflag:s18] =	ssyncadd.s32 $0xFFFFE800  }
0x99: {  	[spmem:s25] =	stream.indirect.scatter [tilespmem:s15], [sflag:$0x3], $0x1, s17, s17, $0xb8;
	[tilespmem:$0x1F808] =	vst v63  }
0x9a: {  	_ =	swait.ge [sflag:s16], $0x1800  }
0x9b: {  	[sflag:s16] =	ssyncset.done $0x0  }
0x9c: {  	s24 =	sadd.s32 $0x0, s23;
	[sflag:s16] =	ssyncadd.s32 $0xFFFFE800  }
0x9d: {  	[tilespmem:s17], [sflag:$0x2] =	stream.linear.gather [hbm4b:s24+s19], $0x1800, $0x38;
	[tilespmem:$0x1F808] =	vst v63  }
0x9e: {  	_ =	swait.ge [sflag:s14], $0x1800  }
0x9f: {  	[sflag:s14] =	ssyncset.done $0x0  }
0xa0: {  	[sflag:s14] =	ssyncadd.s32 $0xFFFFE800  }
0xa1: {  	[spmem:s25] =	stream.indirect.scatter [tilespmem:s15], [sflag:$0x3], $0x1, s19, s17, $0xb8;
	[tilespmem:$0x1F808] =	vst v63  }
0xa2: {  	_ =	swait.ge [sflag:s16], $0x1800  }
0xa3: {  	[sflag:s16] =	ssyncset.done $0x0  }
0xa4: {  	s1 =	sadd.s32 $0x0, s22;
	[sflag:s16] =	ssyncadd.s32 $0xFFFFE800  }
0xa5: {  	[tilespmem:s19], [sflag:$0x1] =	stream.linear.gather [hbm4b:s1+s19], $0x1800, $0x38;
	[tilespmem:$0x1F808] =	vst v63  }
0xa6: {  	_ =	swait.ge [sflag:s18], $0x1800  }
0xa7: {  	[sflag:s18] =	ssyncset.done $0x0  }
0xa8: {  	[sflag:s18] =	ssyncadd.s32 $0xFFFFE800  }
0xa9: {  	[spmem:s25] =	stream.indirect.scatter [tilespmem:s15], [sflag:$0x3], $0x1, s17, s17, $0xb8;
	[tilespmem:$0x1F808] =	vst v63  }
0xaa: {  	_ =	swait.ge [sflag:s16], $0x1800  }
0xab: {  	[sflag:s16] =	ssyncset.done $0x0  }
0xac: {  	s24 =	sadd.s32 $0x0, s21;
	[sflag:s16] =	ssyncadd.s32 $0xFFFFE800  }
0xad: {  	[tilespmem:s17], [sflag:$0x2] =	stream.linear.gather [hbm4b:s24+s19], $0x1800, $0x38;
	[tilespmem:$0x1F808] =	vst v63  }
0xae: {  	_ =	swait.ge [sflag:s14], $0x1800  }
0xaf: {  	[sflag:s14] =	ssyncset.done $0x0  }
0xb0: {  	[sflag:s14] =	ssyncadd.s32 $0xFFFFE800  }
0xb1: {  	[spmem:s25] =	stream.indirect.scatter [tilespmem:s15], [sflag:$0x3], $0x1, s19, s17, $0xb8;
	[tilespmem:$0x1F808] =	vst v63  }
0xb2: {  	_ =	swait.ge [sflag:s16], $0x1800  }
0xb3: {  	[sflag:s16] =	ssyncset.done $0x0  }
0xb4: {  	[sflag:s16] =	ssyncadd.s32 $0xFFFFE800  }
0xb5: {  	_ =	swait.ge [sflag:s18], $0x1800  }
0xb6: {  	[sflag:s18] =	ssyncset.done $0x0  }
0xb7: {  	[sflag:s18] =	ssyncadd.s32 $0xFFFFE800  }
0xb8: {  	[spmem:s25] =	stream.indirect.scatter [tilespmem:s15], [sflag:$0x3], $0x1, s17, s17, $0xb8;
	[tilespmem:$0x1F808] =	vst v63  }
0xb9: {  	_ =	swait.ge [sflag:s16], $0x1800  }
0xba: {  	s30 =	simm.s32 $0x1200;
	s31 =	simm.s32 $0x2400;
	[sflag:s16] =	ssyncset.done $0x0  }
.LBB2_6:
0xbb: {  	s1 =	sadd.s32 s30, s20  }
0xbc: {  	[sflag:s16] =	ssyncadd.s32 $0xFFFFE800;
	s24 =	smov.u32 s31;
	s0 =	sadd.s32 $0x1200, s31  }
0xbd: {  	[tilespmem:s19], [sflag:$0x3] =	stream.linear.gather [hbm4b:s1+s19], $0x1800, $0x38;
	[tilespmem:$0x1F808] =	vst v63  }
0xbe: {  	p0 =	sne.s32 s31, $0xC600;
	_ =	swait.ge [sflag:s16], $0x1800  }
0xbf: {  	[sflag:s16] =	ssyncset.done $0x0  }
0xc0: {  	s1 =	sadd.s32 s30, s28;
	[sflag:s16] =	ssyncadd.s32 $0xFFFFE800  }
0xc1: {  	[tilespmem:s17], [sflag:$0x2] =	stream.linear.gather [hbm4b:s1+s19], $0x1800, $0x38;
	[tilespmem:$0x1F808] =	vst v63  }
0xc2: {  	_ = 	snop  }
0xc3: {  	[spmem:s25] =	stream.indirect.scatter [tilespmem:s15], [sflag:$0x3], $0x1, s19, s17, $0xb8;
	[tilespmem:$0x1F808] =	vst v63  }
0xc4: {  	_ =	swait.ge [sflag:s16], $0x1800  }
0xc5: {  	[sflag:s16] =	ssyncset.done $0x0  }
0xc6: {  	s1 =	sadd.s32 s30, s26;
	[sflag:s16] =	ssyncadd.s32 $0xFFFFE800  }
0xc7: {  	[tilespmem:s19], [sflag:$0x1] =	stream.linear.gather [hbm4b:s1+s19], $0x1800, $0x38;
	[tilespmem:$0x1F808] =	vst v63  }
0xc8: {  	_ =	swait.ge [sflag:s18], $0x1800  }
0xc9: {  	[sflag:s18] =	ssyncset.done $0x0  }
0xca: {  	[sflag:s18] =	ssyncadd.s32 $0xFFFFE800  }
0xcb: {  	[spmem:s25] =	stream.indirect.scatter [tilespmem:s15], [sflag:$0x3], $0x1, s17, s17, $0xb8;
	[tilespmem:$0x1F808] =	vst v63  }
0xcc: {  	_ =	swait.ge [sflag:s16], $0x1800  }
0xcd: {  	[sflag:s16] =	ssyncset.done $0x0  }
0xce: {  	s1 =	sadd.s32 s30, s23;
	[sflag:s16] =	ssyncadd.s32 $0xFFFFE800  }
0xcf: {  	[tilespmem:s17], [sflag:$0x2] =	stream.linear.gather [hbm4b:s1+s19], $0x1800, $0x38;
	[tilespmem:$0x1F808] =	vst v63  }
0xd0: {  	_ =	swait.ge [sflag:s14], $0x1800  }
0xd1: {  	[sflag:s14] =	ssyncset.done $0x0  }
0xd2: {  	[sflag:s14] =	ssyncadd.s32 $0xFFFFE800  }
0xd3: {  	[spmem:s25] =	stream.indirect.scatter [tilespmem:s15], [sflag:$0x3], $0x1, s19, s17, $0xb8;
	[tilespmem:$0x1F808] =	vst v63  }
0xd4: {  	_ =	swait.ge [sflag:s16], $0x1800  }
0xd5: {  	[sflag:s16] =	ssyncset.done $0x0  }
0xd6: {  	s1 =	sadd.s32 s30, s22;
	[sflag:s16] =	ssyncadd.s32 $0xFFFFE800  }
0xd7: {  	[tilespmem:s19], [sflag:$0x1] =	stream.linear.gather [hbm4b:s1+s19], $0x1800, $0x38;
	[tilespmem:$0x1F808] =	vst v63  }
0xd8: {  	_ =	swait.ge [sflag:s18], $0x1800  }
0xd9: {  	[sflag:s18] =	ssyncset.done $0x0  }
0xda: {  	[sflag:s18] =	ssyncadd.s32 $0xFFFFE800  }
0xdb: {  	[spmem:s25] =	stream.indirect.scatter [tilespmem:s15], [sflag:$0x3], $0x1, s17, s17, $0xb8;
	[tilespmem:$0x1F808] =	vst v63  }
0xdc: {  	_ =	swait.ge [sflag:s16], $0x1800  }
0xdd: {  	[sflag:s16] =	ssyncset.done $0x0  }
0xde: {  	s1 =	sadd.s32 s30, s21;
	s30 =	smov.u32 s24;
	[sflag:s16] =	ssyncadd.s32 $0xFFFFE800  }
0xdf: {  	[tilespmem:s17], [sflag:$0x2] =	stream.linear.gather [hbm4b:s1+s19], $0x1800, $0x38;
	[tilespmem:$0x1F808] =	vst v63  }
0xe0: {  	_ =	swait.ge [sflag:s14], $0x1800  }
0xe1: {  	[sflag:s14] =	ssyncset.done $0x0  }
0xe2: {  	[sflag:s14] =	ssyncadd.s32 $0xFFFFE800  }
0xe3: {  	[spmem:s25] =	stream.indirect.scatter [tilespmem:s15], [sflag:$0x3], $0x1, s19, s17, $0xb8;
	[tilespmem:$0x1F808] =	vst v63  }
0xe4: {  	_ =	swait.ge [sflag:s16], $0x1800  }
0xe5: {  	[sflag:s16] =	ssyncset.done $0x0  }
0xe6: {  	[sflag:s16] =	ssyncadd.s32 $0xFFFFE800  }
0xe7: {  	_ =	swait.ge [sflag:s18], $0x1800  }
.Ltmp2:
0xe8: {  	[sflag:s18] =	ssyncset.done $0x0;
	(pc) =	sbr.rel @p0 .LBB2_6-.Ltmp2, $4  }
0xe9: {  	[sflag:s18] =	ssyncadd.s32 $0xFFFFE800  }
0xea: {  	[spmem:s25] =	stream.indirect.scatter [tilespmem:s15], [sflag:$0x3], $0x1, s17, s17, $0xb8;
	[tilespmem:$0x1F808] =	vst v63  }
0xeb: {  	_ =	swait.ge [sflag:s16], $0x1800  }
0xec: {  	s31 =	smov.u32 s0;
	[sflag:s16] =	ssyncset.done $0x0  }
0xed: {  	s0 =	sadd.s32 s30, s20;
	[sflag:s16] =	ssyncadd.s32 $0xFFFFE800  }
0xee: {  	[tilespmem:s19], [sflag:$0x3] =	stream.linear.gather [hbm4b:s0+s19], $0x1800, $0x38;
	[tilespmem:$0x1F808] =	vst v63  }
0xef: {  	_ =	swait.ge [sflag:s16], $0x1800  }
0xf0: {  	[sflag:s16] =	ssyncset.done $0x0  }
0xf1: {  	s24 =	sadd.s32 s30, s28;
	[sflag:s16] =	ssyncadd.s32 $0xFFFFE800  }
0xf2: {  	[tilespmem:s17], [sflag:$0x2] =	stream.linear.gather [hbm4b:s24+s19], $0x1800, $0x38;
	[tilespmem:$0x1F808] =	vst v63  }
0xf3: {  	_ = 	snop  }
0xf4: {  	[spmem:s25] =	stream.indirect.scatter [tilespmem:s15], [sflag:$0x3], $0x1, s19, s17, $0xb8;
	[tilespmem:$0x1F808] =	vst v63  }
0xf5: {  	_ =	swait.ge [sflag:s16], $0x1800  }
0xf6: {  	[sflag:s16] =	ssyncset.done $0x0  }
0xf7: {  	s31 =	sadd.s32 s30, s26;
	[sflag:s16] =	ssyncadd.s32 $0xFFFFE800  }
0xf8: {  	[tilespmem:s19], [sflag:$0x1] =	stream.linear.gather [hbm4b:s31+s19], $0x1800, $0x38;
	[tilespmem:$0x1F808] =	vst v63  }
0xf9: {  	_ =	swait.ge [sflag:s18], $0x1800  }
0xfa: {  	[sflag:s18] =	ssyncset.done $0x0  }
0xfb: {  	[sflag:s18] =	ssyncadd.s32 $0xFFFFE800  }
0xfc: {  	[spmem:s25] =	stream.indirect.scatter [tilespmem:s15], [sflag:$0x3], $0x1, s17, s17, $0xb8;
	[tilespmem:$0x1F808] =	vst v63  }
0xfd: {  	_ =	swait.ge [sflag:s16], $0x1800  }
0xfe: {  	[sflag:s16] =	ssyncset.done $0x0  }
0xff: {  	s1 =	sadd.s32 s30, s23;
	[sflag:s16] =	ssyncadd.s32 $0xFFFFE800  }
0x100: {  	[tilespmem:s17], [sflag:$0x2] =	stream.linear.gather [hbm4b:s1+s19], $0x1800, $0x38;
	[tilespmem:$0x1F808] =	vst v63  }
0x101: {  	_ =	swait.ge [sflag:s14], $0x1800  }
0x102: {  	[sflag:s14] =	ssyncset.done $0x0  }
0x103: {  	[sflag:s14] =	ssyncadd.s32 $0xFFFFE800  }
0x104: {  	[spmem:s25] =	stream.indirect.scatter [tilespmem:s15], [sflag:$0x3], $0x1, s19, s17, $0xb8;
	[tilespmem:$0x1F808] =	vst v63  }
0x105: {  	_ =	swait.ge [sflag:s16], $0x1800  }
0x106: {  	[sflag:s16] =	ssyncset.done $0x0  }
0x107: {  	s24 =	sadd.s32 s30, s22;
	[sflag:s16] =	ssyncadd.s32 $0xFFFFE800  }
0x108: {  	[tilespmem:s19], [sflag:$0x1] =	stream.linear.gather [hbm4b:s24+s19], $0x1800, $0x38;
	[tilespmem:$0x1F808] =	vst v63  }
0x109: {  	_ =	swait.ge [sflag:s18], $0x1800  }
0x10a: {  	[sflag:s18] =	ssyncset.done $0x0  }
0x10b: {  	[sflag:s18] =	ssyncadd.s32 $0xFFFFE800  }
0x10c: {  	[spmem:s25] =	stream.indirect.scatter [tilespmem:s15], [sflag:$0x3], $0x1, s17, s17, $0xb8;
	[tilespmem:$0x1F808] =	vst v63  }
0x10d: {  	_ =	swait.ge [sflag:s16], $0x1800  }
0x10e: {  	[sflag:s16] =	ssyncset.done $0x0  }
0x10f: {  	s30 =	sadd.s32 s30, s21;
	[sflag:s16] =	ssyncadd.s32 $0xFFFFE800  }
0x110: {  	[tilespmem:s17], [sflag:$0x2] =	stream.linear.gather [hbm4b:s30+s19], $0x1800, $0x38;
	[tilespmem:$0x1F808] =	vst v63  }
0x111: {  	_ =	swait.ge [sflag:s14], $0x1800  }
0x112: {  	[sflag:s14] =	ssyncset.done $0x0  }
0x113: {  	[sflag:s14] =	ssyncadd.s32 $0xFFFFE800  }
0x114: {  	[spmem:s25] =	stream.indirect.scatter [tilespmem:s15], [sflag:$0x3], $0x1, s19, s17, $0xb8;
	[tilespmem:$0x1F808] =	vst v63  }
0x115: {  	_ =	swait.ge [sflag:s16], $0x1800  }
0x116: {  	[sflag:s16] =	ssyncset.done $0x0  }
0x117: {  	[sflag:s16] =	ssyncadd.s32 $0xFFFFE800  }
0x118: {  	_ =	swait.ge [sflag:s18], $0x1800  }
0x119: {  	[sflag:s18] =	ssyncset.done $0x0  }
0x11a: {  	[sflag:s18] =	ssyncadd.s32 $0xFFFFE800  }
0x11b: {  	[spmem:s25] =	stream.indirect.scatter [tilespmem:s15], [sflag:$0x3], $0x1, s17, s17, $0xb8;
	[tilespmem:$0x1F808] =	vst v63  }
0x11c: {  	_ =	swait.ge [sflag:s16], $0x1800  }
0x11d: {  	[sflag:s16] =	ssyncset.done $0x0  }
0x11e: {  	[sflag:s16] =	ssyncadd.s32 $0xFFFFE800  }
0x11f: {  	s31 =	stileid.u32;
	[bflag:$0x0] =	sbarrier.arrive $0xFFFF  }
0x120: {  	s0 =	sshll.u32 s31, $0x6;
	s1 =	rddreg [dreg:$0x15]  }
0x121: {  	s30 =	sor.u32 $0x1C03, s0;
	s0 =	sshrl.u32 s1, $0x3;
	s1 =	rddreg [dreg:$0x3]  }
0x122: {  	[hbm:s1], [sflag:s30] =	dma.local [spmem:s0], $0x300  }
0x123: {  	_ =	swait.ge [sflag:s16], $0x300  }
0x124: {  	[sflag:s16] =	ssyncset.done $0x0;
	s24 =	rddreg [dreg:$0x16]  }
0x125: {  	s31 =	rddreg [dreg:$0x4];
	[sflag:s16] =	ssyncadd.s32 $0xFFFFFD00;
	s0 =	sshrl.u32 s24, $0x3  }
0x126: {  	[hbm:s31], [sflag:s30] =	dma.local [spmem:s0], $0x300  }
0x127: {  	_ =	swait.ge [sflag:s16], $0x300  }
0x128: {  	[sflag:s16] =	ssyncset.done $0x0;
	s24 =	rddreg [dreg:$0x17]  }
0x129: {  	s31 =	rddreg [dreg:$0x5];
	[sflag:s16] =	ssyncadd.s32 $0xFFFFFD00;
	s0 =	sshrl.u32 s24, $0x3  }
0x12a: {  	[hbm:s31], [sflag:s30] =	dma.local [spmem:s0], $0x300  }
0x12b: {  	_ =	swait.ge [sflag:s16], $0x300  }
0x12c: {  	[sflag:s16] =	ssyncset.done $0x0;
	s24 =	rddreg [dreg:$0x18]  }
0x12d: {  	s31 =	rddreg [dreg:$0x6];
	[sflag:s16] =	ssyncadd.s32 $0xFFFFFD00;
	s0 =	sshrl.u32 s24, $0x3  }
0x12e: {  	[hbm:s31], [sflag:s30] =	dma.local [spmem:s0], $0x300  }
0x12f: {  	_ =	swait.ge [sflag:s16], $0x300  }
0x130: {  	[sflag:s16] =	ssyncset.done $0x0;
	s24 =	rddreg [dreg:$0x19]  }
0x131: {  	s31 =	rddreg [dreg:$0x7];
	[sflag:s16] =	ssyncadd.s32 $0xFFFFFD00;
	s0 =	sshrl.u32 s24, $0x3  }
0x132: {  	[hbm:s31], [sflag:s30] =	dma.local [spmem:s0], $0x300  }
0x133: {  	_ =	swait.ge [sflag:s16], $0x300  }
0x134: {  	[sflag:s16] =	ssyncset.done $0x0;
	s24 =	rddreg [dreg:$0x1a]  }
0x135: {  	s31 =	rddreg [dreg:$0x8];
	[sflag:s16] =	ssyncadd.s32 $0xFFFFFD00;
	s0 =	sshrl.u32 s24, $0x3  }
0x136: {  	[hbm:s31], [sflag:s30] =	dma.local [spmem:s0], $0x300  }
0x137: {  	_ =	swait.ge [sflag:s16], $0x300  }
0x138: {  	[sflag:s16] =	ssyncset.done $0x0  }
0x139: {  	s24 =	sshrl.u32 s2, $0x3;
	s31 =	rddreg [dreg:$0x9];
	[sflag:s16] =	ssyncadd.s32 $0xFFFFFD00  }
0x13a: {  	[hbm:s31], [sflag:s30] =	dma.local [spmem:s24], $0x300  }
0x13b: {  	_ =	swait.ge [sflag:s16], $0x300  }
0x13c: {  	[sflag:s16] =	ssyncset.done $0x0  }
0x13d: {  	s24 =	sshrl.u32 s3, $0x3;
	s31 =	rddreg [dreg:$0xa];
	[sflag:s16] =	ssyncadd.s32 $0xFFFFFD00  }
0x13e: {  	[hbm:s31], [sflag:s30] =	dma.local [spmem:s24], $0x300  }
0x13f: {  	_ =	swait.ge [sflag:s16], $0x300  }
0x140: {  	[sflag:s16] =	ssyncset.done $0x0  }
0x141: {  	s24 =	sshrl.u32 s4, $0x3;
	s31 =	rddreg [dreg:$0xb];
	[sflag:s16] =	ssyncadd.s32 $0xFFFFFD00  }
0x142: {  	[hbm:s31], [sflag:s30] =	dma.local [spmem:s24], $0x300  }
0x143: {  	_ =	swait.ge [sflag:s16], $0x300  }
0x144: {  	[sflag:s16] =	ssyncset.done $0x0  }
0x145: {  	s24 =	sshrl.u32 s5, $0x3;
	s31 =	rddreg [dreg:$0xc];
	[sflag:s16] =	ssyncadd.s32 $0xFFFFFD00  }
0x146: {  	[hbm:s31], [sflag:s30] =	dma.local [spmem:s24], $0x300  }
0x147: {  	_ =	swait.ge [sflag:s16], $0x300  }
0x148: {  	[sflag:s16] =	ssyncset.done $0x0  }
0x149: {  	s24 =	sshrl.u32 s6, $0x3;
	s31 =	rddreg [dreg:$0xd];
	[sflag:s16] =	ssyncadd.s32 $0xFFFFFD00  }
0x14a: {  	[hbm:s31], [sflag:s30] =	dma.local [spmem:s24], $0x300  }
0x14b: {  	_ =	swait.ge [sflag:s16], $0x300  }
0x14c: {  	[sflag:s16] =	ssyncset.done $0x0  }
0x14d: {  	s24 =	sshrl.u32 s7, $0x3;
	s31 =	rddreg [dreg:$0xe];
	[sflag:s16] =	ssyncadd.s32 $0xFFFFFD00  }
0x14e: {  	[hbm:s31], [sflag:s30] =	dma.local [spmem:s24], $0x300  }
0x14f: {  	_ =	swait.ge [sflag:s16], $0x300  }
0x150: {  	[sflag:s16] =	ssyncset.done $0x0  }
0x151: {  	s24 =	sshrl.u32 s8, $0x3;
	s31 =	rddreg [dreg:$0xf];
	[sflag:s16] =	ssyncadd.s32 $0xFFFFFD00  }
0x152: {  	[hbm:s31], [sflag:s30] =	dma.local [spmem:s24], $0x300  }
0x153: {  	_ =	swait.ge [sflag:s16], $0x300  }
0x154: {  	[sflag:s16] =	ssyncset.done $0x0  }
0x155: {  	s24 =	sshrl.u32 s9, $0x3;
	s31 =	rddreg [dreg:$0x10];
	[sflag:s16] =	ssyncadd.s32 $0xFFFFFD00  }
0x156: {  	[hbm:s31], [sflag:s30] =	dma.local [spmem:s24], $0x300  }
0x157: {  	_ =	swait.ge [sflag:s16], $0x300  }
0x158: {  	[sflag:s16] =	ssyncset.done $0x0  }
0x159: {  	s24 =	sshrl.u32 s10, $0x3;
	s31 =	rddreg [dreg:$0x11];
	[sflag:s16] =	ssyncadd.s32 $0xFFFFFD00  }
0x15a: {  	[hbm:s31], [sflag:s30] =	dma.local [spmem:s24], $0x300  }
0x15b: {  	_ =	swait.ge [sflag:s16], $0x300  }
0x15c: {  	[sflag:s16] =	ssyncset.done $0x0  }
0x15d: {  	s24 =	sshrl.u32 s11, $0x3;
	s31 =	rddreg [dreg:$0x12];
	[sflag:s16] =	ssyncadd.s32 $0xFFFFFD00  }
0x15e: {  	[hbm:s31], [sflag:s30] =	dma.local [spmem:s24], $0x300  }
0x15f: {  	_ =	swait.ge [sflag:s16], $0x300  }
0x160: {  	[sflag:s16] =	ssyncset.done $0x0  }
0x161: {  	s24 =	sshrl.u32 s12, $0x3;
	s31 =	rddreg [dreg:$0x13];
	[sflag:s16] =	ssyncadd.s32 $0xFFFFFD00  }
0x162: {  	[hbm:s31], [sflag:s30] =	dma.local [spmem:s24], $0x300  }
0x163: {  	_ =	swait.ge [sflag:s16], $0x300  }
0x164: {  	[sflag:s16] =	ssyncset.done $0x0  }
0x165: {  	s1 =	sshrl.u32 s13, $0x3;
	s24 =	rddreg [dreg:$0x14];
	[sflag:s16] =	ssyncadd.s32 $0xFFFFFD00  }
0x166: {  	[hbm:s24], [sflag:s30] =	dma.local [spmem:s1], $0x300  }
0x167: {  	_ =	swait.ge [sflag:s16], $0x300  }
0x168: {  	s29 =	sadd.s32 $0x1, s29;
	s31 =	rddreg [dreg:$0x1b]  }
0x169: {  	p0 =	sne.s32 s29, s31  }
.Ltmp3:
0x16a: {  	_ = 	snop;
	(pc) =	sbr.rel @p0 .LBB2_1-.Ltmp3, $3  }
0x16b: {  	[sflag:s16] =	ssyncset.done $0x0  }
0x16c: {  	[sflag:s16] =	ssyncadd.s32 $0xFFFFFD00  }
0x16d: {  	[bflag:$0x0] =	sbarrier.arrive $0xFFFF;
	_ =	sdelay $0x1  }
0x16e: {  	_ =	sfence.sel $0x180000  }
0x16f: {  	[bflag:$0x0] =	sbarrier.arrive $0xFFFF  }
0x170: {  	_ =	strace $0x90000047  }
0x171: {  	s0 =	stileid.u32;
	[bflag:$0x2] =	sbarrier.arrive $0xFFFF  }
0x172: {  	p0 =	sne.s32 s0, $0x0;
	s0 =	rddreg [dreg:$0x2]  }
0x173: {  	s0 =	sadd.s32 @!p0 $0x100000, s0  }
0x174: {  	[sflag:s0] =	ssyncadd.tile.s32 @!p0 $0x1;
	_ =	shalt  }
.Lfunc_end2:
_tile_overlayer_lowered:
.L_overlay_start_2:
0x175: {  	(tag) =	ssettag $0x2  }
0x176: {  	s0 =	rddreg [dreg:$0x0];
	s2 =	stileid.u32  }
0x177: {  	s1 =	rddreg [dreg:$0x1];
	p0 =	sne.s32 s2, $0x0  }
0x178: {  	s3 =	rddreg [dreg:$0x2];
	[bflag:$0x3] =	sbarrier.arrive $0xFFFF;
	s2 =	simm.s32 @!p0 $0x1C03  }
0x179: {  	[timem:s3], [sflag:s2] =	dma.local @!p0 [hbm:s0], s1  }
0x17a: {  	s0 =	simm.s32 @!p0 $0x3  }
0x17b: {  	_ =	swait.ge @!p0 [sflag:s0], s1  }
0x17c: {  	s1 =	ssub.s32 @!p0 $0x0, s1;
	[sflag:s0] =	ssyncset.done @!p0 $0x0  }
0x17d: {  	[sflag:s0] =	ssyncadd.s32 @!p0 s1  }
0x17e: {  	[bflag:$0x3] =	sbarrier.arrive $0xFFFF  }
0x17f: {  	_ =	shalt  }

</sc_bundles>
